<compile_context>
chip_gen: v7x
topology: tpu7x:2x2x1
jax: 0.10.2.dev20260603
libtpu: 0.0.44.dev20260713+nightly
codegen_flags: <defaults>
</compile_context>

<pallas_src>
import functools

import jax
import jax.numpy as jnp
from jax import lax
from jax.experimental import pallas as pl
from jax.experimental.pallas import tpu as pltpu
from jax.experimental.pallas import tpu_sc as plsc

IN_DIM = 2048
HID = 1024
E = 8
NC = 2
GATE_H = 256
TOKENS = 4096
ASSIGN = 2 * TOKENS
BLK = 512
NBLK = ASSIGN // BLK + E
CAP = NBLK * BLK
PAD = CAP - ASSIGN
NW = 32


def _gelu(v):
    return v * 0.5 * (1.0 + lax.erf(v * 0.7071067811865476))


_RB = 1024
_RTB = TOKENS // _RB


def _route_kernel(x_ref, Wg1_ref, bg1_ref, Wg2_ref, bg2_ref,
                  w0_ref, w1_ref, p0_ref, p1_ref, be_ref, xpk_ref,
                  carry_ref, e0_s, e1_s, sel0_s, sel1_s):
    tb = pl.program_id(0)

    @pl.when(tb < _RTB)
    def _main():
        x = x_ref[...]

        u = lax.bitcast_convert_type(x, jnp.int32)
        top_mask = jnp.int32(-65536)

        def _rbf(v):
            return (v + 0x7FFF
                    + (lax.shift_right_logical(v, 16) & 1)) & top_mask

        xpk_ref[...] = lax.shift_right_logical(_rbf(u[:, :IN_DIM // 2]), 16) \
            | _rbf(u[:, IN_DIM // 2:])

        g = _gelu(jnp.dot(x, Wg1_ref[...], preferred_element_type=jnp.float32)
                  + bg1_ref[...])
        gl = jnp.dot(g, Wg2_ref[...], preferred_element_type=jnp.float32) \
            + bg2_ref[...]

        iota_e = lax.broadcasted_iota(jnp.int32, gl.shape, 1)
        m1 = jnp.max(gl, axis=-1, keepdims=True)
        i1 = jnp.min(jnp.where(gl == m1, iota_e, E), axis=-1, keepdims=True)
        oh1 = (iota_e == i1)
        masked = jnp.where(oh1, -jnp.inf, gl)
        m2 = jnp.max(masked, axis=-1, keepdims=True)
        i2 = jnp.min(jnp.where(masked == m2, iota_e, E), axis=-1,
                     keepdims=True)
        oh2 = (iota_e == i2)
        e2 = jnp.exp(m2 - m1)
        w1 = 1.0 / (1.0 + e2)
        w0_ref[...] = w1[:, 0]
        w1_ref[...] = (e2 * w1)[:, 0]
        rows = pl.ds(tb * _RB, _RB)
        iota_f = iota_e.astype(jnp.float32)
        e0_s[rows] = jnp.sum(jnp.where(oh1, iota_f, 0.0), axis=1)
        e1_s[rows] = jnp.sum(jnp.where(oh2, iota_f, 0.0), axis=1)

        osum = oh1.astype(jnp.float32) + oh2.astype(jnp.float32)
        inc = osum
        s = 1
        while s < _RB:
            inc = inc + jnp.concatenate(
                [jnp.zeros((s, E), jnp.float32), inc[:-s, :]], axis=0)
            s *= 2
        prev = jnp.where(tb == 0, jnp.zeros((1, E), jnp.float32),
                         carry_ref[...])
        excl = (inc - osum) + prev
        sel0_s[rows] = jnp.sum(jnp.where(oh1, excl, 0.0), axis=1)
        sel1_s[rows] = jnp.sum(jnp.where(oh2, excl, 0.0), axis=1)
        carry_ref[...] = prev + inc[_RB - 1:_RB, :]

    @pl.when(tb == _RTB)
    def _finalize():
        counts = carry_ref[...]
        padded = jnp.floor((counts + (BLK - 1)) / BLK) * BLK
        tri_e = (lax.broadcasted_iota(jnp.int32, (E, E), 0)
                 < lax.broadcasted_iota(jnp.int32, (E, E), 1)
                 ).astype(jnp.float32)
        off = jnp.dot(padded, tri_e, preferred_element_type=jnp.float32)
        end = off + padded

        iota_e = lax.broadcasted_iota(jnp.int32, (TOKENS, E), 1) \
            .astype(jnp.float32)
        oh0 = (iota_e == e0_s[...][:, None])
        oh1 = (iota_e == e1_s[...][:, None])
        p0_ref[...] = (jnp.sum(jnp.where(oh0, off, 0.0), axis=1)
                       + sel0_s[...]).astype(jnp.int32)
        p1_ref[...] = (jnp.sum(jnp.where(oh1, off, 0.0), axis=1)
                       + sel1_s[...]).astype(jnp.int32)

        jb = lax.broadcasted_iota(jnp.int32, (NBLK + 1, 1), 0) \
            .astype(jnp.float32) * BLK
        be = jnp.sum((end <= jb[:NBLK]).astype(jnp.int32), axis=1)
        used = (jnp.sum(padded) / BLK).astype(jnp.int32)
        be_ref[...] = jnp.concatenate(
            [jnp.minimum(be, E - 1),
             jnp.broadcast_to(used[None], (1,))], axis=0)


def _route(x, Wg1, bg1, Wg2, bg2):
    _last = _RTB - 1
    return pl.pallas_call(
        _route_kernel,
        grid=(_RTB + 1,),
        in_specs=[
            pl.BlockSpec((_RB, IN_DIM), lambda tb: (jnp.minimum(tb, _last), 0)),
            pl.BlockSpec((IN_DIM, GATE_H), lambda tb: (0, 0)),
            pl.BlockSpec((1, GATE_H), lambda tb: (0, 0)),
            pl.BlockSpec((GATE_H, E), lambda tb: (0, 0)),
            pl.BlockSpec((1, E), lambda tb: (0, 0)),
        ],
        out_specs=(
            pl.BlockSpec((_RB,), lambda tb: (jnp.minimum(tb, _last),)),
            pl.BlockSpec((_RB,), lambda tb: (jnp.minimum(tb, _last),)),
            pl.BlockSpec((TOKENS,), lambda tb: (0,)),
            pl.BlockSpec((TOKENS,), lambda tb: (0,)),
            pl.BlockSpec((NBLK + 1,), lambda tb: (0,)),
            pl.BlockSpec((_RB, IN_DIM // 2),
                         lambda tb: (jnp.minimum(tb, _last), 0)),
        ),
        out_shape=(
            jax.ShapeDtypeStruct((TOKENS,), jnp.float32),
            jax.ShapeDtypeStruct((TOKENS,), jnp.float32),
            jax.ShapeDtypeStruct((TOKENS,), jnp.int32),
            jax.ShapeDtypeStruct((TOKENS,), jnp.int32),
            jax.ShapeDtypeStruct((NBLK + 1,), jnp.int32),
            jax.ShapeDtypeStruct((TOKENS, IN_DIM // 2), jnp.int32),
        ),
        scratch_shapes=[
            pltpu.VMEM((1, E), jnp.float32),
            pltpu.VMEM((TOKENS,), jnp.float32),
            pltpu.VMEM((TOKENS,), jnp.float32),
            pltpu.VMEM((TOKENS,), jnp.float32),
            pltpu.VMEM((TOKENS,), jnp.float32),
        ],
    )(x, Wg1, bg1.reshape(1, GATE_H), Wg2, bg2.reshape(1, E))


_SC_MESH = dict(core_axis_name="c", subcore_axis_name="s")
_IN_P = IN_DIM // 2
_A_PER_W = ASSIGN // NW
_SCH = 32
_NSCH = _A_PER_W // _SCH


def _sc_wid():
    return lax.axis_index("s") * 2 + lax.axis_index("c")


def _k2_body(x_hbm, pos_hbm, xs_hbm, pv0, pv1, rb0, rb1, lsem, ssem):
    wid = _sc_wid()
    base = wid * _A_PER_W
    tok0 = pl.multiple_of(base & (TOKENS - 1), _SCH)
    pv = (pv0, pv1)
    rb = (rb0, rb1)
    lr = pltpu.async_copy(x_hbm.at[pl.ds(tok0, _SCH)], rb0, lsem)
    sh_prev = None
    for c in range(_NSCH):
        cur = c % 2
        nxt = (c + 1) % 2
        pltpu.sync_copy(pos_hbm.at[pl.ds(base + c * _SCH, _SCH)], pv[cur])
        lr.wait()
        sh = pltpu.async_copy(rb[cur], xs_hbm.at[pv[cur]], ssem)
        if c + 1 < _NSCH:
            if sh_prev is not None:
                sh_prev.wait()
            lr = pltpu.async_copy(
                x_hbm.at[pl.ds(tok0 + (c + 1) * _SCH, _SCH)], rb[nxt], lsem)
        else:
            if sh_prev is not None:
                sh_prev.wait()
        sh_prev = sh
    sh_prev.wait()


def _sc_dispatch(x_packed, pos_all):
    k = functools.partial(
        pl.kernel,
        mesh=plsc.VectorSubcoreMesh(**_SC_MESH),
        out_type=jax.ShapeDtypeStruct((CAP, _IN_P), jnp.int32),
        scratch_types=[
            pltpu.VMEM((_SCH,), jnp.int32),
            pltpu.VMEM((_SCH,), jnp.int32),
            pltpu.VMEM((_SCH, _IN_P), jnp.int32),
            pltpu.VMEM((_SCH, _IN_P), jnp.int32),
            pltpu.SemaphoreType.DMA,
            pltpu.SemaphoreType.DMA,
        ],
    )(_k2_body)
    return k(x_packed, pos_all)


def _mlp_kernel(be_ref, xs_ref, W1_ref, b1_ref, W2_ref, b2_ref,
                W3_ref, b3_ref, o30_ref, o31_ref):
    @pl.when(pl.program_id(0) < be_ref[NBLK])
    def _():
        u = xs_ref[...]
        lo = lax.bitcast_convert_type(lax.shift_left(u, 16), jnp.float32)
        hi = lax.bitcast_convert_type(u & jnp.int32(-65536), jnp.float32)
        xs = jnp.concatenate([lo, hi], axis=1)
        h1 = _gelu(jnp.dot(xs, W1_ref[0],
                           preferred_element_type=jnp.float32) + b1_ref[0])
        h2 = _gelu(jnp.dot(h1, W2_ref[0],
                           preferred_element_type=jnp.float32) + b2_ref[0])
        w3 = W3_ref[0]
        b3 = b3_ref[0]
        o30_ref[...] = jnp.sum(h2 * w3[:, 0][None, :], axis=1) + b3[0, 0]
        o31_ref[...] = jnp.sum(h2 * w3[:, 1][None, :], axis=1) + b3[0, 1]


def _expert_mlp(be, xs, W1, b1, W2, b2, W3, b3):
    grid_spec = pltpu.PrefetchScalarGridSpec(
        num_scalar_prefetch=1,
        grid=(NBLK,),
        in_specs=[
            pl.BlockSpec((BLK, IN_DIM // 2), lambda j, be: (j, 0)),
            pl.BlockSpec((1, IN_DIM, HID), lambda j, be: (be[j], 0, 0)),
            pl.BlockSpec((1, 1, HID), lambda j, be: (be[j], 0, 0)),
            pl.BlockSpec((1, HID, HID // 2), lambda j, be: (be[j], 0, 0)),
            pl.BlockSpec((1, 1, HID // 2), lambda j, be: (be[j], 0, 0)),
            pl.BlockSpec((1, HID // 2, NC), lambda j, be: (be[j], 0, 0)),
            pl.BlockSpec((1, 1, NC), lambda j, be: (be[j], 0, 0)),
        ],
        out_specs=(
            pl.BlockSpec((BLK,), lambda j, be: (j,)),
            pl.BlockSpec((BLK,), lambda j, be: (j,)),
        ),
    )
    return pl.pallas_call(
        _mlp_kernel,
        grid_spec=grid_spec,
        out_shape=(
            jax.ShapeDtypeStruct((CAP,), jnp.float32),
            jax.ShapeDtypeStruct((CAP,), jnp.float32),
        ),
    )(be, xs, W1, b1.reshape(E, 1, HID), W2, b2.reshape(E, 1, HID // 2),
      W3, b3.reshape(E, 1, NC))


_TOK_PER_W = TOKENS // NW


def _k4_body(o30_hbm, o31_hbm, w0_hbm, w1_hbm, p0_hbm, p1_hbm, t_hbm,
             out_hbm, w0v, w1v, p0v, p1v, v00, v01, v10, v11, tv, ob, sem):
    wid = _sc_wid()
    tb = wid * _TOK_PER_W
    pltpu.sync_copy(w0_hbm.at[pl.ds(tb, _TOK_PER_W)], w0v)
    pltpu.sync_copy(w1_hbm.at[pl.ds(tb, _TOK_PER_W)], w1v)
    pltpu.sync_copy(p0_hbm.at[pl.ds(tb, _TOK_PER_W)], p0v)
    pltpu.sync_copy(p1_hbm.at[pl.ds(tb, _TOK_PER_W)], p1v)
    pltpu.sync_copy(t_hbm, tv)
    inv_t = 1.0 / jnp.maximum(tv[...], 1e-6)
    copies = []
    for pv, plane, dst in ((p0v, o30_hbm, v00), (p0v, o31_hbm, v01),
                           (p1v, o30_hbm, v10), (p1v, o31_hbm, v11)):
        copies.append(pltpu.async_copy(plane.at[pv], dst, sem))
    for cp in copies:
        cp.wait()
    for c, (a, b) in enumerate(((v00, v10), (v01, v11))):
        for g in range(_TOK_PER_W // 16):
            sl = pl.ds(g * 16, 16)
            ob[sl] = (w0v[sl] * a[sl] + w1v[sl] * b[sl]) * inv_t
        pltpu.sync_copy(ob, out_hbm.at[pl.ds(c * TOKENS + tb, _TOK_PER_W)])


def _sc_combine(o30, o31, w0, w1, p0, p1, temp16):
    k = functools.partial(
        pl.kernel,
        mesh=plsc.VectorSubcoreMesh(**_SC_MESH),
        out_type=jax.ShapeDtypeStruct((TOKENS * NC,), jnp.float32),
        scratch_types=[
            pltpu.VMEM((_TOK_PER_W,), jnp.float32),
            pltpu.VMEM((_TOK_PER_W,), jnp.float32),
            pltpu.VMEM((_TOK_PER_W,), jnp.int32),
            pltpu.VMEM((_TOK_PER_W,), jnp.int32),
            pltpu.VMEM((_TOK_PER_W,), jnp.float32),
            pltpu.VMEM((_TOK_PER_W,), jnp.float32),
            pltpu.VMEM((_TOK_PER_W,), jnp.float32),
            pltpu.VMEM((_TOK_PER_W,), jnp.float32),
            pltpu.VMEM((16,), jnp.float32),
            pltpu.VMEM((_TOK_PER_W,), jnp.float32),
            pltpu.SemaphoreType.DMA,
        ],
    )(_k4_body)
    return k(o30, o31, w0, w1, p0, p1, temp16)


def kernel(x, W1, b1, W2, b2, W3, b3, Wg1, bg1, Wg2, bg2, temperature):
    w0, w1, p0, p1, be_ext, x_packed = _route(x, Wg1, bg1, Wg2, bg2)
    pos_all = jnp.concatenate([p0, p1])
    xs_packed = _sc_dispatch(x_packed, pos_all)
    o30, o31 = _expert_mlp(be_ext, xs_packed, W1, b1, W2, b2, W3, b3)
    temp16 = jnp.broadcast_to(temperature.reshape(1), (16,))
    out = _sc_combine(o30, o31, w0, w1, p0, p1, temp16)
    return out.reshape(NC, TOKENS).T

# --- scband reference (transcript-rebuilt; emitter-appended) ---
"""Pipeline reference for scband-mo-eclassifier-7670811590730 (READ-ONLY COPY).

The authoritative reference and input builder live on the scoring server;
editing this copy changes nothing except your own understanding.
"""

import jax, jax.numpy as jnp
import numpy as np

IN_DIM = 2048
HID = 1024
E = 8
TOPK = 2
NC = 2
GATE_H = max(64, IN_DIM // 8)
TOKENS = 4096


def setup_inputs(seed: int = 0) -> dict:
    key = jax.random.key(seed)
    ks = jax.random.split(key, 12)
    x = jax.random.normal(ks[0], (TOKENS, IN_DIM), dtype=jnp.float32)
    W1 = jax.random.normal(ks[1], (E, IN_DIM, HID), dtype=jnp.float32) * 0.02
    b1 = jnp.zeros((E, HID), dtype=jnp.float32)
    W2 = jax.random.normal(ks[2], (E, HID, HID // 2), dtype=jnp.float32) * 0.02
    b2 = jnp.zeros((E, HID // 2), dtype=jnp.float32)
    W3 = jax.random.normal(ks[3], (E, HID // 2, NC), dtype=jnp.float32) * 0.02
    b3 = jnp.zeros((E, NC), dtype=jnp.float32)
    Wg1 = jax.random.normal(ks[4], (IN_DIM, GATE_H), dtype=jnp.float32) * 0.02
    bg1 = jnp.zeros((GATE_H,), dtype=jnp.float32)
    Wg2 = jax.random.normal(ks[5], (GATE_H, E), dtype=jnp.float32) * 0.02
    bg2 = jnp.zeros((E,), dtype=jnp.float32)
    temperature = jnp.asarray(1.0, dtype=jnp.float32)
    return {"x": x, "W1": W1, "b1": b1, "W2": W2, "b2": b2, "W3": W3, "b3": b3,
            "Wg1": Wg1, "bg1": bg1, "Wg2": Wg2, "bg2": bg2, "temperature": temperature}


def reference(x, W1, b1, W2, b2, W3, b3, Wg1, bg1, Wg2, bg2, temperature):
    # Gate network: Linear -> GELU(exact) -> Linear
    g = jax.nn.gelu(x @ Wg1 + bg1, approximate=False)
    gate_logits = g @ Wg2 + bg2  # [B, E]
    top_k_logits, top_k_indices = jax.lax.top_k(gate_logits, TOPK)  # [B, k]
    top_k_weights = jax.nn.softmax(top_k_logits, axis=-1)
    # Dense evaluation of all experts (3-layer MLP, eval mode => no dropout)
    h1 = jax.nn.gelu(jnp.einsum('bd,edh->beh', x, W1) + b1[None, :, :], approximate=False)
    h2 = jax.nn.gelu(jnp.einsum('beh,ehf->bef', h1, W2) + b2[None, :, :], approximate=False)
    expert_outputs = jnp.einsum('bef,efc->bec', h2, W3) + b3[None, :, :]  # [B, E, C]
    # Gather the selected experts per token and combine with softmax weights
    selected = jnp.take_along_axis(expert_outputs, top_k_indices[:, :, None], axis=1)  # [B, k, C]
    logits = jnp.sum(top_k_weights[:, :, None] * selected, axis=1)  # [B, C]
    logits = logits / jnp.clip(temperature, 1e-6, None)
    return logits

if __name__ == "__main__":
    import jax
    _d = setup_inputs()
    print(jax.jit(kernel)(*tuple(_d.values())))

</pallas_src>

<mosaic_0001>
#map = affine_map<(d0, d1) -> (0)>
module attributes {stable_mosaic.version = 14 : i64} {
  func.func @_k4_body(%arg0: i32, %arg1: i32, %arg2: memref<12288xf32, #tpu.memory_space<hbm>>, %arg3: memref<12288xf32, #tpu.memory_space<hbm>>, %arg4: memref<4096xf32, #tpu.memory_space<hbm>>, %arg5: memref<4096xf32, #tpu.memory_space<hbm>>, %arg6: memref<4096xi32, #tpu.memory_space<hbm>>, %arg7: memref<4096xi32, #tpu.memory_space<hbm>>, %arg8: memref<16xf32, #tpu.memory_space<hbm>>, %arg9: memref<8192xf32, #tpu.memory_space<hbm>>, %arg10: memref<128xf32, #tpu.memory_space<vmem>>, %arg11: memref<128xf32, #tpu.memory_space<vmem>>, %arg12: memref<128xi32, #tpu.memory_space<vmem>>, %arg13: memref<128xi32, #tpu.memory_space<vmem>>, %arg14: memref<128xf32, #tpu.memory_space<vmem>>, %arg15: memref<128xf32, #tpu.memory_space<vmem>>, %arg16: memref<128xf32, #tpu.memory_space<vmem>>, %arg17: memref<128xf32, #tpu.memory_space<vmem>>, %arg18: memref<16xf32, #tpu.memory_space<vmem>>, %arg19: memref<128xf32, #tpu.memory_space<vmem>>, %arg20: memref<!tpu.dma_semaphore, #tpu.memory_space<semaphore_mem>>) attributes {dimension_semantics = [#tpu.dimension_semantics<core_parallel>, #tpu.dimension_semantics<subcore_parallel>], iteration_bounds = array<i64: 2, 16>, scalar_prefetch = 0 : i64, scratch_operands = 11 : i64, tpu.core_type = #tpu.core_type<sc_vector_subcore>, window_params = [{transform_indices = #map}, {transform_indices = #map}, {transform_indices = #map}, {transform_indices = #map}, {transform_indices = #map}, {transform_indices = #map}, {transform_indices = #map}, {transform_indices = #map}]} {
    %mul3A = arith.constant 2 : i32
    %mul3A_0 = arith.muli %arg1, %mul3A : i32
    %add3A = arith.addi %mul3A_0, %arg0 : i32
    %mul3A_1 = arith.constant 128 : i32
    %mul3A_2 = arith.muli %add3A, %mul3A_1 : i32
    "tpu.region"() ({
      %run_scoped3A = tpu.sem_alloc : memref<!tpu.dma_semaphore, #tpu.memory_space<semaphore_mem>>
      %dma_start3A_346 = tpu.memref_slice %arg4[%mul3A_2] : memref<4096xf32, #tpu.memory_space<hbm>> -> memref<128xf32, #tpu.memory_space<hbm>>
      %dma_start3A_347 = tpu.memref_slice %arg4[%mul3A_2] : memref<4096xf32, #tpu.memory_space<hbm>> -> memref<128xf32, #tpu.memory_space<hbm>>
      tpu.enqueue_dma source(%dma_start3A_347 : memref<128xf32, #tpu.memory_space<hbm>>) target(%arg10 : memref<128xf32, #tpu.memory_space<vmem>>) target_semaphore(%run_scoped3A : memref<!tpu.dma_semaphore, #tpu.memory_space<semaphore_mem>>)
      %dma_wait3A_348 = tpu.memref_slice %arg4[%mul3A_2] : memref<4096xf32, #tpu.memory_space<hbm>> -> memref<128xf32, #tpu.memory_space<hbm>>
      %dma_wait3A_349 = tpu.memref_slice %arg4[%mul3A_2] : memref<4096xf32, #tpu.memory_space<hbm>> -> memref<128xf32, #tpu.memory_space<hbm>>
      tpu.wait_dma2 semaphore(%run_scoped3A : memref<!tpu.dma_semaphore, #tpu.memory_space<semaphore_mem>>) src(%dma_wait3A_349 : memref<128xf32, #tpu.memory_space<hbm>>) dst(%arg10 : memref<128xf32, #tpu.memory_space<vmem>>)
      tpu.yield
    }) : () -> ()
    "tpu.region"() ({
      %run_scoped3A = tpu.sem_alloc : memref<!tpu.dma_semaphore, #tpu.memory_space<semaphore_mem>>
      %dma_start3A_346 = tpu.memref_slice %arg5[%mul3A_2] : memref<4096xf32, #tpu.memory_space<hbm>> -> memref<128xf32, #tpu.memory_space<hbm>>
      %dma_start3A_347 = tpu.memref_slice %arg5[%mul3A_2] : memref<4096xf32, #tpu.memory_space<hbm>> -> memref<128xf32, #tpu.memory_space<hbm>>
      tpu.enqueue_dma source(%dma_start3A_347 : memref<128xf32, #tpu.memory_space<hbm>>) target(%arg11 : memref<128xf32, #tpu.memory_space<vmem>>) target_semaphore(%run_scoped3A : memref<!tpu.dma_semaphore, #tpu.memory_space<semaphore_mem>>)
      %dma_wait3A_348 = tpu.memref_slice %arg5[%mul3A_2] : memref<4096xf32, #tpu.memory_space<hbm>> -> memref<128xf32, #tpu.memory_space<hbm>>
      %dma_wait3A_349 = tpu.memref_slice %arg5[%mul3A_2] : memref<4096xf32, #tpu.memory_space<hbm>> -> memref<128xf32, #tpu.memory_space<hbm>>
      tpu.wait_dma2 semaphore(%run_scoped3A : memref<!tpu.dma_semaphore, #tpu.memory_space<semaphore_mem>>) src(%dma_wait3A_349 : memref<128xf32, #tpu.memory_space<hbm>>) dst(%arg11 : memref<128xf32, #tpu.memory_space<vmem>>)
      tpu.yield
    }) : () -> ()
    "tpu.region"() ({
      %run_scoped3A = tpu.sem_alloc : memref<!tpu.dma_semaphore, #tpu.memory_space<semaphore_mem>>
      %dma_start3A_346 = tpu.memref_slice %arg6[%mul3A_2] : memref<4096xi32, #tpu.memory_space<hbm>> -> memref<128xi32, #tpu.memory_space<hbm>>
      %dma_start3A_347 = tpu.memref_slice %arg6[%mul3A_2] : memref<4096xi32, #tpu.memory_space<hbm>> -> memref<128xi32, #tpu.memory_space<hbm>>
      tpu.enqueue_dma source(%dma_start3A_347 : memref<128xi32, #tpu.memory_space<hbm>>) target(%arg12 : memref<128xi32, #tpu.memory_space<vmem>>) target_semaphore(%run_scoped3A : memref<!tpu.dma_semaphore, #tpu.memory_space<semaphore_mem>>)
      %dma_wait3A_348 = tpu.memref_slice %arg6[%mul3A_2] : memref<4096xi32, #tpu.memory_space<hbm>> -> memref<128xi32, #tpu.memory_space<hbm>>
      %dma_wait3A_349 = tpu.memref_slice %arg6[%mul3A_2] : memref<4096xi32, #tpu.memory_space<hbm>> -> memref<128xi32, #tpu.memory_space<hbm>>
      tpu.wait_dma2 semaphore(%run_scoped3A : memref<!tpu.dma_semaphore, #tpu.memory_space<semaphore_mem>>) src(%dma_wait3A_349 : memref<128xi32, #tpu.memory_space<hbm>>) dst(%arg12 : memref<128xi32, #tpu.memory_space<vmem>>)
      tpu.yield
    }) : () -> ()
    "tpu.region"() ({
      %run_scoped3A = tpu.sem_alloc : memref<!tpu.dma_semaphore, #tpu.memory_space<semaphore_mem>>
      %dma_start3A_346 = tpu.memref_slice %arg7[%mul3A_2] : memref<4096xi32, #tpu.memory_space<hbm>> -> memref<128xi32, #tpu.memory_space<hbm>>
      %dma_start3A_347 = tpu.memref_slice %arg7[%mul3A_2] : memref<4096xi32, #tpu.memory_space<hbm>> -> memref<128xi32, #tpu.memory_space<hbm>>
      tpu.enqueue_dma source(%dma_start3A_347 : memref<128xi32, #tpu.memory_space<hbm>>) target(%arg13 : memref<128xi32, #tpu.memory_space<vmem>>) target_semaphore(%run_scoped3A : memref<!tpu.dma_semaphore, #tpu.memory_space<semaphore_mem>>)
      %dma_wait3A_348 = tpu.memref_slice %arg7[%mul3A_2] : memref<4096xi32, #tpu.memory_space<hbm>> -> memref<128xi32, #tpu.memory_space<hbm>>
      %dma_wait3A_349 = tpu.memref_slice %arg7[%mul3A_2] : memref<4096xi32, #tpu.memory_space<hbm>> -> memref<128xi32, #tpu.memory_space<hbm>>
      tpu.wait_dma2 semaphore(%run_scoped3A : memref<!tpu.dma_semaphore, #tpu.memory_space<semaphore_mem>>) src(%dma_wait3A_349 : memref<128xi32, #tpu.memory_space<hbm>>) dst(%arg13 : memref<128xi32, #tpu.memory_space<vmem>>)
      tpu.yield
    }) : () -> ()
    "tpu.region"() ({
      %run_scoped3A = tpu.sem_alloc : memref<!tpu.dma_semaphore, #tpu.memory_space<semaphore_mem>>
      tpu.enqueue_dma source(%arg8 : memref<16xf32, #tpu.memory_space<hbm>>) target(%arg18 : memref<16xf32, #tpu.memory_space<vmem>>) target_semaphore(%run_scoped3A : memref<!tpu.dma_semaphore, #tpu.memory_space<semaphore_mem>>)
      tpu.wait_dma2 semaphore(%run_scoped3A : memref<!tpu.dma_semaphore, #tpu.memory_space<semaphore_mem>>) src(%arg8 : memref<16xf32, #tpu.memory_space<hbm>>) dst(%arg18 : memref<16xf32, #tpu.memory_space<vmem>>)
      tpu.yield
    }) : () -> ()
    %get3A = arith.constant 0 : index
    %get3A_3 = tpu.vector_load %arg18[%get3A] {strides = array<i32>} : memref<16xf32, #tpu.memory_space<vmem>>, vector<16xf32>,
    %get3A_4 = vector.shape_cast %get3A_3 : vector<16xf32> to vector<16xf32>
    %max3A = arith.constant 9.99999997E-7 : f32
    %max3A_5 = vector.broadcast %max3A : f32 to vector<16xf32>
    %max3A_6 = arith.maximumf %get3A_4, %max3A_5 : vector<16xf32>
    %div3A = arith.constant 1.000000e+00 : f32
    %div3A_7 = vector.broadcast %div3A : f32 to vector<16xf32>
    %div3A_8 = arith.divf %div3A_7, %max3A_6 : vector<16xf32>
    %dma_start3A = arith.constant 0 : i32
    %dma_start3A_9 = tpu.memref_slice %arg2[%dma_start3A] : memref<12288xf32, #tpu.memory_space<hbm>> -> memref<12288xf32, #tpu.memory_space<hbm>>
    tpu.enqueue_indirect_dma source(%dma_start3A_9 : memref<12288xf32, #tpu.memory_space<hbm>>) target(%arg14 : memref<128xf32, #tpu.memory_space<vmem>>) offsets(%arg12 : memref<128xi32, #tpu.memory_space<vmem>>) semaphore(%arg20 : memref<!tpu.dma_semaphore, #tpu.memory_space<semaphore_mem>>)
    %dma_start3A_10 = arith.constant 0 : i32
    %dma_start3A_11 = tpu.memref_slice %arg3[%dma_start3A_10] : memref<12288xf32, #tpu.memory_space<hbm>> -> memref<12288xf32, #tpu.memory_space<hbm>>
    tpu.enqueue_indirect_dma source(%dma_start3A_11 : memref<12288xf32, #tpu.memory_space<hbm>>) target(%arg15 : memref<128xf32, #tpu.memory_space<vmem>>) offsets(%arg12 : memref<128xi32, #tpu.memory_space<vmem>>) semaphore(%arg20 : memref<!tpu.dma_semaphore, #tpu.memory_space<semaphore_mem>>)
    %dma_start3A_12 = arith.constant 0 : i32
    %dma_start3A_13 = tpu.memref_slice %arg2[%dma_start3A_12] : memref<12288xf32, #tpu.memory_space<hbm>> -> memref<12288xf32, #tpu.memory_space<hbm>>
    tpu.enqueue_indirect_dma source(%dma_start3A_13 : memref<12288xf32, #tpu.memory_space<hbm>>) target(%arg16 : memref<128xf32, #tpu.memory_space<vmem>>) offsets(%arg13 : memref<128xi32, #tpu.memory_space<vmem>>) semaphore(%arg20 : memref<!tpu.dma_semaphore, #tpu.memory_space<semaphore_mem>>)
    %dma_start3A_14 = arith.constant 0 : i32
    %dma_start3A_15 = tpu.memref_slice %arg3[%dma_start3A_14] : memref<12288xf32, #tpu.memory_space<hbm>> -> memref<12288xf32, #tpu.memory_space<hbm>>
    tpu.enqueue_indirect_dma source(%dma_start3A_15 : memref<12288xf32, #tpu.memory_space<hbm>>) target(%arg17 : memref<128xf32, #tpu.memory_space<vmem>>) offsets(%arg13 : memref<128xi32, #tpu.memory_space<vmem>>) semaphore(%arg20 : memref<!tpu.dma_semaphore, #tpu.memory_space<semaphore_mem>>)
    %dma_wait3A = arith.constant 0 : i32
    %dma_wait3A_16 = tpu.memref_slice %arg2[%dma_wait3A] : memref<12288xf32, #tpu.memory_space<hbm>> -> memref<12288xf32, #tpu.memory_space<hbm>>
    tpu.wait_indirect_dma semaphore(%arg20 : memref<!tpu.dma_semaphore, #tpu.memory_space<semaphore_mem>>) src(%dma_wait3A_16 : memref<12288xf32, #tpu.memory_space<hbm>>) dst(%arg14 : memref<128xf32, #tpu.memory_space<vmem>>)
    %dma_wait3A_17 = arith.constant 0 : i32
    %dma_wait3A_18 = tpu.memref_slice %arg3[%dma_wait3A_17] : memref<12288xf32, #tpu.memory_space<hbm>> -> memref<12288xf32, #tpu.memory_space<hbm>>
    tpu.wait_indirect_dma semaphore(%arg20 : memref<!tpu.dma_semaphore, #tpu.memory_space<semaphore_mem>>) src(%dma_wait3A_18 : memref<12288xf32, #tpu.memory_space<hbm>>) dst(%arg15 : memref<128xf32, #tpu.memory_space<vmem>>)
    %dma_wait3A_19 = arith.constant 0 : i32
    %dma_wait3A_20 = tpu.memref_slice %arg2[%dma_wait3A_19] : memref<12288xf32, #tpu.memory_space<hbm>> -> memref<12288xf32, #tpu.memory_space<hbm>>
    tpu.wait_indirect_dma semaphore(%arg20 : memref<!tpu.dma_semaphore, #tpu.memory_space<semaphore_mem>>) src(%dma_wait3A_20 : memref<12288xf32, #tpu.memory_space<hbm>>) dst(%arg16 : memref<128xf32, #tpu.memory_space<vmem>>)
    %dma_wait3A_21 = arith.constant 0 : i32
    %dma_wait3A_22 = tpu.memref_slice %arg3[%dma_wait3A_21] : memref<12288xf32, #tpu.memory_space<hbm>> -> memref<12288xf32, #tpu.memory_space<hbm>>
    tpu.wait_indirect_dma semaphore(%arg20 : memref<!tpu.dma_semaphore, #tpu.memory_space<semaphore_mem>>) src(%dma_wait3A_22 : memref<12288xf32, #tpu.memory_space<hbm>>) dst(%arg17 : memref<128xf32, #tpu.memory_space<vmem>>)
    %get3A_23 = arith.constant 0 : index
    %get3A_24 = tpu.vector_load %arg10[%get3A_23] {strides = array<i32>} : memref<128xf32, #tpu.memory_space<vmem>>, vector<16xf32>,
    %get3A_25 = vector.shape_cast %get3A_24 : vector<16xf32> to vector<16xf32>
    %get3A_26 = arith.constant 0 : index
    %get3A_27 = tpu.vector_load %arg14[%get3A_26] {strides = array<i32>} : memref<128xf32, #tpu.memory_space<vmem>>, vector<16xf32>,
    %get3A_28 = vector.shape_cast %get3A_27 : vector<16xf32> to vector<16xf32>
    %mul3A_29 = arith.mulf %get3A_25, %get3A_28 : vector<16xf32>
    %get3A_30 = arith.constant 0 : index
    %get3A_31 = tpu.vector_load %arg11[%get3A_30] {strides = array<i32>} : memref<128xf32, #tpu.memory_space<vmem>>, vector<16xf32>,
    %get3A_32 = vector.shape_cast %get3A_31 : vector<16xf32> to vector<16xf32>
    %get3A_33 = arith.constant 0 : index
    %get3A_34 = tpu.vector_load %arg16[%get3A_33] {strides = array<i32>} : memref<128xf32, #tpu.memory_space<vmem>>, vector<16xf32>,
    %get3A_35 = vector.shape_cast %get3A_34 : vector<16xf32> to vector<16xf32>
    %mul3A_36 = arith.mulf %get3A_32, %get3A_35 : vector<16xf32>
    %add3A_37 = arith.addf %mul3A_29, %mul3A_36 : vector<16xf32>
    %mul3A_38 = arith.mulf %add3A_37, %div3A_8 : vector<16xf32>
    %swap3A = arith.constant 0 : index
    %swap3A_39 = tpu.vector_load %arg19[%swap3A] {strides = array<i32>} : memref<128xf32, #tpu.memory_space<vmem>>, vector<16xf32>,
    %swap3A_40 = vector.shape_cast %swap3A_39 : vector<16xf32> to vector<16xf32>
    %swap3A_41 = vector.shape_cast %mul3A_38 : vector<16xf32> to vector<16xf32>
    tpu.vector_store %arg19[%swap3A], %swap3A_41 {strides = array<i32>} : memref<128xf32, #tpu.memory_space<vmem>>, vector<16xf32>,
    %get3A_42 = arith.constant 16 : index
    %get3A_43 = tpu.vector_load %arg10[%get3A_42] {strides = array<i32>} : memref<128xf32, #tpu.memory_space<vmem>>, vector<16xf32>,
    %get3A_44 = vector.shape_cast %get3A_43 : vector<16xf32> to vector<16xf32>
    %get3A_45 = arith.constant 16 : index
    %get3A_46 = tpu.vector_load %arg14[%get3A_45] {strides = array<i32>} : memref<128xf32, #tpu.memory_space<vmem>>, vector<16xf32>,
    %get3A_47 = vector.shape_cast %get3A_46 : vector<16xf32> to vector<16xf32>
    %mul3A_48 = arith.mulf %get3A_44, %get3A_47 : vector<16xf32>
    %get3A_49 = arith.constant 16 : index
    %get3A_50 = tpu.vector_load %arg11[%get3A_49] {strides = array<i32>} : memref<128xf32, #tpu.memory_space<vmem>>, vector<16xf32>,
    %get3A_51 = vector.shape_cast %get3A_50 : vector<16xf32> to vector<16xf32>
    %get3A_52 = arith.constant 16 : index
    %get3A_53 = tpu.vector_load %arg16[%get3A_52] {strides = array<i32>} : memref<128xf32, #tpu.memory_space<vmem>>, vector<16xf32>,
    %get3A_54 = vector.shape_cast %get3A_53 : vector<16xf32> to vector<16xf32>
    %mul3A_55 = arith.mulf %get3A_51, %get3A_54 : vector<16xf32>
    %add3A_56 = arith.addf %mul3A_48, %mul3A_55 : vector<16xf32>
    %mul3A_57 = arith.mulf %add3A_56, %div3A_8 : vector<16xf32>
    %swap3A_58 = arith.constant 16 : index
    %swap3A_59 = tpu.vector_load %arg19[%swap3A_58] {strides = array<i32>} : memref<128xf32, #tpu.memory_space<vmem>>, vector<16xf32>,
    %swap3A_60 = vector.shape_cast %swap3A_59 : vector<16xf32> to vector<16xf32>
    %swap3A_61 = vector.shape_cast %mul3A_57 : vector<16xf32> to vector<16xf32>
    tpu.vector_store %arg19[%swap3A_58], %swap3A_61 {strides = array<i32>} : memref<128xf32, #tpu.memory_space<vmem>>, vector<16xf32>,
    %get3A_62 = arith.constant 32 : index
    %get3A_63 = tpu.vector_load %arg10[%get3A_62] {strides = array<i32>} : memref<128xf32, #tpu.memory_space<vmem>>, vector<16xf32>,
    %get3A_64 = vector.shape_cast %get3A_63 : vector<16xf32> to vector<16xf32>
    %get3A_65 = arith.constant 32 : index
    %get3A_66 = tpu.vector_load %arg14[%get3A_65] {strides = array<i32>} : memref<128xf32, #tpu.memory_space<vmem>>, vector<16xf32>,
    %get3A_67 = vector.shape_cast %get3A_66 : vector<16xf32> to vector<16xf32>
    %mul3A_68 = arith.mulf %get3A_64, %get3A_67 : vector<16xf32>
    %get3A_69 = arith.constant 32 : index
    %get3A_70 = tpu.vector_load %arg11[%get3A_69] {strides = array<i32>} : memref<128xf32, #tpu.memory_space<vmem>>, vector<16xf32>,
    %get3A_71 = vector.shape_cast %get3A_70 : vector<16xf32> to vector<16xf32>
    %get3A_72 = arith.constant 32 : index
    %get3A_73 = tpu.vector_load %arg16[%get3A_72] {strides = array<i32>} : memref<128xf32, #tpu.memory_space<vmem>>, vector<16xf32>,
    %get3A_74 = vector.shape_cast %get3A_73 : vector<16xf32> to vector<16xf32>
    %mul3A_75 = arith.mulf %get3A_71, %get3A_74 : vector<16xf32>
    %add3A_76 = arith.addf %mul3A_68, %mul3A_75 : vector<16xf32>
    %mul3A_77 = arith.mulf %add3A_76, %div3A_8 : vector<16xf32>
    %swap3A_78 = arith.constant 32 : index
    %swap3A_79 = tpu.vector_load %arg19[%swap3A_78] {strides = array<i32>} : memref<128xf32, #tpu.memory_space<vmem>>, vector<16xf32>,
    %swap3A_80 = vector.shape_cast %swap3A_79 : vector<16xf32> to vector<16xf32>
    %swap3A_81 = vector.shape_cast %mul3A_77 : vector<16xf32> to vector<16xf32>
    tpu.vector_store %arg19[%swap3A_78], %swap3A_81 {strides = array<i32>} : memref<128xf32, #tpu.memory_space<vmem>>, vector<16xf32>,
    %get3A_82 = arith.constant 48 : index
    %get3A_83 = tpu.vector_load %arg10[%get3A_82] {strides = array<i32>} : memref<128xf32, #tpu.memory_space<vmem>>, vector<16xf32>,
    %get3A_84 = vector.shape_cast %get3A_83 : vector<16xf32> to vector<16xf32>
    %get3A_85 = arith.constant 48 : index
    %get3A_86 = tpu.vector_load %arg14[%get3A_85] {strides = array<i32>} : memref<128xf32, #tpu.memory_space<vmem>>, vector<16xf32>,
    %get3A_87 = vector.shape_cast %get3A_86 : vector<16xf32> to vector<16xf32>
    %mul3A_88 = arith.mulf %get3A_84, %get3A_87 : vector<16xf32>
    %get3A_89 = arith.constant 48 : index
    %get3A_90 = tpu.vector_load %arg11[%get3A_89] {strides = array<i32>} : memref<128xf32, #tpu.memory_space<vmem>>, vector<16xf32>,
    %get3A_91 = vector.shape_cast %get3A_90 : vector<16xf32> to vector<16xf32>
    %get3A_92 = arith.constant 48 : index
    %get3A_93 = tpu.vector_load %arg16[%get3A_92] {strides = array<i32>} : memref<128xf32, #tpu.memory_space<vmem>>, vector<16xf32>,
    %get3A_94 = vector.shape_cast %get3A_93 : vector<16xf32> to vector<16xf32>
    %mul3A_95 = arith.mulf %get3A_91, %get3A_94 : vector<16xf32>
    %add3A_96 = arith.addf %mul3A_88, %mul3A_95 : vector<16xf32>
    %mul3A_97 = arith.mulf %add3A_96, %div3A_8 : vector<16xf32>
    %swap3A_98 = arith.constant 48 : index
    %swap3A_99 = tpu.vector_load %arg19[%swap3A_98] {strides = array<i32>} : memref<128xf32, #tpu.memory_space<vmem>>, vector<16xf32>,
    %swap3A_100 = vector.shape_cast %swap3A_99 : vector<16xf32> to vector<16xf32>
    %swap3A_101 = vector.shape_cast %mul3A_97 : vector<16xf32> to vector<16xf32>
    tpu.vector_store %arg19[%swap3A_98], %swap3A_101 {strides = array<i32>} : memref<128xf32, #tpu.memory_space<vmem>>, vector<16xf32>,
    %get3A_102 = arith.constant 64 : index
    %get3A_103 = tpu.vector_load %arg10[%get3A_102] {strides = array<i32>} : memref<128xf32, #tpu.memory_space<vmem>>, vector<16xf32>,
    %get3A_104 = vector.shape_cast %get3A_103 : vector<16xf32> to vector<16xf32>
    %get3A_105 = arith.constant 64 : index
    %get3A_106 = tpu.vector_load %arg14[%get3A_105] {strides = array<i32>} : memref<128xf32, #tpu.memory_space<vmem>>, vector<16xf32>,
    %get3A_107 = vector.shape_cast %get3A_106 : vector<16xf32> to vector<16xf32>
    %mul3A_108 = arith.mulf %get3A_104, %get3A_107 : vector<16xf32>
    %get3A_109 = arith.constant 64 : index
    %get3A_110 = tpu.vector_load %arg11[%get3A_109] {strides = array<i32>} : memref<128xf32, #tpu.memory_space<vmem>>, vector<16xf32>,
    %get3A_111 = vector.shape_cast %get3A_110 : vector<16xf32> to vector<16xf32>
    %get3A_112 = arith.constant 64 : index
    %get3A_113 = tpu.vector_load %arg16[%get3A_112] {strides = array<i32>} : memref<128xf32, #tpu.memory_space<vmem>>, vector<16xf32>,
    %get3A_114 = vector.shape_cast %get3A_113 : vector<16xf32> to vector<16xf32>
    %mul3A_115 = arith.mulf %get3A_111, %get3A_114 : vector<16xf32>
    %add3A_116 = arith.addf %mul3A_108, %mul3A_115 : vector<16xf32>
    %mul3A_117 = arith.mulf %add3A_116, %div3A_8 : vector<16xf32>
    %swap3A_118 = arith.constant 64 : index
    %swap3A_119 = tpu.vector_load %arg19[%swap3A_118] {strides = array<i32>} : memref<128xf32, #tpu.memory_space<vmem>>, vector<16xf32>,
    %swap3A_120 = vector.shape_cast %swap3A_119 : vector<16xf32> to vector<16xf32>
    %swap3A_121 = vector.shape_cast %mul3A_117 : vector<16xf32> to vector<16xf32>
    tpu.vector_store %arg19[%swap3A_118], %swap3A_121 {strides = array<i32>} : memref<128xf32, #tpu.memory_space<vmem>>, vector<16xf32>,
    %get3A_122 = arith.constant 80 : index
    %get3A_123 = tpu.vector_load %arg10[%get3A_122] {strides = array<i32>} : memref<128xf32, #tpu.memory_space<vmem>>, vector<16xf32>,
    %get3A_124 = vector.shape_cast %get3A_123 : vector<16xf32> to vector<16xf32>
    %get3A_125 = arith.constant 80 : index
    %get3A_126 = tpu.vector_load %arg14[%get3A_125] {strides = array<i32>} : memref<128xf32, #tpu.memory_space<vmem>>, vector<16xf32>,
    %get3A_127 = vector.shape_cast %get3A_126 : vector<16xf32> to vector<16xf32>
    %mul3A_128 = arith.mulf %get3A_124, %get3A_127 : vector<16xf32>
    %get3A_129 = arith.constant 80 : index
    %get3A_130 = tpu.vector_load %arg11[%get3A_129] {strides = array<i32>} : memref<128xf32, #tpu.memory_space<vmem>>, vector<16xf32>,
    %get3A_131 = vector.shape_cast %get3A_130 : vector<16xf32> to vector<16xf32>
    %get3A_132 = arith.constant 80 : index
    %get3A_133 = tpu.vector_load %arg16[%get3A_132] {strides = array<i32>} : memref<128xf32, #tpu.memory_space<vmem>>, vector<16xf32>,
    %get3A_134 = vector.shape_cast %get3A_133 : vector<16xf32> to vector<16xf32>
    %mul3A_135 = arith.mulf %get3A_131, %get3A_134 : vector<16xf32>
    %add3A_136 = arith.addf %mul3A_128, %mul3A_135 : vector<16xf32>
    %mul3A_137 = arith.mulf %add3A_136, %div3A_8 : vector<16xf32>
    %swap3A_138 = arith.constant 80 : index
    %swap3A_139 = tpu.vector_load %arg19[%swap3A_138] {strides = array<i32>} : memref<128xf32, #tpu.memory_space<vmem>>, vector<16xf32>,
    %swap3A_140 = vector.shape_cast %swap3A_139 : vector<16xf32> to vector<16xf32>
    %swap3A_141 = vector.shape_cast %mul3A_137 : vector<16xf32> to vector<16xf32>
    tpu.vector_store %arg19[%swap3A_138], %swap3A_141 {strides = array<i32>} : memref<128xf32, #tpu.memory_space<vmem>>, vector<16xf32>,
    %get3A_142 = arith.constant 96 : index
    %get3A_143 = tpu.vector_load %arg10[%get3A_142] {strides = array<i32>} : memref<128xf32, #tpu.memory_space<vmem>>, vector<16xf32>,
    %get3A_144 = vector.shape_cast %get3A_143 : vector<16xf32> to vector<16xf32>
    %get3A_145 = arith.constant 96 : index
    %get3A_146 = tpu.vector_load %arg14[%get3A_145] {strides = array<i32>} : memref<128xf32, #tpu.memory_space<vmem>>, vector<16xf32>,
    %get3A_147 = vector.shape_cast %get3A_146 : vector<16xf32> to vector<16xf32>
    %mul3A_148 = arith.mulf %get3A_144, %get3A_147 : vector<16xf32>
    %get3A_149 = arith.constant 96 : index
    %get3A_150 = tpu.vector_load %arg11[%get3A_149] {strides = array<i32>} : memref<128xf32, #tpu.memory_space<vmem>>, vector<16xf32>,
    %get3A_151 = vector.shape_cast %get3A_150 : vector<16xf32> to vector<16xf32>
    %get3A_152 = arith.constant 96 : index
    %get3A_153 = tpu.vector_load %arg16[%get3A_152] {strides = array<i32>} : memref<128xf32, #tpu.memory_space<vmem>>, vector<16xf32>,
    %get3A_154 = vector.shape_cast %get3A_153 : vector<16xf32> to vector<16xf32>
    %mul3A_155 = arith.mulf %get3A_151, %get3A_154 : vector<16xf32>
    %add3A_156 = arith.addf %mul3A_148, %mul3A_155 : vector<16xf32>
    %mul3A_157 = arith.mulf %add3A_156, %div3A_8 : vector<16xf32>
    %swap3A_158 = arith.constant 96 : index
    %swap3A_159 = tpu.vector_load %arg19[%swap3A_158] {strides = array<i32>} : memref<128xf32, #tpu.memory_space<vmem>>, vector<16xf32>,
    %swap3A_160 = vector.shape_cast %swap3A_159 : vector<16xf32> to vector<16xf32>
    %swap3A_161 = vector.shape_cast %mul3A_157 : vector<16xf32> to vector<16xf32>
    tpu.vector_store %arg19[%swap3A_158], %swap3A_161 {strides = array<i32>} : memref<128xf32, #tpu.memory_space<vmem>>, vector<16xf32>,
    %get3A_162 = arith.constant 112 : index
    %get3A_163 = tpu.vector_load %arg10[%get3A_162] {strides = array<i32>} : memref<128xf32, #tpu.memory_space<vmem>>, vector<16xf32>,
    %get3A_164 = vector.shape_cast %get3A_163 : vector<16xf32> to vector<16xf32>
    %get3A_165 = arith.constant 112 : index
    %get3A_166 = tpu.vector_load %arg14[%get3A_165] {strides = array<i32>} : memref<128xf32, #tpu.memory_space<vmem>>, vector<16xf32>,
    %get3A_167 = vector.shape_cast %get3A_166 : vector<16xf32> to vector<16xf32>
    %mul3A_168 = arith.mulf %get3A_164, %get3A_167 : vector<16xf32>
    %get3A_169 = arith.constant 112 : index
    %get3A_170 = tpu.vector_load %arg11[%get3A_169] {strides = array<i32>} : memref<128xf32, #tpu.memory_space<vmem>>, vector<16xf32>,
    %get3A_171 = vector.shape_cast %get3A_170 : vector<16xf32> to vector<16xf32>
    %get3A_172 = arith.constant 112 : index
    %get3A_173 = tpu.vector_load %arg16[%get3A_172] {strides = array<i32>} : memref<128xf32, #tpu.memory_space<vmem>>, vector<16xf32>,
    %get3A_174 = vector.shape_cast %get3A_173 : vector<16xf32> to vector<16xf32>
    %mul3A_175 = arith.mulf %get3A_171, %get3A_174 : vector<16xf32>
    %add3A_176 = arith.addf %mul3A_168, %mul3A_175 : vector<16xf32>
    %mul3A_177 = arith.mulf %add3A_176, %div3A_8 : vector<16xf32>
    %swap3A_178 = arith.constant 112 : index
    %swap3A_179 = tpu.vector_load %arg19[%swap3A_178] {strides = array<i32>} : memref<128xf32, #tpu.memory_space<vmem>>, vector<16xf32>,
    %swap3A_180 = vector.shape_cast %swap3A_179 : vector<16xf32> to vector<16xf32>
    %swap3A_181 = vector.shape_cast %mul3A_177 : vector<16xf32> to vector<16xf32>
    tpu.vector_store %arg19[%swap3A_178], %swap3A_181 {strides = array<i32>} : memref<128xf32, #tpu.memory_space<vmem>>, vector<16xf32>,
    %add3A_182 = arith.constant 0 : i32
    %add3A_183 = arith.addi %add3A_182, %mul3A_2 : i32
    "tpu.region"() ({
      %run_scoped3A = tpu.sem_alloc : memref<!tpu.dma_semaphore, #tpu.memory_space<semaphore_mem>>
      %dma_start3A_346 = tpu.memref_slice %arg9[%add3A_183] : memref<8192xf32, #tpu.memory_space<hbm>> -> memref<128xf32, #tpu.memory_space<hbm>>
      %dma_start3A_347 = tpu.memref_slice %arg9[%add3A_183] : memref<8192xf32, #tpu.memory_space<hbm>> -> memref<128xf32, #tpu.memory_space<hbm>>
      tpu.enqueue_dma source(%arg19 : memref<128xf32, #tpu.memory_space<vmem>>) target(%dma_start3A_347 : memref<128xf32, #tpu.memory_space<hbm>>) target_semaphore(%run_scoped3A : memref<!tpu.dma_semaphore, #tpu.memory_space<semaphore_mem>>)
      %dma_wait3A_348 = tpu.memref_slice %arg9[%add3A_183] : memref<8192xf32, #tpu.memory_space<hbm>> -> memref<128xf32, #tpu.memory_space<hbm>>
      %dma_wait3A_349 = tpu.memref_slice %arg9[%add3A_183] : memref<8192xf32, #tpu.memory_space<hbm>> -> memref<128xf32, #tpu.memory_space<hbm>>
      tpu.wait_dma2 semaphore(%run_scoped3A : memref<!tpu.dma_semaphore, #tpu.memory_space<semaphore_mem>>) src(%arg19 : memref<128xf32, #tpu.memory_space<vmem>>) dst(%dma_wait3A_349 : memref<128xf32, #tpu.memory_space<hbm>>)
      tpu.yield
    }) : () -> ()
    %get3A_184 = arith.constant 0 : index
    %get3A_185 = tpu.vector_load %arg10[%get3A_184] {strides = array<i32>} : memref<128xf32, #tpu.memory_space<vmem>>, vector<16xf32>,
    %get3A_186 = vector.shape_cast %get3A_185 : vector<16xf32> to vector<16xf32>
    %get3A_187 = arith.constant 0 : index
    %get3A_188 = tpu.vector_load %arg15[%get3A_187] {strides = array<i32>} : memref<128xf32, #tpu.memory_space<vmem>>, vector<16xf32>,
    %get3A_189 = vector.shape_cast %get3A_188 : vector<16xf32> to vector<16xf32>
    %mul3A_190 = arith.mulf %get3A_186, %get3A_189 : vector<16xf32>
    %get3A_191 = arith.constant 0 : index
    %get3A_192 = tpu.vector_load %arg11[%get3A_191] {strides = array<i32>} : memref<128xf32, #tpu.memory_space<vmem>>, vector<16xf32>,
    %get3A_193 = vector.shape_cast %get3A_192 : vector<16xf32> to vector<16xf32>
    %get3A_194 = arith.constant 0 : index
    %get3A_195 = tpu.vector_load %arg17[%get3A_194] {strides = array<i32>} : memref<128xf32, #tpu.memory_space<vmem>>, vector<16xf32>,
    %get3A_196 = vector.shape_cast %get3A_195 : vector<16xf32> to vector<16xf32>
    %mul3A_197 = arith.mulf %get3A_193, %get3A_196 : vector<16xf32>
    %add3A_198 = arith.addf %mul3A_190, %mul3A_197 : vector<16xf32>
    %mul3A_199 = arith.mulf %add3A_198, %div3A_8 : vector<16xf32>
    %swap3A_200 = arith.constant 0 : index
    %swap3A_201 = tpu.vector_load %arg19[%swap3A_200] {strides = array<i32>} : memref<128xf32, #tpu.memory_space<vmem>>, vector<16xf32>,
    %swap3A_202 = vector.shape_cast %swap3A_201 : vector<16xf32> to vector<16xf32>
    %swap3A_203 = vector.shape_cast %mul3A_199 : vector<16xf32> to vector<16xf32>
    tpu.vector_store %arg19[%swap3A_200], %swap3A_203 {strides = array<i32>} : memref<128xf32, #tpu.memory_space<vmem>>, vector<16xf32>,
    %get3A_204 = arith.constant 16 : index
    %get3A_205 = tpu.vector_load %arg10[%get3A_204] {strides = array<i32>} : memref<128xf32, #tpu.memory_space<vmem>>, vector<16xf32>,
    %get3A_206 = vector.shape_cast %get3A_205 : vector<16xf32> to vector<16xf32>
    %get3A_207 = arith.constant 16 : index
    %get3A_208 = tpu.vector_load %arg15[%get3A_207] {strides = array<i32>} : memref<128xf32, #tpu.memory_space<vmem>>, vector<16xf32>,
    %get3A_209 = vector.shape_cast %get3A_208 : vector<16xf32> to vector<16xf32>
    %mul3A_210 = arith.mulf %get3A_206, %get3A_209 : vector<16xf32>
    %get3A_211 = arith.constant 16 : index
    %get3A_212 = tpu.vector_load %arg11[%get3A_211] {strides = array<i32>} : memref<128xf32, #tpu.memory_space<vmem>>, vector<16xf32>,
    %get3A_213 = vector.shape_cast %get3A_212 : vector<16xf32> to vector<16xf32>
    %get3A_214 = arith.constant 16 : index
    %get3A_215 = tpu.vector_load %arg17[%get3A_214] {strides = array<i32>} : memref<128xf32, #tpu.memory_space<vmem>>, vector<16xf32>,
    %get3A_216 = vector.shape_cast %get3A_215 : vector<16xf32> to vector<16xf32>
    %mul3A_217 = arith.mulf %get3A_213, %get3A_216 : vector<16xf32>
    %add3A_218 = arith.addf %mul3A_210, %mul3A_217 : vector<16xf32>
    %mul3A_219 = arith.mulf %add3A_218, %div3A_8 : vector<16xf32>
    %swap3A_220 = arith.constant 16 : index
    %swap3A_221 = tpu.vector_load %arg19[%swap3A_220] {strides = array<i32>} : memref<128xf32, #tpu.memory_space<vmem>>, vector<16xf32>,
    %swap3A_222 = vector.shape_cast %swap3A_221 : vector<16xf32> to vector<16xf32>
    %swap3A_223 = vector.shape_cast %mul3A_219 : vector<16xf32> to vector<16xf32>
    tpu.vector_store %arg19[%swap3A_220], %swap3A_223 {strides = array<i32>} : memref<128xf32, #tpu.memory_space<vmem>>, vector<16xf32>,
    %get3A_224 = arith.constant 32 : index
    %get3A_225 = tpu.vector_load %arg10[%get3A_224] {strides = array<i32>} : memref<128xf32, #tpu.memory_space<vmem>>, vector<16xf32>,
    %get3A_226 = vector.shape_cast %get3A_225 : vector<16xf32> to vector<16xf32>
    %get3A_227 = arith.constant 32 : index
    %get3A_228 = tpu.vector_load %arg15[%get3A_227] {strides = array<i32>} : memref<128xf32, #tpu.memory_space<vmem>>, vector<16xf32>,
    %get3A_229 = vector.shape_cast %get3A_228 : vector<16xf32> to vector<16xf32>
    %mul3A_230 = arith.mulf %get3A_226, %get3A_229 : vector<16xf32>
    %get3A_231 = arith.constant 32 : index
    %get3A_232 = tpu.vector_load %arg11[%get3A_231] {strides = array<i32>} : memref<128xf32, #tpu.memory_space<vmem>>, vector<16xf32>,
    %get3A_233 = vector.shape_cast %get3A_232 : vector<16xf32> to vector<16xf32>
    %get3A_234 = arith.constant 32 : index
    %get3A_235 = tpu.vector_load %arg17[%get3A_234] {strides = array<i32>} : memref<128xf32, #tpu.memory_space<vmem>>, vector<16xf32>,
    %get3A_236 = vector.shape_cast %get3A_235 : vector<16xf32> to vector<16xf32>
    %mul3A_237 = arith.mulf %get3A_233, %get3A_236 : vector<16xf32>
    %add3A_238 = arith.addf %mul3A_230, %mul3A_237 : vector<16xf32>
    %mul3A_239 = arith.mulf %add3A_238, %div3A_8 : vector<16xf32>
    %swap3A_240 = arith.constant 32 : index
    %swap3A_241 = tpu.vector_load %arg19[%swap3A_240] {strides = array<i32>} : memref<128xf32, #tpu.memory_space<vmem>>, vector<16xf32>,
    %swap3A_242 = vector.shape_cast %swap3A_241 : vector<16xf32> to vector<16xf32>
    %swap3A_243 = vector.shape_cast %mul3A_239 : vector<16xf32> to vector<16xf32>
    tpu.vector_store %arg19[%swap3A_240], %swap3A_243 {strides = array<i32>} : memref<128xf32, #tpu.memory_space<vmem>>, vector<16xf32>,
    %get3A_244 = arith.constant 48 : index
    %get3A_245 = tpu.vector_load %arg10[%get3A_244] {strides = array<i32>} : memref<128xf32, #tpu.memory_space<vmem>>, vector<16xf32>,
    %get3A_246 = vector.shape_cast %get3A_245 : vector<16xf32> to vector<16xf32>
    %get3A_247 = arith.constant 48 : index
    %get3A_248 = tpu.vector_load %arg15[%get3A_247] {strides = array<i32>} : memref<128xf32, #tpu.memory_space<vmem>>, vector<16xf32>,
    %get3A_249 = vector.shape_cast %get3A_248 : vector<16xf32> to vector<16xf32>
    %mul3A_250 = arith.mulf %get3A_246, %get3A_249 : vector<16xf32>
    %get3A_251 = arith.constant 48 : index
    %get3A_252 = tpu.vector_load %arg11[%get3A_251] {strides = array<i32>} : memref<128xf32, #tpu.memory_space<vmem>>, vector<16xf32>,
    %get3A_253 = vector.shape_cast %get3A_252 : vector<16xf32> to vector<16xf32>
    %get3A_254 = arith.constant 48 : index
    %get3A_255 = tpu.vector_load %arg17[%get3A_254] {strides = array<i32>} : memref<128xf32, #tpu.memory_space<vmem>>, vector<16xf32>,
    %get3A_256 = vector.shape_cast %get3A_255 : vector<16xf32> to vector<16xf32>
    %mul3A_257 = arith.mulf %get3A_253, %get3A_256 : vector<16xf32>
    %add3A_258 = arith.addf %mul3A_250, %mul3A_257 : vector<16xf32>
    %mul3A_259 = arith.mulf %add3A_258, %div3A_8 : vector<16xf32>
    %swap3A_260 = arith.constant 48 : index
    %swap3A_261 = tpu.vector_load %arg19[%swap3A_260] {strides = array<i32>} : memref<128xf32, #tpu.memory_space<vmem>>, vector<16xf32>,
    %swap3A_262 = vector.shape_cast %swap3A_261 : vector<16xf32> to vector<16xf32>
    %swap3A_263 = vector.shape_cast %mul3A_259 : vector<16xf32> to vector<16xf32>
    tpu.vector_store %arg19[%swap3A_260], %swap3A_263 {strides = array<i32>} : memref<128xf32, #tpu.memory_space<vmem>>, vector<16xf32>,
    %get3A_264 = arith.constant 64 : index
    %get3A_265 = tpu.vector_load %arg10[%get3A_264] {strides = array<i32>} : memref<128xf32, #tpu.memory_space<vmem>>, vector<16xf32>,
    %get3A_266 = vector.shape_cast %get3A_265 : vector<16xf32> to vector<16xf32>
    %get3A_267 = arith.constant 64 : index
    %get3A_268 = tpu.vector_load %arg15[%get3A_267] {strides = array<i32>} : memref<128xf32, #tpu.memory_space<vmem>>, vector<16xf32>,
    %get3A_269 = vector.shape_cast %get3A_268 : vector<16xf32> to vector<16xf32>
    %mul3A_270 = arith.mulf %get3A_266, %get3A_269 : vector<16xf32>
    %get3A_271 = arith.constant 64 : index
    %get3A_272 = tpu.vector_load %arg11[%get3A_271] {strides = array<i32>} : memref<128xf32, #tpu.memory_space<vmem>>, vector<16xf32>,
    %get3A_273 = vector.shape_cast %get3A_272 : vector<16xf32> to vector<16xf32>
    %get3A_274 = arith.constant 64 : index
    %get3A_275 = tpu.vector_load %arg17[%get3A_274] {strides = array<i32>} : memref<128xf32, #tpu.memory_space<vmem>>, vector<16xf32>,
    %get3A_276 = vector.shape_cast %get3A_275 : vector<16xf32> to vector<16xf32>
    %mul3A_277 = arith.mulf %get3A_273, %get3A_276 : vector<16xf32>
    %add3A_278 = arith.addf %mul3A_270, %mul3A_277 : vector<16xf32>
    %mul3A_279 = arith.mulf %add3A_278, %div3A_8 : vector<16xf32>
    %swap3A_280 = arith.constant 64 : index
    %swap3A_281 = tpu.vector_load %arg19[%swap3A_280] {strides = array<i32>} : memref<128xf32, #tpu.memory_space<vmem>>, vector<16xf32>,
    %swap3A_282 = vector.shape_cast %swap3A_281 : vector<16xf32> to vector<16xf32>
    %swap3A_283 = vector.shape_cast %mul3A_279 : vector<16xf32> to vector<16xf32>
    tpu.vector_store %arg19[%swap3A_280], %swap3A_283 {strides = array<i32>} : memref<128xf32, #tpu.memory_space<vmem>>, vector<16xf32>,
    %get3A_284 = arith.constant 80 : index
    %get3A_285 = tpu.vector_load %arg10[%get3A_284] {strides = array<i32>} : memref<128xf32, #tpu.memory_space<vmem>>, vector<16xf32>,
    %get3A_286 = vector.shape_cast %get3A_285 : vector<16xf32> to vector<16xf32>
    %get3A_287 = arith.constant 80 : index
    %get3A_288 = tpu.vector_load %arg15[%get3A_287] {strides = array<i32>} : memref<128xf32, #tpu.memory_space<vmem>>, vector<16xf32>,
    %get3A_289 = vector.shape_cast %get3A_288 : vector<16xf32> to vector<16xf32>
    %mul3A_290 = arith.mulf %get3A_286, %get3A_289 : vector<16xf32>
    %get3A_291 = arith.constant 80 : index
    %get3A_292 = tpu.vector_load %arg11[%get3A_291] {strides = array<i32>} : memref<128xf32, #tpu.memory_space<vmem>>, vector<16xf32>,
    %get3A_293 = vector.shape_cast %get3A_292 : vector<16xf32> to vector<16xf32>
    %get3A_294 = arith.constant 80 : index
    %get3A_295 = tpu.vector_load %arg17[%get3A_294] {strides = array<i32>} : memref<128xf32, #tpu.memory_space<vmem>>, vector<16xf32>,
    %get3A_296 = vector.shape_cast %get3A_295 : vector<16xf32> to vector<16xf32>
    %mul3A_297 = arith.mulf %get3A_293, %get3A_296 : vector<16xf32>
    %add3A_298 = arith.addf %mul3A_290, %mul3A_297 : vector<16xf32>
    %mul3A_299 = arith.mulf %add3A_298, %div3A_8 : vector<16xf32>
    %swap3A_300 = arith.constant 80 : index
    %swap3A_301 = tpu.vector_load %arg19[%swap3A_300] {strides = array<i32>} : memref<128xf32, #tpu.memory_space<vmem>>, vector<16xf32>,
    %swap3A_302 = vector.shape_cast %swap3A_301 : vector<16xf32> to vector<16xf32>
    %swap3A_303 = vector.shape_cast %mul3A_299 : vector<16xf32> to vector<16xf32>
    tpu.vector_store %arg19[%swap3A_300], %swap3A_303 {strides = array<i32>} : memref<128xf32, #tpu.memory_space<vmem>>, vector<16xf32>,
    %get3A_304 = arith.constant 96 : index
    %get3A_305 = tpu.vector_load %arg10[%get3A_304] {strides = array<i32>} : memref<128xf32, #tpu.memory_space<vmem>>, vector<16xf32>,
    %get3A_306 = vector.shape_cast %get3A_305 : vector<16xf32> to vector<16xf32>
    %get3A_307 = arith.constant 96 : index
    %get3A_308 = tpu.vector_load %arg15[%get3A_307] {strides = array<i32>} : memref<128xf32, #tpu.memory_space<vmem>>, vector<16xf32>,
    %get3A_309 = vector.shape_cast %get3A_308 : vector<16xf32> to vector<16xf32>
    %mul3A_310 = arith.mulf %get3A_306, %get3A_309 : vector<16xf32>
    %get3A_311 = arith.constant 96 : index
    %get3A_312 = tpu.vector_load %arg11[%get3A_311] {strides = array<i32>} : memref<128xf32, #tpu.memory_space<vmem>>, vector<16xf32>,
    %get3A_313 = vector.shape_cast %get3A_312 : vector<16xf32> to vector<16xf32>
    %get3A_314 = arith.constant 96 : index
    %get3A_315 = tpu.vector_load %arg17[%get3A_314] {strides = array<i32>} : memref<128xf32, #tpu.memory_space<vmem>>, vector<16xf32>,
    %get3A_316 = vector.shape_cast %get3A_315 : vector<16xf32> to vector<16xf32>
    %mul3A_317 = arith.mulf %get3A_313, %get3A_316 : vector<16xf32>
    %add3A_318 = arith.addf %mul3A_310, %mul3A_317 : vector<16xf32>
    %mul3A_319 = arith.mulf %add3A_318, %div3A_8 : vector<16xf32>
    %swap3A_320 = arith.constant 96 : index
    %swap3A_321 = tpu.vector_load %arg19[%swap3A_320] {strides = array<i32>} : memref<128xf32, #tpu.memory_space<vmem>>, vector<16xf32>,
    %swap3A_322 = vector.shape_cast %swap3A_321 : vector<16xf32> to vector<16xf32>
    %swap3A_323 = vector.shape_cast %mul3A_319 : vector<16xf32> to vector<16xf32>
    tpu.vector_store %arg19[%swap3A_320], %swap3A_323 {strides = array<i32>} : memref<128xf32, #tpu.memory_space<vmem>>, vector<16xf32>,
    %get3A_324 = arith.constant 112 : index
    %get3A_325 = tpu.vector_load %arg10[%get3A_324] {strides = array<i32>} : memref<128xf32, #tpu.memory_space<vmem>>, vector<16xf32>,
    %get3A_326 = vector.shape_cast %get3A_325 : vector<16xf32> to vector<16xf32>
    %get3A_327 = arith.constant 112 : index
    %get3A_328 = tpu.vector_load %arg15[%get3A_327] {strides = array<i32>} : memref<128xf32, #tpu.memory_space<vmem>>, vector<16xf32>,
    %get3A_329 = vector.shape_cast %get3A_328 : vector<16xf32> to vector<16xf32>
    %mul3A_330 = arith.mulf %get3A_326, %get3A_329 : vector<16xf32>
    %get3A_331 = arith.constant 112 : index
    %get3A_332 = tpu.vector_load %arg11[%get3A_331] {strides = array<i32>} : memref<128xf32, #tpu.memory_space<vmem>>, vector<16xf32>,
    %get3A_333 = vector.shape_cast %get3A_332 : vector<16xf32> to vector<16xf32>
    %get3A_334 = arith.constant 112 : index
    %get3A_335 = tpu.vector_load %arg17[%get3A_334] {strides = array<i32>} : memref<128xf32, #tpu.memory_space<vmem>>, vector<16xf32>,
    %get3A_336 = vector.shape_cast %get3A_335 : vector<16xf32> to vector<16xf32>
    %mul3A_337 = arith.mulf %get3A_333, %get3A_336 : vector<16xf32>
    %add3A_338 = arith.addf %mul3A_330, %mul3A_337 : vector<16xf32>
    %mul3A_339 = arith.mulf %add3A_338, %div3A_8 : vector<16xf32>
    %swap3A_340 = arith.constant 112 : index
    %swap3A_341 = tpu.vector_load %arg19[%swap3A_340] {strides = array<i32>} : memref<128xf32, #tpu.memory_space<vmem>>, vector<16xf32>,
    %swap3A_342 = vector.shape_cast %swap3A_341 : vector<16xf32> to vector<16xf32>
    %swap3A_343 = vector.shape_cast %mul3A_339 : vector<16xf32> to vector<16xf32>
    tpu.vector_store %arg19[%swap3A_340], %swap3A_343 {strides = array<i32>} : memref<128xf32, #tpu.memory_space<vmem>>, vector<16xf32>,
    %add3A_344 = arith.constant 4096 : i32
    %add3A_345 = arith.addi %add3A_344, %mul3A_2 : i32
    "tpu.region"() ({
      %run_scoped3A = tpu.sem_alloc : memref<!tpu.dma_semaphore, #tpu.memory_space<semaphore_mem>>
      %dma_start3A_346 = tpu.memref_slice %arg9[%add3A_345] : memref<8192xf32, #tpu.memory_space<hbm>> -> memref<128xf32, #tpu.memory_space<hbm>>
      %dma_start3A_347 = tpu.memref_slice %arg9[%add3A_345] : memref<8192xf32, #tpu.memory_space<hbm>> -> memref<128xf32, #tpu.memory_space<hbm>>
      tpu.enqueue_dma source(%arg19 : memref<128xf32, #tpu.memory_space<vmem>>) target(%dma_start3A_347 : memref<128xf32, #tpu.memory_space<hbm>>) target_semaphore(%run_scoped3A : memref<!tpu.dma_semaphore, #tpu.memory_space<semaphore_mem>>)
      %dma_wait3A_348 = tpu.memref_slice %arg9[%add3A_345] : memref<8192xf32, #tpu.memory_space<hbm>> -> memref<128xf32, #tpu.memory_space<hbm>>
      %dma_wait3A_349 = tpu.memref_slice %arg9[%add3A_345] : memref<8192xf32, #tpu.memory_space<hbm>> -> memref<128xf32, #tpu.memory_space<hbm>>
      tpu.wait_dma2 semaphore(%run_scoped3A : memref<!tpu.dma_semaphore, #tpu.memory_space<semaphore_mem>>) src(%arg19 : memref<128xf32, #tpu.memory_space<vmem>>) dst(%dma_wait3A_349 : memref<128xf32, #tpu.memory_space<hbm>>)
      tpu.yield
    }) : () -> ()
    return
  }
}

#map = affine_map<(d0, d1) -> (0, 0)>
#map1 = affine_map<(d0, d1) -> (0)>
module attributes {stable_mosaic.version = 14 : i64} {
  func.func @_k2_body(%arg0: i32, %arg1: i32, %arg2: memref<4096x1024xi32, #tpu.memory_space<hbm>>, %arg3: memref<8192xi32, #tpu.memory_space<hbm>>, %arg4: memref<12288x1024xi32, #tpu.memory_space<hbm>>, %arg5: memref<32xi32, #tpu.memory_space<vmem>>, %arg6: memref<32xi32, #tpu.memory_space<vmem>>, %arg7: memref<32x1024xi32, #tpu.memory_space<vmem>>, %arg8: memref<32x1024xi32, #tpu.memory_space<vmem>>, %arg9: memref<!tpu.dma_semaphore, #tpu.memory_space<semaphore_mem>>, %arg10: memref<!tpu.dma_semaphore, #tpu.memory_space<semaphore_mem>>) attributes {dimension_semantics = [#tpu.dimension_semantics<core_parallel>, #tpu.dimension_semantics<subcore_parallel>], iteration_bounds = array<i64: 2, 16>, scalar_prefetch = 0 : i64, scratch_operands = 6 : i64, tpu.core_type = #tpu.core_type<sc_vector_subcore>, window_params = [{transform_indices = #map}, {transform_indices = #map1}, {transform_indices = #map}]} {
    %mul3A = arith.constant 2 : i32
    %mul3A_0 = arith.muli %arg1, %mul3A : i32
    %add3A = arith.addi %mul3A_0, %arg0 : i32
    %mul3A_1 = arith.constant 256 : i32
    %mul3A_2 = arith.muli %add3A, %mul3A_1 : i32
    %and3A = arith.constant 4095 : i32
    %and3A_3 = arith.andi %mul3A_2, %and3A : i32
    %multiple_of3A = tpu.assume_multiple %and3A_3, 32 : i32
    %dma_start3A = arith.constant 0 : i32
    %dma_start3A_4 = tpu.memref_slice %arg2[%multiple_of3A, %dma_start3A] : memref<4096x1024xi32, #tpu.memory_space<hbm>> -> memref<32x1024xi32, #tpu.memory_space<hbm>>
    %dma_start3A_5 = arith.constant 0 : i32
    %dma_start3A_6 = tpu.memref_slice %arg2[%multiple_of3A, %dma_start3A_5] : memref<4096x1024xi32, #tpu.memory_space<hbm>> -> memref<32x1024xi32, #tpu.memory_space<hbm>>
    tpu.enqueue_dma source(%dma_start3A_6 : memref<32x1024xi32, #tpu.memory_space<hbm>>) target(%arg7 : memref<32x1024xi32, #tpu.memory_space<vmem>>) target_semaphore(%arg9 : memref<!tpu.dma_semaphore, #tpu.memory_space<semaphore_mem>>)
    %add3A_7 = arith.constant 0 : i32
    %add3A_8 = arith.addi %mul3A_2, %add3A_7 : i32
    "tpu.region"() ({
      %run_scoped3A = tpu.sem_alloc : memref<!tpu.dma_semaphore, #tpu.memory_space<semaphore_mem>>
      %dma_start3A_144 = tpu.memref_slice %arg3[%add3A_8] : memref<8192xi32, #tpu.memory_space<hbm>> -> memref<32xi32, #tpu.memory_space<hbm>>
      %dma_start3A_145 = tpu.memref_slice %arg3[%add3A_8] : memref<8192xi32, #tpu.memory_space<hbm>> -> memref<32xi32, #tpu.memory_space<hbm>>
      tpu.enqueue_dma source(%dma_start3A_145 : memref<32xi32, #tpu.memory_space<hbm>>) target(%arg5 : memref<32xi32, #tpu.memory_space<vmem>>) target_semaphore(%run_scoped3A : memref<!tpu.dma_semaphore, #tpu.memory_space<semaphore_mem>>)
      %dma_wait3A_146 = tpu.memref_slice %arg3[%add3A_8] : memref<8192xi32, #tpu.memory_space<hbm>> -> memref<32xi32, #tpu.memory_space<hbm>>
      %dma_wait3A_147 = tpu.memref_slice %arg3[%add3A_8] : memref<8192xi32, #tpu.memory_space<hbm>> -> memref<32xi32, #tpu.memory_space<hbm>>
      tpu.wait_dma2 semaphore(%run_scoped3A : memref<!tpu.dma_semaphore, #tpu.memory_space<semaphore_mem>>) src(%dma_wait3A_147 : memref<32xi32, #tpu.memory_space<hbm>>) dst(%arg5 : memref<32xi32, #tpu.memory_space<vmem>>)
      tpu.yield
    }) : () -> ()
    %dma_wait3A = arith.constant 0 : i32
    %dma_wait3A_9 = tpu.memref_slice %arg2[%multiple_of3A, %dma_wait3A] : memref<4096x1024xi32, #tpu.memory_space<hbm>> -> memref<32x1024xi32, #tpu.memory_space<hbm>>
    %dma_wait3A_10 = arith.constant 0 : i32
    %dma_wait3A_11 = tpu.memref_slice %arg2[%multiple_of3A, %dma_wait3A_10] : memref<4096x1024xi32, #tpu.memory_space<hbm>> -> memref<32x1024xi32, #tpu.memory_space<hbm>>
    tpu.wait_dma2 semaphore(%arg9 : memref<!tpu.dma_semaphore, #tpu.memory_space<semaphore_mem>>) src(%dma_wait3A_11 : memref<32x1024xi32, #tpu.memory_space<hbm>>) dst(%arg7 : memref<32x1024xi32, #tpu.memory_space<vmem>>)
    %dma_start3A_12 = arith.constant 0 : i32
    %dma_start3A_13 = arith.constant 0 : i32
    %dma_start3A_14 = tpu.memref_slice %arg4[%dma_start3A_12, %dma_start3A_13] : memref<12288x1024xi32, #tpu.memory_space<hbm>> -> memref<12288x1024xi32, #tpu.memory_space<hbm>>
    tpu.enqueue_indirect_dma source(%arg7 : memref<32x1024xi32, #tpu.memory_space<vmem>>) target(%dma_start3A_14 : memref<12288x1024xi32, #tpu.memory_space<hbm>>) offsets(%arg5 : memref<32xi32, #tpu.memory_space<vmem>>) semaphore(%arg10 : memref<!tpu.dma_semaphore, #tpu.memory_space<semaphore_mem>>)
    %add3A_15 = arith.constant 32 : i32
    %add3A_16 = arith.addi %multiple_of3A, %add3A_15 : i32
    %dma_start3A_17 = arith.constant 0 : i32
    %dma_start3A_18 = tpu.memref_slice %arg2[%add3A_16, %dma_start3A_17] : memref<4096x1024xi32, #tpu.memory_space<hbm>> -> memref<32x1024xi32, #tpu.memory_space<hbm>>
    %dma_start3A_19 = arith.constant 0 : i32
    %dma_start3A_20 = tpu.memref_slice %arg2[%add3A_16, %dma_start3A_19] : memref<4096x1024xi32, #tpu.memory_space<hbm>> -> memref<32x1024xi32, #tpu.memory_space<hbm>>
    tpu.enqueue_dma source(%dma_start3A_20 : memref<32x1024xi32, #tpu.memory_space<hbm>>) target(%arg8 : memref<32x1024xi32, #tpu.memory_space<vmem>>) target_semaphore(%arg9 : memref<!tpu.dma_semaphore, #tpu.memory_space<semaphore_mem>>)
    %add3A_21 = arith.constant 32 : i32
    %add3A_22 = arith.addi %mul3A_2, %add3A_21 : i32
    "tpu.region"() ({
      %run_scoped3A = tpu.sem_alloc : memref<!tpu.dma_semaphore, #tpu.memory_space<semaphore_mem>>
      %dma_start3A_144 = tpu.memref_slice %arg3[%add3A_22] : memref<8192xi32, #tpu.memory_space<hbm>> -> memref<32xi32, #tpu.memory_space<hbm>>
      %dma_start3A_145 = tpu.memref_slice %arg3[%add3A_22] : memref<8192xi32, #tpu.memory_space<hbm>> -> memref<32xi32, #tpu.memory_space<hbm>>
      tpu.enqueue_dma source(%dma_start3A_145 : memref<32xi32, #tpu.memory_space<hbm>>) target(%arg6 : memref<32xi32, #tpu.memory_space<vmem>>) target_semaphore(%run_scoped3A : memref<!tpu.dma_semaphore, #tpu.memory_space<semaphore_mem>>)
      %dma_wait3A_146 = tpu.memref_slice %arg3[%add3A_22] : memref<8192xi32, #tpu.memory_space<hbm>> -> memref<32xi32, #tpu.memory_space<hbm>>
      %dma_wait3A_147 = tpu.memref_slice %arg3[%add3A_22] : memref<8192xi32, #tpu.memory_space<hbm>> -> memref<32xi32, #tpu.memory_space<hbm>>
      tpu.wait_dma2 semaphore(%run_scoped3A : memref<!tpu.dma_semaphore, #tpu.memory_space<semaphore_mem>>) src(%dma_wait3A_147 : memref<32xi32, #tpu.memory_space<hbm>>) dst(%arg6 : memref<32xi32, #tpu.memory_space<vmem>>)
      tpu.yield
    }) : () -> ()
    %dma_wait3A_23 = arith.constant 0 : i32
    %dma_wait3A_24 = tpu.memref_slice %arg2[%add3A_16, %dma_wait3A_23] : memref<4096x1024xi32, #tpu.memory_space<hbm>> -> memref<32x1024xi32, #tpu.memory_space<hbm>>
    %dma_wait3A_25 = arith.constant 0 : i32
    %dma_wait3A_26 = tpu.memref_slice %arg2[%add3A_16, %dma_wait3A_25] : memref<4096x1024xi32, #tpu.memory_space<hbm>> -> memref<32x1024xi32, #tpu.memory_space<hbm>>
    tpu.wait_dma2 semaphore(%arg9 : memref<!tpu.dma_semaphore, #tpu.memory_space<semaphore_mem>>) src(%dma_wait3A_26 : memref<32x1024xi32, #tpu.memory_space<hbm>>) dst(%arg8 : memref<32x1024xi32, #tpu.memory_space<vmem>>)
    %dma_start3A_27 = arith.constant 0 : i32
    %dma_start3A_28 = arith.constant 0 : i32
    %dma_start3A_29 = tpu.memref_slice %arg4[%dma_start3A_27, %dma_start3A_28] : memref<12288x1024xi32, #tpu.memory_space<hbm>> -> memref<12288x1024xi32, #tpu.memory_space<hbm>>
    tpu.enqueue_indirect_dma source(%arg8 : memref<32x1024xi32, #tpu.memory_space<vmem>>) target(%dma_start3A_29 : memref<12288x1024xi32, #tpu.memory_space<hbm>>) offsets(%arg6 : memref<32xi32, #tpu.memory_space<vmem>>) semaphore(%arg10 : memref<!tpu.dma_semaphore, #tpu.memory_space<semaphore_mem>>)
    %dma_wait3A_30 = arith.constant 0 : i32
    %dma_wait3A_31 = arith.constant 0 : i32
    %dma_wait3A_32 = tpu.memref_slice %arg4[%dma_wait3A_30, %dma_wait3A_31] : memref<12288x1024xi32, #tpu.memory_space<hbm>> -> memref<12288x1024xi32, #tpu.memory_space<hbm>>
    tpu.wait_indirect_dma semaphore(%arg10 : memref<!tpu.dma_semaphore, #tpu.memory_space<semaphore_mem>>) src(%arg7 : memref<32x1024xi32, #tpu.memory_space<vmem>>) dst(%dma_wait3A_32 : memref<12288x1024xi32, #tpu.memory_space<hbm>>)
    %add3A_33 = arith.constant 64 : i32
    %add3A_34 = arith.addi %multiple_of3A, %add3A_33 : i32
    %dma_start3A_35 = arith.constant 0 : i32
    %dma_start3A_36 = tpu.memref_slice %arg2[%add3A_34, %dma_start3A_35] : memref<4096x1024xi32, #tpu.memory_space<hbm>> -> memref<32x1024xi32, #tpu.memory_space<hbm>>
    %dma_start3A_37 = arith.constant 0 : i32
    %dma_start3A_38 = tpu.memref_slice %arg2[%add3A_34, %dma_start3A_37] : memref<4096x1024xi32, #tpu.memory_space<hbm>> -> memref<32x1024xi32, #tpu.memory_space<hbm>>
    tpu.enqueue_dma source(%dma_start3A_38 : memref<32x1024xi32, #tpu.memory_space<hbm>>) target(%arg7 : memref<32x1024xi32, #tpu.memory_space<vmem>>) target_semaphore(%arg9 : memref<!tpu.dma_semaphore, #tpu.memory_space<semaphore_mem>>)
    %add3A_39 = arith.constant 64 : i32
    %add3A_40 = arith.addi %mul3A_2, %add3A_39 : i32
    "tpu.region"() ({
      %run_scoped3A = tpu.sem_alloc : memref<!tpu.dma_semaphore, #tpu.memory_space<semaphore_mem>>
      %dma_start3A_144 = tpu.memref_slice %arg3[%add3A_40] : memref<8192xi32, #tpu.memory_space<hbm>> -> memref<32xi32, #tpu.memory_space<hbm>>
      %dma_start3A_145 = tpu.memref_slice %arg3[%add3A_40] : memref<8192xi32, #tpu.memory_space<hbm>> -> memref<32xi32, #tpu.memory_space<hbm>>
      tpu.enqueue_dma source(%dma_start3A_145 : memref<32xi32, #tpu.memory_space<hbm>>) target(%arg5 : memref<32xi32, #tpu.memory_space<vmem>>) target_semaphore(%run_scoped3A : memref<!tpu.dma_semaphore, #tpu.memory_space<semaphore_mem>>)
      %dma_wait3A_146 = tpu.memref_slice %arg3[%add3A_40] : memref<8192xi32, #tpu.memory_space<hbm>> -> memref<32xi32, #tpu.memory_space<hbm>>
      %dma_wait3A_147 = tpu.memref_slice %arg3[%add3A_40] : memref<8192xi32, #tpu.memory_space<hbm>> -> memref<32xi32, #tpu.memory_space<hbm>>
      tpu.wait_dma2 semaphore(%run_scoped3A : memref<!tpu.dma_semaphore, #tpu.memory_space<semaphore_mem>>) src(%dma_wait3A_147 : memref<32xi32, #tpu.memory_space<hbm>>) dst(%arg5 : memref<32xi32, #tpu.memory_space<vmem>>)
      tpu.yield
    }) : () -> ()
    %dma_wait3A_41 = arith.constant 0 : i32
    %dma_wait3A_42 = tpu.memref_slice %arg2[%add3A_34, %dma_wait3A_41] : memref<4096x1024xi32, #tpu.memory_space<hbm>> -> memref<32x1024xi32, #tpu.memory_space<hbm>>
    %dma_wait3A_43 = arith.constant 0 : i32
    %dma_wait3A_44 = tpu.memref_slice %arg2[%add3A_34, %dma_wait3A_43] : memref<4096x1024xi32, #tpu.memory_space<hbm>> -> memref<32x1024xi32, #tpu.memory_space<hbm>>
    tpu.wait_dma2 semaphore(%arg9 : memref<!tpu.dma_semaphore, #tpu.memory_space<semaphore_mem>>) src(%dma_wait3A_44 : memref<32x1024xi32, #tpu.memory_space<hbm>>) dst(%arg7 : memref<32x1024xi32, #tpu.memory_space<vmem>>)
    %dma_start3A_45 = arith.constant 0 : i32
    %dma_start3A_46 = arith.constant 0 : i32
    %dma_start3A_47 = tpu.memref_slice %arg4[%dma_start3A_45, %dma_start3A_46] : memref<12288x1024xi32, #tpu.memory_space<hbm>> -> memref<12288x1024xi32, #tpu.memory_space<hbm>>
    tpu.enqueue_indirect_dma source(%arg7 : memref<32x1024xi32, #tpu.memory_space<vmem>>) target(%dma_start3A_47 : memref<12288x1024xi32, #tpu.memory_space<hbm>>) offsets(%arg5 : memref<32xi32, #tpu.memory_space<vmem>>) semaphore(%arg10 : memref<!tpu.dma_semaphore, #tpu.memory_space<semaphore_mem>>)
    %dma_wait3A_48 = arith.constant 0 : i32
    %dma_wait3A_49 = arith.constant 0 : i32
    %dma_wait3A_50 = tpu.memref_slice %arg4[%dma_wait3A_48, %dma_wait3A_49] : memref<12288x1024xi32, #tpu.memory_space<hbm>> -> memref<12288x1024xi32, #tpu.memory_space<hbm>>
    tpu.wait_indirect_dma semaphore(%arg10 : memref<!tpu.dma_semaphore, #tpu.memory_space<semaphore_mem>>) src(%arg8 : memref<32x1024xi32, #tpu.memory_space<vmem>>) dst(%dma_wait3A_50 : memref<12288x1024xi32, #tpu.memory_space<hbm>>)
    %add3A_51 = arith.constant 96 : i32
    %add3A_52 = arith.addi %multiple_of3A, %add3A_51 : i32
    %dma_start3A_53 = arith.constant 0 : i32
    %dma_start3A_54 = tpu.memref_slice %arg2[%add3A_52, %dma_start3A_53] : memref<4096x1024xi32, #tpu.memory_space<hbm>> -> memref<32x1024xi32, #tpu.memory_space<hbm>>
    %dma_start3A_55 = arith.constant 0 : i32
    %dma_start3A_56 = tpu.memref_slice %arg2[%add3A_52, %dma_start3A_55] : memref<4096x1024xi32, #tpu.memory_space<hbm>> -> memref<32x1024xi32, #tpu.memory_space<hbm>>
    tpu.enqueue_dma source(%dma_start3A_56 : memref<32x1024xi32, #tpu.memory_space<hbm>>) target(%arg8 : memref<32x1024xi32, #tpu.memory_space<vmem>>) target_semaphore(%arg9 : memref<!tpu.dma_semaphore, #tpu.memory_space<semaphore_mem>>)
    %add3A_57 = arith.constant 96 : i32
    %add3A_58 = arith.addi %mul3A_2, %add3A_57 : i32
    "tpu.region"() ({
      %run_scoped3A = tpu.sem_alloc : memref<!tpu.dma_semaphore, #tpu.memory_space<semaphore_mem>>
      %dma_start3A_144 = tpu.memref_slice %arg3[%add3A_58] : memref<8192xi32, #tpu.memory_space<hbm>> -> memref<32xi32, #tpu.memory_space<hbm>>
      %dma_start3A_145 = tpu.memref_slice %arg3[%add3A_58] : memref<8192xi32, #tpu.memory_space<hbm>> -> memref<32xi32, #tpu.memory_space<hbm>>
      tpu.enqueue_dma source(%dma_start3A_145 : memref<32xi32, #tpu.memory_space<hbm>>) target(%arg6 : memref<32xi32, #tpu.memory_space<vmem>>) target_semaphore(%run_scoped3A : memref<!tpu.dma_semaphore, #tpu.memory_space<semaphore_mem>>)
      %dma_wait3A_146 = tpu.memref_slice %arg3[%add3A_58] : memref<8192xi32, #tpu.memory_space<hbm>> -> memref<32xi32, #tpu.memory_space<hbm>>
      %dma_wait3A_147 = tpu.memref_slice %arg3[%add3A_58] : memref<8192xi32, #tpu.memory_space<hbm>> -> memref<32xi32, #tpu.memory_space<hbm>>
      tpu.wait_dma2 semaphore(%run_scoped3A : memref<!tpu.dma_semaphore, #tpu.memory_space<semaphore_mem>>) src(%dma_wait3A_147 : memref<32xi32, #tpu.memory_space<hbm>>) dst(%arg6 : memref<32xi32, #tpu.memory_space<vmem>>)
      tpu.yield
    }) : () -> ()
    %dma_wait3A_59 = arith.constant 0 : i32
    %dma_wait3A_60 = tpu.memref_slice %arg2[%add3A_52, %dma_wait3A_59] : memref<4096x1024xi32, #tpu.memory_space<hbm>> -> memref<32x1024xi32, #tpu.memory_space<hbm>>
    %dma_wait3A_61 = arith.constant 0 : i32
    %dma_wait3A_62 = tpu.memref_slice %arg2[%add3A_52, %dma_wait3A_61] : memref<4096x1024xi32, #tpu.memory_space<hbm>> -> memref<32x1024xi32, #tpu.memory_space<hbm>>
    tpu.wait_dma2 semaphore(%arg9 : memref<!tpu.dma_semaphore, #tpu.memory_space<semaphore_mem>>) src(%dma_wait3A_62 : memref<32x1024xi32, #tpu.memory_space<hbm>>) dst(%arg8 : memref<32x1024xi32, #tpu.memory_space<vmem>>)
    %dma_start3A_63 = arith.constant 0 : i32
    %dma_start3A_64 = arith.constant 0 : i32
    %dma_start3A_65 = tpu.memref_slice %arg4[%dma_start3A_63, %dma_start3A_64] : memref<12288x1024xi32, #tpu.memory_space<hbm>> -> memref<12288x1024xi32, #tpu.memory_space<hbm>>
    tpu.enqueue_indirect_dma source(%arg8 : memref<32x1024xi32, #tpu.memory_space<vmem>>) target(%dma_start3A_65 : memref<12288x1024xi32, #tpu.memory_space<hbm>>) offsets(%arg6 : memref<32xi32, #tpu.memory_space<vmem>>) semaphore(%arg10 : memref<!tpu.dma_semaphore, #tpu.memory_space<semaphore_mem>>)
    %dma_wait3A_66 = arith.constant 0 : i32
    %dma_wait3A_67 = arith.constant 0 : i32
    %dma_wait3A_68 = tpu.memref_slice %arg4[%dma_wait3A_66, %dma_wait3A_67] : memref<12288x1024xi32, #tpu.memory_space<hbm>> -> memref<12288x1024xi32, #tpu.memory_space<hbm>>
    tpu.wait_indirect_dma semaphore(%arg10 : memref<!tpu.dma_semaphore, #tpu.memory_space<semaphore_mem>>) src(%arg7 : memref<32x1024xi32, #tpu.memory_space<vmem>>) dst(%dma_wait3A_68 : memref<12288x1024xi32, #tpu.memory_space<hbm>>)
    %add3A_69 = arith.constant 128 : i32
    %add3A_70 = arith.addi %multiple_of3A, %add3A_69 : i32
    %dma_start3A_71 = arith.constant 0 : i32
    %dma_start3A_72 = tpu.memref_slice %arg2[%add3A_70, %dma_start3A_71] : memref<4096x1024xi32, #tpu.memory_space<hbm>> -> memref<32x1024xi32, #tpu.memory_space<hbm>>
    %dma_start3A_73 = arith.constant 0 : i32
    %dma_start3A_74 = tpu.memref_slice %arg2[%add3A_70, %dma_start3A_73] : memref<4096x1024xi32, #tpu.memory_space<hbm>> -> memref<32x1024xi32, #tpu.memory_space<hbm>>
    tpu.enqueue_dma source(%dma_start3A_74 : memref<32x1024xi32, #tpu.memory_space<hbm>>) target(%arg7 : memref<32x1024xi32, #tpu.memory_space<vmem>>) target_semaphore(%arg9 : memref<!tpu.dma_semaphore, #tpu.memory_space<semaphore_mem>>)
    %add3A_75 = arith.constant 128 : i32
    %add3A_76 = arith.addi %mul3A_2, %add3A_75 : i32
    "tpu.region"() ({
      %run_scoped3A = tpu.sem_alloc : memref<!tpu.dma_semaphore, #tpu.memory_space<semaphore_mem>>
      %dma_start3A_144 = tpu.memref_slice %arg3[%add3A_76] : memref<8192xi32, #tpu.memory_space<hbm>> -> memref<32xi32, #tpu.memory_space<hbm>>
      %dma_start3A_145 = tpu.memref_slice %arg3[%add3A_76] : memref<8192xi32, #tpu.memory_space<hbm>> -> memref<32xi32, #tpu.memory_space<hbm>>
      tpu.enqueue_dma source(%dma_start3A_145 : memref<32xi32, #tpu.memory_space<hbm>>) target(%arg5 : memref<32xi32, #tpu.memory_space<vmem>>) target_semaphore(%run_scoped3A : memref<!tpu.dma_semaphore, #tpu.memory_space<semaphore_mem>>)
      %dma_wait3A_146 = tpu.memref_slice %arg3[%add3A_76] : memref<8192xi32, #tpu.memory_space<hbm>> -> memref<32xi32, #tpu.memory_space<hbm>>
      %dma_wait3A_147 = tpu.memref_slice %arg3[%add3A_76] : memref<8192xi32, #tpu.memory_space<hbm>> -> memref<32xi32, #tpu.memory_space<hbm>>
      tpu.wait_dma2 semaphore(%run_scoped3A : memref<!tpu.dma_semaphore, #tpu.memory_space<semaphore_mem>>) src(%dma_wait3A_147 : memref<32xi32, #tpu.memory_space<hbm>>) dst(%arg5 : memref<32xi32, #tpu.memory_space<vmem>>)
      tpu.yield
    }) : () -> ()
    %dma_wait3A_77 = arith.constant 0 : i32
    %dma_wait3A_78 = tpu.memref_slice %arg2[%add3A_70, %dma_wait3A_77] : memref<4096x1024xi32, #tpu.memory_space<hbm>> -> memref<32x1024xi32, #tpu.memory_space<hbm>>
    %dma_wait3A_79 = arith.constant 0 : i32
    %dma_wait3A_80 = tpu.memref_slice %arg2[%add3A_70, %dma_wait3A_79] : memref<4096x1024xi32, #tpu.memory_space<hbm>> -> memref<32x1024xi32, #tpu.memory_space<hbm>>
    tpu.wait_dma2 semaphore(%arg9 : memref<!tpu.dma_semaphore, #tpu.memory_space<semaphore_mem>>) src(%dma_wait3A_80 : memref<32x1024xi32, #tpu.memory_space<hbm>>) dst(%arg7 : memref<32x1024xi32, #tpu.memory_space<vmem>>)
    %dma_start3A_81 = arith.constant 0 : i32
    %dma_start3A_82 = arith.constant 0 : i32
    %dma_start3A_83 = tpu.memref_slice %arg4[%dma_start3A_81, %dma_start3A_82] : memref<12288x1024xi32, #tpu.memory_space<hbm>> -> memref<12288x1024xi32, #tpu.memory_space<hbm>>
    tpu.enqueue_indirect_dma source(%arg7 : memref<32x1024xi32, #tpu.memory_space<vmem>>) target(%dma_start3A_83 : memref<12288x1024xi32, #tpu.memory_space<hbm>>) offsets(%arg5 : memref<32xi32, #tpu.memory_space<vmem>>) semaphore(%arg10 : memref<!tpu.dma_semaphore, #tpu.memory_space<semaphore_mem>>)
    %dma_wait3A_84 = arith.constant 0 : i32
    %dma_wait3A_85 = arith.constant 0 : i32
    %dma_wait3A_86 = tpu.memref_slice %arg4[%dma_wait3A_84, %dma_wait3A_85] : memref<12288x1024xi32, #tpu.memory_space<hbm>> -> memref<12288x1024xi32, #tpu.memory_space<hbm>>
    tpu.wait_indirect_dma semaphore(%arg10 : memref<!tpu.dma_semaphore, #tpu.memory_space<semaphore_mem>>) src(%arg8 : memref<32x1024xi32, #tpu.memory_space<vmem>>) dst(%dma_wait3A_86 : memref<12288x1024xi32, #tpu.memory_space<hbm>>)
    %add3A_87 = arith.constant 160 : i32
    %add3A_88 = arith.addi %multiple_of3A, %add3A_87 : i32
    %dma_start3A_89 = arith.constant 0 : i32
    %dma_start3A_90 = tpu.memref_slice %arg2[%add3A_88, %dma_start3A_89] : memref<4096x1024xi32, #tpu.memory_space<hbm>> -> memref<32x1024xi32, #tpu.memory_space<hbm>>
    %dma_start3A_91 = arith.constant 0 : i32
    %dma_start3A_92 = tpu.memref_slice %arg2[%add3A_88, %dma_start3A_91] : memref<4096x1024xi32, #tpu.memory_space<hbm>> -> memref<32x1024xi32, #tpu.memory_space<hbm>>
    tpu.enqueue_dma source(%dma_start3A_92 : memref<32x1024xi32, #tpu.memory_space<hbm>>) target(%arg8 : memref<32x1024xi32, #tpu.memory_space<vmem>>) target_semaphore(%arg9 : memref<!tpu.dma_semaphore, #tpu.memory_space<semaphore_mem>>)
    %add3A_93 = arith.constant 160 : i32
    %add3A_94 = arith.addi %mul3A_2, %add3A_93 : i32
    "tpu.region"() ({
      %run_scoped3A = tpu.sem_alloc : memref<!tpu.dma_semaphore, #tpu.memory_space<semaphore_mem>>
      %dma_start3A_144 = tpu.memref_slice %arg3[%add3A_94] : memref<8192xi32, #tpu.memory_space<hbm>> -> memref<32xi32, #tpu.memory_space<hbm>>
      %dma_start3A_145 = tpu.memref_slice %arg3[%add3A_94] : memref<8192xi32, #tpu.memory_space<hbm>> -> memref<32xi32, #tpu.memory_space<hbm>>
      tpu.enqueue_dma source(%dma_start3A_145 : memref<32xi32, #tpu.memory_space<hbm>>) target(%arg6 : memref<32xi32, #tpu.memory_space<vmem>>) target_semaphore(%run_scoped3A : memref<!tpu.dma_semaphore, #tpu.memory_space<semaphore_mem>>)
      %dma_wait3A_146 = tpu.memref_slice %arg3[%add3A_94] : memref<8192xi32, #tpu.memory_space<hbm>> -> memref<32xi32, #tpu.memory_space<hbm>>
      %dma_wait3A_147 = tpu.memref_slice %arg3[%add3A_94] : memref<8192xi32, #tpu.memory_space<hbm>> -> memref<32xi32, #tpu.memory_space<hbm>>
      tpu.wait_dma2 semaphore(%run_scoped3A : memref<!tpu.dma_semaphore, #tpu.memory_space<semaphore_mem>>) src(%dma_wait3A_147 : memref<32xi32, #tpu.memory_space<hbm>>) dst(%arg6 : memref<32xi32, #tpu.memory_space<vmem>>)
      tpu.yield
    }) : () -> ()
    %dma_wait3A_95 = arith.constant 0 : i32
    %dma_wait3A_96 = tpu.memref_slice %arg2[%add3A_88, %dma_wait3A_95] : memref<4096x1024xi32, #tpu.memory_space<hbm>> -> memref<32x1024xi32, #tpu.memory_space<hbm>>
    %dma_wait3A_97 = arith.constant 0 : i32
    %dma_wait3A_98 = tpu.memref_slice %arg2[%add3A_88, %dma_wait3A_97] : memref<4096x1024xi32, #tpu.memory_space<hbm>> -> memref<32x1024xi32, #tpu.memory_space<hbm>>
    tpu.wait_dma2 semaphore(%arg9 : memref<!tpu.dma_semaphore, #tpu.memory_space<semaphore_mem>>) src(%dma_wait3A_98 : memref<32x1024xi32, #tpu.memory_space<hbm>>) dst(%arg8 : memref<32x1024xi32, #tpu.memory_space<vmem>>)
    %dma_start3A_99 = arith.constant 0 : i32
    %dma_start3A_100 = arith.constant 0 : i32
    %dma_start3A_101 = tpu.memref_slice %arg4[%dma_start3A_99, %dma_start3A_100] : memref<12288x1024xi32, #tpu.memory_space<hbm>> -> memref<12288x1024xi32, #tpu.memory_space<hbm>>
    tpu.enqueue_indirect_dma source(%arg8 : memref<32x1024xi32, #tpu.memory_space<vmem>>) target(%dma_start3A_101 : memref<12288x1024xi32, #tpu.memory_space<hbm>>) offsets(%arg6 : memref<32xi32, #tpu.memory_space<vmem>>) semaphore(%arg10 : memref<!tpu.dma_semaphore, #tpu.memory_space<semaphore_mem>>)
    %dma_wait3A_102 = arith.constant 0 : i32
    %dma_wait3A_103 = arith.constant 0 : i32
    %dma_wait3A_104 = tpu.memref_slice %arg4[%dma_wait3A_102, %dma_wait3A_103] : memref<12288x1024xi32, #tpu.memory_space<hbm>> -> memref<12288x1024xi32, #tpu.memory_space<hbm>>
    tpu.wait_indirect_dma semaphore(%arg10 : memref<!tpu.dma_semaphore, #tpu.memory_space<semaphore_mem>>) src(%arg7 : memref<32x1024xi32, #tpu.memory_space<vmem>>) dst(%dma_wait3A_104 : memref<12288x1024xi32, #tpu.memory_space<hbm>>)
    %add3A_105 = arith.constant 192 : i32
    %add3A_106 = arith.addi %multiple_of3A, %add3A_105 : i32
    %dma_start3A_107 = arith.constant 0 : i32
    %dma_start3A_108 = tpu.memref_slice %arg2[%add3A_106, %dma_start3A_107] : memref<4096x1024xi32, #tpu.memory_space<hbm>> -> memref<32x1024xi32, #tpu.memory_space<hbm>>
    %dma_start3A_109 = arith.constant 0 : i32
    %dma_start3A_110 = tpu.memref_slice %arg2[%add3A_106, %dma_start3A_109] : memref<4096x1024xi32, #tpu.memory_space<hbm>> -> memref<32x1024xi32, #tpu.memory_space<hbm>>
    tpu.enqueue_dma source(%dma_start3A_110 : memref<32x1024xi32, #tpu.memory_space<hbm>>) target(%arg7 : memref<32x1024xi32, #tpu.memory_space<vmem>>) target_semaphore(%arg9 : memref<!tpu.dma_semaphore, #tpu.memory_space<semaphore_mem>>)
    %add3A_111 = arith.constant 192 : i32
    %add3A_112 = arith.addi %mul3A_2, %add3A_111 : i32
    "tpu.region"() ({
      %run_scoped3A = tpu.sem_alloc : memref<!tpu.dma_semaphore, #tpu.memory_space<semaphore_mem>>
      %dma_start3A_144 = tpu.memref_slice %arg3[%add3A_112] : memref<8192xi32, #tpu.memory_space<hbm>> -> memref<32xi32, #tpu.memory_space<hbm>>
      %dma_start3A_145 = tpu.memref_slice %arg3[%add3A_112] : memref<8192xi32, #tpu.memory_space<hbm>> -> memref<32xi32, #tpu.memory_space<hbm>>
      tpu.enqueue_dma source(%dma_start3A_145 : memref<32xi32, #tpu.memory_space<hbm>>) target(%arg5 : memref<32xi32, #tpu.memory_space<vmem>>) target_semaphore(%run_scoped3A : memref<!tpu.dma_semaphore, #tpu.memory_space<semaphore_mem>>)
      %dma_wait3A_146 = tpu.memref_slice %arg3[%add3A_112] : memref<8192xi32, #tpu.memory_space<hbm>> -> memref<32xi32, #tpu.memory_space<hbm>>
      %dma_wait3A_147 = tpu.memref_slice %arg3[%add3A_112] : memref<8192xi32, #tpu.memory_space<hbm>> -> memref<32xi32, #tpu.memory_space<hbm>>
      tpu.wait_dma2 semaphore(%run_scoped3A : memref<!tpu.dma_semaphore, #tpu.memory_space<semaphore_mem>>) src(%dma_wait3A_147 : memref<32xi32, #tpu.memory_space<hbm>>) dst(%arg5 : memref<32xi32, #tpu.memory_space<vmem>>)
      tpu.yield
    }) : () -> ()
    %dma_wait3A_113 = arith.constant 0 : i32
    %dma_wait3A_114 = tpu.memref_slice %arg2[%add3A_106, %dma_wait3A_113] : memref<4096x1024xi32, #tpu.memory_space<hbm>> -> memref<32x1024xi32, #tpu.memory_space<hbm>>
    %dma_wait3A_115 = arith.constant 0 : i32
    %dma_wait3A_116 = tpu.memref_slice %arg2[%add3A_106, %dma_wait3A_115] : memref<4096x1024xi32, #tpu.memory_space<hbm>> -> memref<32x1024xi32, #tpu.memory_space<hbm>>
    tpu.wait_dma2 semaphore(%arg9 : memref<!tpu.dma_semaphore, #tpu.memory_space<semaphore_mem>>) src(%dma_wait3A_116 : memref<32x1024xi32, #tpu.memory_space<hbm>>) dst(%arg7 : memref<32x1024xi32, #tpu.memory_space<vmem>>)
    %dma_start3A_117 = arith.constant 0 : i32
    %dma_start3A_118 = arith.constant 0 : i32
    %dma_start3A_119 = tpu.memref_slice %arg4[%dma_start3A_117, %dma_start3A_118] : memref<12288x1024xi32, #tpu.memory_space<hbm>> -> memref<12288x1024xi32, #tpu.memory_space<hbm>>
    tpu.enqueue_indirect_dma source(%arg7 : memref<32x1024xi32, #tpu.memory_space<vmem>>) target(%dma_start3A_119 : memref<12288x1024xi32, #tpu.memory_space<hbm>>) offsets(%arg5 : memref<32xi32, #tpu.memory_space<vmem>>) semaphore(%arg10 : memref<!tpu.dma_semaphore, #tpu.memory_space<semaphore_mem>>)
    %dma_wait3A_120 = arith.constant 0 : i32
    %dma_wait3A_121 = arith.constant 0 : i32
    %dma_wait3A_122 = tpu.memref_slice %arg4[%dma_wait3A_120, %dma_wait3A_121] : memref<12288x1024xi32, #tpu.memory_space<hbm>> -> memref<12288x1024xi32, #tpu.memory_space<hbm>>
    tpu.wait_indirect_dma semaphore(%arg10 : memref<!tpu.dma_semaphore, #tpu.memory_space<semaphore_mem>>) src(%arg8 : memref<32x1024xi32, #tpu.memory_space<vmem>>) dst(%dma_wait3A_122 : memref<12288x1024xi32, #tpu.memory_space<hbm>>)
    %add3A_123 = arith.constant 224 : i32
    %add3A_124 = arith.addi %multiple_of3A, %add3A_123 : i32
    %dma_start3A_125 = arith.constant 0 : i32
    %dma_start3A_126 = tpu.memref_slice %arg2[%add3A_124, %dma_start3A_125] : memref<4096x1024xi32, #tpu.memory_space<hbm>> -> memref<32x1024xi32, #tpu.memory_space<hbm>>
    %dma_start3A_127 = arith.constant 0 : i32
    %dma_start3A_128 = tpu.memref_slice %arg2[%add3A_124, %dma_start3A_127] : memref<4096x1024xi32, #tpu.memory_space<hbm>> -> memref<32x1024xi32, #tpu.memory_space<hbm>>
    tpu.enqueue_dma source(%dma_start3A_128 : memref<32x1024xi32, #tpu.memory_space<hbm>>) target(%arg8 : memref<32x1024xi32, #tpu.memory_space<vmem>>) target_semaphore(%arg9 : memref<!tpu.dma_semaphore, #tpu.memory_space<semaphore_mem>>)
    %add3A_129 = arith.constant 224 : i32
    %add3A_130 = arith.addi %mul3A_2, %add3A_129 : i32
    "tpu.region"() ({
      %run_scoped3A = tpu.sem_alloc : memref<!tpu.dma_semaphore, #tpu.memory_space<semaphore_mem>>
      %dma_start3A_144 = tpu.memref_slice %arg3[%add3A_130] : memref<8192xi32, #tpu.memory_space<hbm>> -> memref<32xi32, #tpu.memory_space<hbm>>
      %dma_start3A_145 = tpu.memref_slice %arg3[%add3A_130] : memref<8192xi32, #tpu.memory_space<hbm>> -> memref<32xi32, #tpu.memory_space<hbm>>
      tpu.enqueue_dma source(%dma_start3A_145 : memref<32xi32, #tpu.memory_space<hbm>>) target(%arg6 : memref<32xi32, #tpu.memory_space<vmem>>) target_semaphore(%run_scoped3A : memref<!tpu.dma_semaphore, #tpu.memory_space<semaphore_mem>>)
      %dma_wait3A_146 = tpu.memref_slice %arg3[%add3A_130] : memref<8192xi32, #tpu.memory_space<hbm>> -> memref<32xi32, #tpu.memory_space<hbm>>
      %dma_wait3A_147 = tpu.memref_slice %arg3[%add3A_130] : memref<8192xi32, #tpu.memory_space<hbm>> -> memref<32xi32, #tpu.memory_space<hbm>>
      tpu.wait_dma2 semaphore(%run_scoped3A : memref<!tpu.dma_semaphore, #tpu.memory_space<semaphore_mem>>) src(%dma_wait3A_147 : memref<32xi32, #tpu.memory_space<hbm>>) dst(%arg6 : memref<32xi32, #tpu.memory_space<vmem>>)
      tpu.yield
    }) : () -> ()
    %dma_wait3A_131 = arith.constant 0 : i32
    %dma_wait3A_132 = tpu.memref_slice %arg2[%add3A_124, %dma_wait3A_131] : memref<4096x1024xi32, #tpu.memory_space<hbm>> -> memref<32x1024xi32, #tpu.memory_space<hbm>>
    %dma_wait3A_133 = arith.constant 0 : i32
    %dma_wait3A_134 = tpu.memref_slice %arg2[%add3A_124, %dma_wait3A_133] : memref<4096x1024xi32, #tpu.memory_space<hbm>> -> memref<32x1024xi32, #tpu.memory_space<hbm>>
    tpu.wait_dma2 semaphore(%arg9 : memref<!tpu.dma_semaphore, #tpu.memory_space<semaphore_mem>>) src(%dma_wait3A_134 : memref<32x1024xi32, #tpu.memory_space<hbm>>) dst(%arg8 : memref<32x1024xi32, #tpu.memory_space<vmem>>)
    %dma_start3A_135 = arith.constant 0 : i32
    %dma_start3A_136 = arith.constant 0 : i32
    %dma_start3A_137 = tpu.memref_slice %arg4[%dma_start3A_135, %dma_start3A_136] : memref<12288x1024xi32, #tpu.memory_space<hbm>> -> memref<12288x1024xi32, #tpu.memory_space<hbm>>
    tpu.enqueue_indirect_dma source(%arg8 : memref<32x1024xi32, #tpu.memory_space<vmem>>) target(%dma_start3A_137 : memref<12288x1024xi32, #tpu.memory_space<hbm>>) offsets(%arg6 : memref<32xi32, #tpu.memory_space<vmem>>) semaphore(%arg10 : memref<!tpu.dma_semaphore, #tpu.memory_space<semaphore_mem>>)
    %dma_wait3A_138 = arith.constant 0 : i32
    %dma_wait3A_139 = arith.constant 0 : i32
    %dma_wait3A_140 = tpu.memref_slice %arg4[%dma_wait3A_138, %dma_wait3A_139] : memref<12288x1024xi32, #tpu.memory_space<hbm>> -> memref<12288x1024xi32, #tpu.memory_space<hbm>>
    tpu.wait_indirect_dma semaphore(%arg10 : memref<!tpu.dma_semaphore, #tpu.memory_space<semaphore_mem>>) src(%arg7 : memref<32x1024xi32, #tpu.memory_space<vmem>>) dst(%dma_wait3A_140 : memref<12288x1024xi32, #tpu.memory_space<hbm>>)
    %dma_wait3A_141 = arith.constant 0 : i32
    %dma_wait3A_142 = arith.constant 0 : i32
    %dma_wait3A_143 = tpu.memref_slice %arg4[%dma_wait3A_141, %dma_wait3A_142] : memref<12288x1024xi32, #tpu.memory_space<hbm>> -> memref<12288x1024xi32, #tpu.memory_space<hbm>>
    tpu.wait_indirect_dma semaphore(%arg10 : memref<!tpu.dma_semaphore, #tpu.memory_space<semaphore_mem>>) src(%arg8 : memref<32x1024xi32, #tpu.memory_space<vmem>>) dst(%dma_wait3A_143 : memref<12288x1024xi32, #tpu.memory_space<hbm>>)
    return
  }
}

module attributes {stable_mosaic.version = 14 : i64} {
  func.func @_route_kernel(%arg0: i32, %arg1: memref<1024x2048xf32, #tpu.memory_space<vmem>>, %arg2: memref<2048x256xf32, #tpu.memory_space<vmem>>, %arg3: memref<1x256xf32, #tpu.memory_space<vmem>>, %arg4: memref<256x8xf32, #tpu.memory_space<vmem>>, %arg5: memref<1x8xf32, #tpu.memory_space<vmem>>, %arg6: memref<1024xf32, #tpu.memory_space<vmem>>, %arg7: memref<1024xf32, #tpu.memory_space<vmem>>, %arg8: memref<4096xi32, #tpu.memory_space<vmem>>, %arg9: memref<4096xi32, #tpu.memory_space<vmem>>, %arg10: memref<25xi32, #tpu.memory_space<vmem>>, %arg11: memref<1024x1024xi32, #tpu.memory_space<vmem>>, %arg12: memref<1x8xf32, #tpu.memory_space<vmem>>, %arg13: memref<4096xf32, #tpu.memory_space<vmem>>, %arg14: memref<4096xf32, #tpu.memory_space<vmem>>, %arg15: memref<4096xf32, #tpu.memory_space<vmem>>, %arg16: memref<4096xf32, #tpu.memory_space<vmem>>) attributes {dimension_semantics = [#tpu.dimension_semantics<arbitrary>], iteration_bounds = array<i64: 5>, scalar_prefetch = 0 : i64, scratch_operands = 5 : i64, tpu.core_type = #tpu.core_type<tc>, window_params = [{transform_indices = @transform_0, window_bounds = array<i64: 1024, 2048>}, {pipeline_mode = #tpu.pipeline_mode<synchronous>, transform_indices = @transform_1, window_bounds = array<i64: 2048, 256>}, {pipeline_mode = #tpu.pipeline_mode<synchronous>, transform_indices = @transform_2, window_bounds = array<i64: 1, 256>}, {pipeline_mode = #tpu.pipeline_mode<synchronous>, transform_indices = @transform_3, window_bounds = array<i64: 256, 8>}, {pipeline_mode = #tpu.pipeline_mode<synchronous>, transform_indices = @transform_4, window_bounds = array<i64: 1, 8>}, {transform_indices = @transform_5, window_bounds = array<i64: 1024>}, {transform_indices = @transform_6, window_bounds = array<i64: 1024>}, {pipeline_mode = #tpu.pipeline_mode<synchronous>, transform_indices = @transform_7, window_bounds = array<i64: 4096>}, {pipeline_mode = #tpu.pipeline_mode<synchronous>, transform_indices = @transform_8, window_bounds = array<i64: 4096>}, {pipeline_mode = #tpu.pipeline_mode<synchronous>, transform_indices = @transform_9, window_bounds = array<i64: 25>}, {transform_indices = @transform_10, window_bounds = array<i64: 1024, 1024>}]} {
    %lt3A = arith.constant 4 : i32
    %lt3A_0 = arith.cmpi slt, %arg0, %lt3A : i32
    %convert_element_type3A = arith.extui %lt3A_0 : i1 to i32
    %cond3A = arith.constant 0 : i32
    %cond3A_1 = arith.cmpi ne, %convert_element_type3A, %cond3A : i32
    scf.if %cond3A_1 {
      %get3A = arith.constant 0 : index
      %get3A_6 = arith.constant 0 : index
      %get3A_7 = vector.load %arg1[%get3A, %get3A_6] : memref<1024x2048xf32, #tpu.memory_space<vmem>>, vector<1024x2048xf32>
      %bitcast_convert_type3A = tpu.bitcast %get3A_7 : vector<1024x2048xf32> -> vector<1024x2048xi32>
      %slice3A = vector.extract_strided_slice %bitcast_convert_type3A {offsets = [0, 0], sizes = [1024, 1024], strides = [1, 1]} : vector<1024x2048xi32> to vector<1024x1024xi32>
      %add3A = arith.constant 32767 : i32
      %add3A_8 = vector.broadcast %add3A : i32 to vector<1024x1024xi32>
      %add3A_9 = arith.addi %slice3A, %add3A_8 : vector<1024x1024xi32>
      %shift_right_logical3A = arith.constant 16 : i32
      %shift_right_logical3A_10 = vector.broadcast %shift_right_logical3A : i32 to vector<1024x1024xi32>
      %shift_right_logical3A_11 = arith.shrui %slice3A, %shift_right_logical3A_10 : vector<1024x1024xi32>
      %and3A = arith.constant 1 : i32
      %and3A_12 = vector.broadcast %and3A : i32 to vector<1024x1024xi32>
      %and3A_13 = arith.andi %shift_right_logical3A_11, %and3A_12 : vector<1024x1024xi32>
      %add3A_14 = arith.addi %add3A_9, %and3A_13 : vector<1024x1024xi32>
      %and3A_15 = arith.constant -65536 : i32
      %and3A_16 = vector.broadcast %and3A_15 : i32 to vector<1024x1024xi32>
      %and3A_17 = arith.andi %add3A_14, %and3A_16 : vector<1024x1024xi32>
      %shift_right_logical3A_18 = arith.constant 16 : i32
      %shift_right_logical3A_19 = vector.broadcast %shift_right_logical3A_18 : i32 to vector<1024x1024xi32>
      %shift_right_logical3A_20 = arith.shrui %and3A_17, %shift_right_logical3A_19 : vector<1024x1024xi32>
      %slice3A_21 = vector.extract_strided_slice %bitcast_convert_type3A {offsets = [0, 1024], sizes = [1024, 1024], strides = [1, 1]} : vector<1024x2048xi32> to vector<1024x1024xi32>
      %add3A_22 = arith.constant 32767 : i32
      %add3A_23 = vector.broadcast %add3A_22 : i32 to vector<1024x1024xi32>
      %add3A_24 = arith.addi %slice3A_21, %add3A_23 : vector<1024x1024xi32>
      %shift_right_logical3A_25 = arith.constant 16 : i32
      %shift_right_logical3A_26 = vector.broadcast %shift_right_logical3A_25 : i32 to vector<1024x1024xi32>
      %shift_right_logical3A_27 = arith.shrui %slice3A_21, %shift_right_logical3A_26 : vector<1024x1024xi32>
      %and3A_28 = arith.constant 1 : i32
      %and3A_29 = vector.broadcast %and3A_28 : i32 to vector<1024x1024xi32>
      %and3A_30 = arith.andi %shift_right_logical3A_27, %and3A_29 : vector<1024x1024xi32>
      %add3A_31 = arith.addi %add3A_24, %and3A_30 : vector<1024x1024xi32>
      %and3A_32 = arith.constant -65536 : i32
      %and3A_33 = vector.broadcast %and3A_32 : i32 to vector<1024x1024xi32>
      %and3A_34 = arith.andi %add3A_31, %and3A_33 : vector<1024x1024xi32>
      %or3A = arith.ori %shift_right_logical3A_20, %and3A_34 : vector<1024x1024xi32>
      %swap3A = arith.constant 0 : index
      %swap3A_35 = arith.constant 0 : index
      %swap3A_36 = vector.load %arg11[%swap3A, %swap3A_35] : memref<1024x1024xi32, #tpu.memory_space<vmem>>, vector<1024x1024xi32>
      tpu.vector_store %arg11[%swap3A, %swap3A_35], %or3A {strides = array<i32>} : memref<1024x1024xi32, #tpu.memory_space<vmem>>, vector<1024x1024xi32>,
      %get3A_37 = arith.constant 0 : index
      %get3A_38 = arith.constant 0 : index
      %get3A_39 = vector.load %arg2[%get3A_37, %get3A_38] : memref<2048x256xf32, #tpu.memory_space<vmem>>, vector<2048x256xf32>
      %dot_general3A = arith.constant dense<0.000000e+00> : vector<1024x256xf32>
      %dot_general3A_40 = tpu.matmul %get3A_7, %get3A_39, %dot_general3A {dimension_numbers = #tpu.dot_dimension_numbers<[1], [0], [0], [1], [0, 0, 1, 1], [], []>, transpose_lhs_hint = false} : vector<1024x2048xf32>, vector<2048x256xf32>, vector<1024x256xf32> -> vector<1024x256xf32>
      %get3A_41 = arith.constant 0 : index
      %get3A_42 = arith.constant 0 : index
      %get3A_43 = vector.load %arg3[%get3A_41, %get3A_42] : memref<1x256xf32, #tpu.memory_space<vmem>>, vector<1x256xf32>
      %add3A_44 = vector.broadcast %get3A_43 : vector<1x256xf32> to vector<1024x256xf32>
      %add3A_45 = arith.addf %dot_general3A_40, %add3A_44 : vector<1024x256xf32>
      %mul3A = arith.constant 5.000000e-01 : f32
      %mul3A_46 = vector.broadcast %mul3A : f32 to vector<1024x256xf32>
      %mul3A_47 = arith.mulf %add3A_45, %mul3A_46 : vector<1024x256xf32>
      %mul3A_48 = arith.constant 0.707106769 : f32
      %mul3A_49 = vector.broadcast %mul3A_48 : f32 to vector<1024x256xf32>
      %mul3A_50 = arith.mulf %add3A_45, %mul3A_49 : vector<1024x256xf32>
      %erf3A = math.erf %mul3A_50 : vector<1024x256xf32>
      %add3A_51 = arith.constant 1.000000e+00 : f32
      %add3A_52 = vector.broadcast %add3A_51 : f32 to vector<1024x256xf32>
      %add3A_53 = arith.addf %add3A_52, %erf3A : vector<1024x256xf32>
      %mul3A_54 = arith.mulf %mul3A_47, %add3A_53 : vector<1024x256xf32>
      %get3A_55 = arith.constant 0 : index
      %get3A_56 = arith.constant 0 : index
      %get3A_57 = vector.load %arg4[%get3A_55, %get3A_56] : memref<256x8xf32, #tpu.memory_space<vmem>>, vector<256x8xf32>
      %dot_general3A_58 = arith.constant dense<0.000000e+00> : vector<1024x8xf32>
      %dot_general3A_59 = tpu.matmul %mul3A_54, %get3A_57, %dot_general3A_58 {dimension_numbers = #tpu.dot_dimension_numbers<[1], [0], [0], [1], [0, 0, 1, 1], [], []>, transpose_lhs_hint = false} : vector<1024x256xf32>, vector<256x8xf32>, vector<1024x8xf32> -> vector<1024x8xf32>
      %get3A_60 = arith.constant 0 : index
      %get3A_61 = arith.constant 0 : index
      %get3A_62 = vector.load %arg5[%get3A_60, %get3A_61] : memref<1x8xf32, #tpu.memory_space<vmem>>, vector<1x8xf32>
      %add3A_63 = vector.broadcast %get3A_62 : vector<1x8xf32> to vector<1024x8xf32>
      %add3A_64 = arith.addf %dot_general3A_59, %add3A_63 : vector<1024x8xf32>
      %iota3A = tpu.iota {dimensions = array<i32: 1>} : vector<1024x8xi32>
      %reduce_max3A = arith.constant dense<0xFF800000> : vector<1024xf32>
      %reduce_max3A_65 = vector.multi_reduction <maximumf>, %add3A_64, %reduce_max3A [1] : vector<1024x8xf32> to vector<1024xf32>
      %broadcast_in_dim3A = vector.shape_cast %reduce_max3A_65 : vector<1024xf32> to vector<1024x1xf32>
      %eq3A_66 = vector.broadcast %broadcast_in_dim3A : vector<1024x1xf32> to vector<1024x8xf32>
      %eq3A_67 = arith.cmpf oeq, %add3A_64, %eq3A_66 : vector<1024x8xf32>
      %jit3A = arith.constant 8 : i32
      %broadcast_in_dim3A_68 = vector.broadcast %jit3A : i32 to vector<1024x8xi32>
      %select_n3A = arith.select %eq3A_67, %iota3A, %broadcast_in_dim3A_68 : vector<1024x8xi1>, vector<1024x8xi32>
      %reduce_min3A = arith.constant dense<2147483647> : vector<1024xi32>
      %reduce_min3A_69 = vector.multi_reduction <minsi>, %select_n3A, %reduce_min3A [1] : vector<1024x8xi32> to vector<1024xi32>
      %broadcast_in_dim3A_70 = vector.shape_cast %reduce_min3A_69 : vector<1024xi32> to vector<1024x1xi32>
      %eq3A_71 = vector.broadcast %broadcast_in_dim3A_70 : vector<1024x1xi32> to vector<1024x8xi32>
      %eq3A_72 = arith.cmpi eq, %iota3A, %eq3A_71 : vector<1024x8xi32>
      %jit3A_73 = arith.constant 0xFF800000 : f32
      %broadcast_in_dim3A_74 = vector.broadcast %jit3A_73 : f32 to vector<1024x8xf32>
      %select_n3A_75 = arith.select %eq3A_72, %broadcast_in_dim3A_74, %add3A_64 : vector<1024x8xi1>, vector<1024x8xf32>
      %reduce_max3A_76 = arith.constant dense<0xFF800000> : vector<1024xf32>
      %reduce_max3A_77 = vector.multi_reduction <maximumf>, %select_n3A_75, %reduce_max3A_76 [1] : vector<1024x8xf32> to vector<1024xf32>
      %broadcast_in_dim3A_78 = vector.shape_cast %reduce_max3A_77 : vector<1024xf32> to vector<1024x1xf32>
      %eq3A_79 = vector.broadcast %broadcast_in_dim3A_78 : vector<1024x1xf32> to vector<1024x8xf32>
      %eq3A_80 = arith.cmpf oeq, %select_n3A_75, %eq3A_79 : vector<1024x8xf32>
      %jit3A_81 = arith.constant 8 : i32
      %broadcast_in_dim3A_82 = vector.broadcast %jit3A_81 : i32 to vector<1024x8xi32>
      %select_n3A_83 = arith.select %eq3A_80, %iota3A, %broadcast_in_dim3A_82 : vector<1024x8xi1>, vector<1024x8xi32>
      %reduce_min3A_84 = arith.constant dense<2147483647> : vector<1024xi32>
      %reduce_min3A_85 = vector.multi_reduction <minsi>, %select_n3A_83, %reduce_min3A_84 [1] : vector<1024x8xi32> to vector<1024xi32>
      %broadcast_in_dim3A_86 = vector.shape_cast %reduce_min3A_85 : vector<1024xi32> to vector<1024x1xi32>
      %eq3A_87 = vector.broadcast %broadcast_in_dim3A_86 : vector<1024x1xi32> to vector<1024x8xi32>
      %eq3A_88 = arith.cmpi eq, %iota3A, %eq3A_87 : vector<1024x8xi32>
      %sub3A = arith.subf %broadcast_in_dim3A_78, %broadcast_in_dim3A : vector<1024x1xf32>
      %exp3A = math.exp %sub3A : vector<1024x1xf32>
      %add3A_89 = arith.constant 1.000000e+00 : f32
      %add3A_90 = vector.broadcast %add3A_89 : f32 to vector<1024x1xf32>
      %add3A_91 = arith.addf %add3A_90, %exp3A : vector<1024x1xf32>
      %div3A = arith.constant 1.000000e+00 : f32
      %div3A_92 = vector.broadcast %div3A : f32 to vector<1024x1xf32>
      %div3A_93 = arith.divf %div3A_92, %add3A_91 : vector<1024x1xf32>
      %squeeze3A = vector.shape_cast %div3A_93 : vector<1024x1xf32> to vector<1024xf32>
      %swap3A_94 = arith.constant 0 : index
      %swap3A_95 = vector.load %arg6[%swap3A_94] : memref<1024xf32, #tpu.memory_space<vmem>>, vector<1024xf32>
      tpu.vector_store %arg6[%swap3A_94], %squeeze3A {strides = array<i32>} : memref<1024xf32, #tpu.memory_space<vmem>>, vector<1024xf32>,
      %mul3A_96 = arith.mulf %exp3A, %div3A_93 : vector<1024x1xf32>
      %squeeze3A_97 = vector.shape_cast %mul3A_96 : vector<1024x1xf32> to vector<1024xf32>
      %swap3A_98 = arith.constant 0 : index
      %swap3A_99 = vector.load %arg7[%swap3A_98] : memref<1024xf32, #tpu.memory_space<vmem>>, vector<1024xf32>
      tpu.vector_store %arg7[%swap3A_98], %squeeze3A_97 {strides = array<i32>} : memref<1024xf32, #tpu.memory_space<vmem>>, vector<1024xf32>,
      %mul3A_100 = arith.constant 1024 : i32
      %mul3A_101 = arith.muli %arg0, %mul3A_100 : i32
      %convert_element_type3A_102 = arith.sitofp %iota3A : vector<1024x8xi32> to vector<1024x8xf32>
      %jit3A_103 = arith.constant 0.000000e+00 : f32
      %broadcast_in_dim3A_104 = vector.broadcast %jit3A_103 : f32 to vector<1024x8xf32>
      %select_n3A_105 = arith.select %eq3A_72, %convert_element_type3A_102, %broadcast_in_dim3A_104 : vector<1024x8xi1>, vector<1024x8xf32>
      %reduce_sum3A = arith.constant dense<0.000000e+00> : vector<1024xf32>
      %reduce_sum3A_106 = vector.multi_reduction <add>, %select_n3A_105, %reduce_sum3A [1] : vector<1024x8xf32> to vector<1024xf32>
      %swap3A_107 = arith.index_cast %mul3A_101 : i32 to index
      %swap3A_108 = vector.load %arg13[%swap3A_107] : memref<4096xf32, #tpu.memory_space<vmem>>, vector<1024xf32>
      tpu.vector_store %arg13[%swap3A_107], %reduce_sum3A_106 {strides = array<i32>} : memref<4096xf32, #tpu.memory_space<vmem>>, vector<1024xf32>,
      %jit3A_109 = arith.constant 0.000000e+00 : f32
      %broadcast_in_dim3A_110 = vector.broadcast %jit3A_109 : f32 to vector<1024x8xf32>
      %select_n3A_111 = arith.select %eq3A_88, %convert_element_type3A_102, %broadcast_in_dim3A_110 : vector<1024x8xi1>, vector<1024x8xf32>
      %reduce_sum3A_112 = arith.constant dense<0.000000e+00> : vector<1024xf32>
      %reduce_sum3A_113 = vector.multi_reduction <add>, %select_n3A_111, %reduce_sum3A_112 [1] : vector<1024x8xf32> to vector<1024xf32>
      %swap3A_114 = arith.index_cast %mul3A_101 : i32 to index
      %swap3A_115 = vector.load %arg14[%swap3A_114] : memref<4096xf32, #tpu.memory_space<vmem>>, vector<1024xf32>
      tpu.vector_store %arg14[%swap3A_114], %reduce_sum3A_113 {strides = array<i32>} : memref<4096xf32, #tpu.memory_space<vmem>>, vector<1024xf32>,
      %convert_element_type3A_116 = arith.extui %eq3A_72 : vector<1024x8xi1> to vector<1024x8xi32>
      %convert_element_type3A_117 = arith.sitofp %convert_element_type3A_116 : vector<1024x8xi32> to vector<1024x8xf32>
      %convert_element_type3A_118 = arith.extui %eq3A_88 : vector<1024x8xi1> to vector<1024x8xi32>
      %convert_element_type3A_119 = arith.sitofp %convert_element_type3A_118 : vector<1024x8xi32> to vector<1024x8xf32>
      %add3A_120 = arith.addf %convert_element_type3A_117, %convert_element_type3A_119 : vector<1024x8xf32>
      %broadcast_in_dim3A_121 = arith.constant 0.000000e+00 : f32
      %broadcast_in_dim3A_122 = vector.broadcast %broadcast_in_dim3A_121 : f32 to vector<1x8xf32>
      %slice3A_123 = vector.extract_strided_slice %add3A_120 {offsets = [0, 0], sizes = [1023, 8], strides = [1, 1]} : vector<1024x8xf32> to vector<1023x8xf32>
      %concatenate3A = tpu.concatenate %broadcast_in_dim3A_122, %slice3A_123 in 0 : vector<1x8xf32>, vector<1023x8xf32> -> vector<1024x8xf32>
      %add3A_124 = arith.addf %add3A_120, %concatenate3A : vector<1024x8xf32>
      %broadcast_in_dim3A_125 = arith.constant 0.000000e+00 : f32
      %broadcast_in_dim3A_126 = vector.broadcast %broadcast_in_dim3A_125 : f32 to vector<2x8xf32>
      %slice3A_127 = vector.extract_strided_slice %add3A_124 {offsets = [0, 0], sizes = [1022, 8], strides = [1, 1]} : vector<1024x8xf32> to vector<1022x8xf32>
      %concatenate3A_128 = tpu.concatenate %broadcast_in_dim3A_126, %slice3A_127 in 0 : vector<2x8xf32>, vector<1022x8xf32> -> vector<1024x8xf32>
      %add3A_129 = arith.addf %add3A_124, %concatenate3A_128 : vector<1024x8xf32>
      %broadcast_in_dim3A_130 = arith.constant 0.000000e+00 : f32
      %broadcast_in_dim3A_131 = vector.broadcast %broadcast_in_dim3A_130 : f32 to vector<4x8xf32>
      %slice3A_132 = vector.extract_strided_slice %add3A_129 {offsets = [0, 0], sizes = [1020, 8], strides = [1, 1]} : vector<1024x8xf32> to vector<1020x8xf32>
      %concatenate3A_133 = tpu.concatenate %broadcast_in_dim3A_131, %slice3A_132 in 0 : vector<4x8xf32>, vector<1020x8xf32> -> vector<1024x8xf32>
      %add3A_134 = arith.addf %add3A_129, %concatenate3A_133 : vector<1024x8xf32>
      %broadcast_in_dim3A_135 = arith.constant 0.000000e+00 : f32
      %broadcast_in_dim3A_136 = vector.broadcast %broadcast_in_dim3A_135 : f32 to vector<8x8xf32>
      %slice3A_137 = vector.extract_strided_slice %add3A_134 {offsets = [0, 0], sizes = [1016, 8], strides = [1, 1]} : vector<1024x8xf32> to vector<1016x8xf32>
      %concatenate3A_138 = tpu.concatenate %broadcast_in_dim3A_136, %slice3A_137 in 0 : vector<8x8xf32>, vector<1016x8xf32> -> vector<1024x8xf32>
      %add3A_139 = arith.addf %add3A_134, %concatenate3A_138 : vector<1024x8xf32>
      %broadcast_in_dim3A_140 = arith.constant 0.000000e+00 : f32
      %broadcast_in_dim3A_141 = vector.broadcast %broadcast_in_dim3A_140 : f32 to vector<16x8xf32>
      %slice3A_142 = vector.extract_strided_slice %add3A_139 {offsets = [0, 0], sizes = [1008, 8], strides = [1, 1]} : vector<1024x8xf32> to vector<1008x8xf32>
      %concatenate3A_143 = tpu.concatenate %broadcast_in_dim3A_141, %slice3A_142 in 0 : vector<16x8xf32>, vector<1008x8xf32> -> vector<1024x8xf32>
      %add3A_144 = arith.addf %add3A_139, %concatenate3A_143 : vector<1024x8xf32>
      %broadcast_in_dim3A_145 = arith.constant 0.000000e+00 : f32
      %broadcast_in_dim3A_146 = vector.broadcast %broadcast_in_dim3A_145 : f32 to vector<32x8xf32>
      %slice3A_147 = vector.extract_strided_slice %add3A_144 {offsets = [0, 0], sizes = [992, 8], strides = [1, 1]} : vector<1024x8xf32> to vector<992x8xf32>
      %concatenate3A_148 = tpu.concatenate %broadcast_in_dim3A_146, %slice3A_147 in 0 : vector<32x8xf32>, vector<992x8xf32> -> vector<1024x8xf32>
      %add3A_149 = arith.addf %add3A_144, %concatenate3A_148 : vector<1024x8xf32>
      %broadcast_in_dim3A_150 = arith.constant 0.000000e+00 : f32
      %broadcast_in_dim3A_151 = vector.broadcast %broadcast_in_dim3A_150 : f32 to vector<64x8xf32>
      %slice3A_152 = vector.extract_strided_slice %add3A_149 {offsets = [0, 0], sizes = [960, 8], strides = [1, 1]} : vector<1024x8xf32> to vector<960x8xf32>
      %concatenate3A_153 = tpu.concatenate %broadcast_in_dim3A_151, %slice3A_152 in 0 : vector<64x8xf32>, vector<960x8xf32> -> vector<1024x8xf32>
      %add3A_154 = arith.addf %add3A_149, %concatenate3A_153 : vector<1024x8xf32>
      %broadcast_in_dim3A_155 = arith.constant 0.000000e+00 : f32
      %broadcast_in_dim3A_156 = vector.broadcast %broadcast_in_dim3A_155 : f32 to vector<128x8xf32>
      %slice3A_157 = vector.extract_strided_slice %add3A_154 {offsets = [0, 0], sizes = [896, 8], strides = [1, 1]} : vector<1024x8xf32> to vector<896x8xf32>
      %concatenate3A_158 = tpu.concatenate %broadcast_in_dim3A_156, %slice3A_157 in 0 : vector<128x8xf32>, vector<896x8xf32> -> vector<1024x8xf32>
      %add3A_159 = arith.addf %add3A_154, %concatenate3A_158 : vector<1024x8xf32>
      %broadcast_in_dim3A_160 = arith.constant 0.000000e+00 : f32
      %broadcast_in_dim3A_161 = vector.broadcast %broadcast_in_dim3A_160 : f32 to vector<256x8xf32>
      %slice3A_162 = vector.extract_strided_slice %add3A_159 {offsets = [0, 0], sizes = [768, 8], strides = [1, 1]} : vector<1024x8xf32> to vector<768x8xf32>
      %concatenate3A_163 = tpu.concatenate %broadcast_in_dim3A_161, %slice3A_162 in 0 : vector<256x8xf32>, vector<768x8xf32> -> vector<1024x8xf32>
      %add3A_164 = arith.addf %add3A_159, %concatenate3A_163 : vector<1024x8xf32>
      %broadcast_in_dim3A_165 = arith.constant 0.000000e+00 : f32
      %broadcast_in_dim3A_166 = vector.broadcast %broadcast_in_dim3A_165 : f32 to vector<512x8xf32>
      %slice3A_167 = vector.extract_strided_slice %add3A_164 {offsets = [0, 0], sizes = [512, 8], strides = [1, 1]} : vector<1024x8xf32> to vector<512x8xf32>
      %concatenate3A_168 = tpu.concatenate %broadcast_in_dim3A_166, %slice3A_167 in 0 : vector<512x8xf32>, vector<512x8xf32> -> vector<1024x8xf32>
      %add3A_169 = arith.addf %add3A_164, %concatenate3A_168 : vector<1024x8xf32>
      %eq3A_170 = arith.constant 0 : i32
      %eq3A_171 = arith.cmpi eq, %arg0, %eq3A_170 : i32
      %broadcast_in_dim3A_172 = arith.constant 0.000000e+00 : f32
      %broadcast_in_dim3A_173 = vector.broadcast %broadcast_in_dim3A_172 : f32 to vector<1x8xf32>
      %get3A_174 = arith.constant 0 : index
      %get3A_175 = arith.constant 0 : index
      %get3A_176 = vector.load %arg12[%get3A_174, %get3A_175] : memref<1x8xf32, #tpu.memory_space<vmem>>, vector<1x8xf32>
      %select_n3A_177 = arith.select %eq3A_171, %broadcast_in_dim3A_173, %get3A_176 : vector<1x8xf32>
      %sub3A_178 = arith.subf %add3A_169, %add3A_120 : vector<1024x8xf32>
      %add3A_179 = vector.broadcast %select_n3A_177 : vector<1x8xf32> to vector<1024x8xf32>
      %add3A_180 = arith.addf %sub3A_178, %add3A_179 : vector<1024x8xf32>
      %jit3A_181 = arith.constant 0.000000e+00 : f32
      %broadcast_in_dim3A_182 = vector.broadcast %jit3A_181 : f32 to vector<1024x8xf32>
      %select_n3A_183 = arith.select %eq3A_72, %add3A_180, %broadcast_in_dim3A_182 : vector<1024x8xi1>, vector<1024x8xf32>
      %reduce_sum3A_184 = arith.constant dense<0.000000e+00> : vector<1024xf32>
      %reduce_sum3A_185 = vector.multi_reduction <add>, %select_n3A_183, %reduce_sum3A_184 [1] : vector<1024x8xf32> to vector<1024xf32>
      %swap3A_186 = arith.index_cast %mul3A_101 : i32 to index
      %swap3A_187 = vector.load %arg15[%swap3A_186] : memref<4096xf32, #tpu.memory_space<vmem>>, vector<1024xf32>
      tpu.vector_store %arg15[%swap3A_186], %reduce_sum3A_185 {strides = array<i32>} : memref<4096xf32, #tpu.memory_space<vmem>>, vector<1024xf32>,
      %jit3A_188 = arith.constant 0.000000e+00 : f32
      %broadcast_in_dim3A_189 = vector.broadcast %jit3A_188 : f32 to vector<1024x8xf32>
      %select_n3A_190 = arith.select %eq3A_88, %add3A_180, %broadcast_in_dim3A_189 : vector<1024x8xi1>, vector<1024x8xf32>
      %reduce_sum3A_191 = arith.constant dense<0.000000e+00> : vector<1024xf32>
      %reduce_sum3A_192 = vector.multi_reduction <add>, %select_n3A_190, %reduce_sum3A_191 [1] : vector<1024x8xf32> to vector<1024xf32>
      %swap3A_193 = arith.index_cast %mul3A_101 : i32 to index
      %swap3A_194 = vector.load %arg16[%swap3A_193] : memref<4096xf32, #tpu.memory_space<vmem>>, vector<1024xf32>
      tpu.vector_store %arg16[%swap3A_193], %reduce_sum3A_192 {strides = array<i32>} : memref<4096xf32, #tpu.memory_space<vmem>>, vector<1024xf32>,
      %slice3A_195 = vector.extract_strided_slice %add3A_169 {offsets = [1023, 0], sizes = [1, 8], strides = [1, 1]} : vector<1024x8xf32> to vector<1x8xf32>
      %add3A_196 = arith.addf %select_n3A_177, %slice3A_195 : vector<1x8xf32>
      %swap3A_197 = arith.constant 0 : index
      %swap3A_198 = arith.constant 0 : index
      %swap3A_199 = vector.load %arg12[%swap3A_197, %swap3A_198] : memref<1x8xf32, #tpu.memory_space<vmem>>, vector<1x8xf32>
      tpu.vector_store %arg12[%swap3A_197, %swap3A_198], %add3A_196 {strides = array<i32>} : memref<1x8xf32, #tpu.memory_space<vmem>>, vector<1x8xf32>,
    } else {
    }
    %eq3A = arith.constant 4 : i32
    %eq3A_2 = arith.cmpi eq, %arg0, %eq3A : i32
    %convert_element_type3A_3 = arith.extui %eq3A_2 : i1 to i32
    %cond3A_4 = arith.constant 0 : i32
    %cond3A_5 = arith.cmpi ne, %convert_element_type3A_3, %cond3A_4 : i32
    scf.if %cond3A_5 {
      %get3A = arith.constant 0 : index
      %get3A_6 = arith.constant 0 : index
      %get3A_7 = vector.load %arg12[%get3A, %get3A_6] : memref<1x8xf32, #tpu.memory_space<vmem>>, vector<1x8xf32>
      %add3A = arith.constant 5.110000e+02 : f32
      %add3A_8 = vector.broadcast %add3A : f32 to vector<1x8xf32>
      %add3A_9 = arith.addf %get3A_7, %add3A_8 : vector<1x8xf32>
      %div3A = arith.constant 5.120000e+02 : f32
      %div3A_10 = vector.broadcast %div3A : f32 to vector<1x8xf32>
      %div3A_11 = arith.divf %add3A_9, %div3A_10 : vector<1x8xf32>
      %floor3A = math.floor %div3A_11 : vector<1x8xf32>
      %mul3A = arith.constant 5.120000e+02 : f32
      %mul3A_12 = vector.broadcast %mul3A : f32 to vector<1x8xf32>
      %mul3A_13 = arith.mulf %floor3A, %mul3A_12 : vector<1x8xf32>
      %iota3A = tpu.iota {dimensions = array<i32: 0>} : vector<8x8xi32>
      %iota3A_14 = tpu.iota {dimensions = array<i32: 1>} : vector<8x8xi32>
      %lt3A_15 = arith.cmpi slt, %iota3A, %iota3A_14 : vector<8x8xi32>
      %convert_element_type3A_16 = arith.extui %lt3A_15 : vector<8x8xi1> to vector<8x8xi32>
      %convert_element_type3A_17 = arith.sitofp %convert_element_type3A_16 : vector<8x8xi32> to vector<8x8xf32>
      %dot_general3A = arith.constant dense<0.000000e+00> : vector<1x8xf32>
      %dot_general3A_18 = tpu.matmul %mul3A_13, %convert_element_type3A_17, %dot_general3A {dimension_numbers = #tpu.dot_dimension_numbers<[1], [0], [0], [1], [0, 0, 1, 1], [], []>, transpose_lhs_hint = false} : vector<1x8xf32>, vector<8x8xf32>, vector<1x8xf32> -> vector<1x8xf32>
      %add3A_19 = arith.addf %dot_general3A_18, %mul3A_13 : vector<1x8xf32>
      %iota3A_20 = tpu.iota {dimensions = array<i32: 1>} : vector<4096x8xi32>
      %convert_element_type3A_21 = arith.sitofp %iota3A_20 : vector<4096x8xi32> to vector<4096x8xf32>
      %get3A_22 = arith.constant 0 : index
      %get3A_23 = vector.load %arg13[%get3A_22] : memref<4096xf32, #tpu.memory_space<vmem>>, vector<4096xf32>
      %broadcast_in_dim3A = vector.shape_cast %get3A_23 : vector<4096xf32> to vector<4096x1xf32>
      %eq3A_24 = vector.broadcast %broadcast_in_dim3A : vector<4096x1xf32> to vector<4096x8xf32>
      %eq3A_25 = arith.cmpf oeq, %convert_element_type3A_21, %eq3A_24 : vector<4096x8xf32>
      %get3A_26 = arith.constant 0 : index
      %get3A_27 = vector.load %arg14[%get3A_26] : memref<4096xf32, #tpu.memory_space<vmem>>, vector<4096xf32>
      %broadcast_in_dim3A_28 = vector.shape_cast %get3A_27 : vector<4096xf32> to vector<4096x1xf32>
      %eq3A_29 = vector.broadcast %broadcast_in_dim3A_28 : vector<4096x1xf32> to vector<4096x8xf32>
      %eq3A_30 = arith.cmpf oeq, %convert_element_type3A_21, %eq3A_29 : vector<4096x8xf32>
      %jit3A = arith.constant 0.000000e+00 : f32
      %broadcast_in_dim3A_31 = vector.shape_cast %dot_general3A_18 : vector<1x8xf32> to vector<1x8xf32>
      %broadcast_in_dim3A_32 = vector.broadcast %broadcast_in_dim3A_31 : vector<1x8xf32> to vector<4096x8xf32>
      %broadcast_in_dim3A_33 = vector.broadcast %jit3A : f32 to vector<4096x8xf32>
      %select_n3A = arith.select %eq3A_25, %broadcast_in_dim3A_32, %broadcast_in_dim3A_33 : vector<4096x8xi1>, vector<4096x8xf32>
      %reduce_sum3A = arith.constant dense<0.000000e+00> : vector<4096xf32>
      %reduce_sum3A_34 = vector.multi_reduction <add>, %select_n3A, %reduce_sum3A [1] : vector<4096x8xf32> to vector<4096xf32>
      %get3A_35 = arith.constant 0 : index
      %get3A_36 = vector.load %arg15[%get3A_35] : memref<4096xf32, #tpu.memory_space<vmem>>, vector<4096xf32>
      %add3A_37 = arith.addf %reduce_sum3A_34, %get3A_36 : vector<4096xf32>
      %convert_element_type3A_38 = arith.fptosi %add3A_37 : vector<4096xf32> to vector<4096xi32>
      %swap3A = arith.constant 0 : index
      %swap3A_39 = vector.load %arg8[%swap3A] : memref<4096xi32, #tpu.memory_space<vmem>>, vector<4096xi32>
      tpu.vector_store %arg8[%swap3A], %convert_element_type3A_38 {strides = array<i32>} : memref<4096xi32, #tpu.memory_space<vmem>>, vector<4096xi32>,
      %jit3A_40 = arith.constant 0.000000e+00 : f32
      %broadcast_in_dim3A_41 = vector.shape_cast %dot_general3A_18 : vector<1x8xf32> to vector<1x8xf32>
      %broadcast_in_dim3A_42 = vector.broadcast %broadcast_in_dim3A_41 : vector<1x8xf32> to vector<4096x8xf32>
      %broadcast_in_dim3A_43 = vector.broadcast %jit3A_40 : f32 to vector<4096x8xf32>
      %select_n3A_44 = arith.select %eq3A_30, %broadcast_in_dim3A_42, %broadcast_in_dim3A_43 : vector<4096x8xi1>, vector<4096x8xf32>
      %reduce_sum3A_45 = arith.constant dense<0.000000e+00> : vector<4096xf32>
      %reduce_sum3A_46 = vector.multi_reduction <add>, %select_n3A_44, %reduce_sum3A_45 [1] : vector<4096x8xf32> to vector<4096xf32>
      %get3A_47 = arith.constant 0 : index
      %get3A_48 = vector.load %arg16[%get3A_47] : memref<4096xf32, #tpu.memory_space<vmem>>, vector<4096xf32>
      %add3A_49 = arith.addf %reduce_sum3A_46, %get3A_48 : vector<4096xf32>
      %convert_element_type3A_50 = arith.fptosi %add3A_49 : vector<4096xf32> to vector<4096xi32>
      %swap3A_51 = arith.constant 0 : index
      %swap3A_52 = vector.load %arg9[%swap3A_51] : memref<4096xi32, #tpu.memory_space<vmem>>, vector<4096xi32>
      tpu.vector_store %arg9[%swap3A_51], %convert_element_type3A_50 {strides = array<i32>} : memref<4096xi32, #tpu.memory_space<vmem>>, vector<4096xi32>,
      %iota3A_53 = tpu.iota {dimensions = array<i32: 0>} : vector<25x1xi32>
      %convert_element_type3A_54 = arith.sitofp %iota3A_53 : vector<25x1xi32> to vector<25x1xf32>
      %mul3A_55 = arith.constant 5.120000e+02 : f32
      %mul3A_56 = vector.broadcast %mul3A_55 : f32 to vector<25x1xf32>
      %mul3A_57 = arith.mulf %convert_element_type3A_54, %mul3A_56 : vector<25x1xf32>
      %slice3A = vector.extract_strided_slice %mul3A_57 {offsets = [0, 0], sizes = [24, 1], strides = [1, 1]} : vector<25x1xf32> to vector<24x1xf32>
      %le3A = vector.broadcast %add3A_19 : vector<1x8xf32> to vector<24x8xf32>
      %le3A_58 = vector.broadcast %slice3A : vector<24x1xf32> to vector<24x8xf32>
      %le3A_59 = arith.cmpf ole, %le3A, %le3A_58 : vector<24x8xf32>
      %convert_element_type3A_60 = arith.extui %le3A_59 : vector<24x8xi1> to vector<24x8xi32>
      %reduce_sum3A_61 = arith.constant dense<0> : vector<24xi32>
      %reduce_sum3A_62 = vector.multi_reduction <add>, %convert_element_type3A_60, %reduce_sum3A_61 [1] : vector<24x8xi32> to vector<24xi32>
      %reduce_sum3A_63 = vector.shape_cast %mul3A_13 : vector<1x8xf32> to vector<1x1x8xf32>
      %reduce_sum3A_64 = arith.constant dense<0.000000e+00> : vector<1xf32>
      %reduce_sum3A_65 = vector.multi_reduction <add>, %reduce_sum3A_63, %reduce_sum3A_64 [1, 2] : vector<1x1x8xf32> to vector<1xf32>
      %reduce_sum3A_66 = vector.shape_cast %reduce_sum3A_65 : vector<1xf32> to vector<1x1x1xf32>
      %reduce_sum3A_67 = vector.extract %reduce_sum3A_66[0, 0, 0] : f32 from vector<1x1x1xf32>
      %div3A_68 = arith.constant 5.120000e+02 : f32
      %div3A_69 = arith.divf %reduce_sum3A_67, %div3A_68 : f32
      %convert_element_type3A_70 = arith.fptosi %div3A_69 : f32 to i32
      %min3A = arith.constant 7 : i32
      %min3A_71 = vector.broadcast %min3A : i32 to vector<24xi32>
      %min3A_72 = arith.minsi %reduce_sum3A_62, %min3A_71 : vector<24xi32>
      %broadcast_in_dim3A_73 = vector.broadcast %convert_element_type3A_70 : i32 to vector<1xi32>
      %concatenate3A = tpu.concatenate %min3A_72, %broadcast_in_dim3A_73 in 0 : vector<24xi32>, vector<1xi32> -> vector<25xi32>
      %swap3A_74 = arith.constant 0 : index
      %swap3A_75 = vector.load %arg10[%swap3A_74] : memref<25xi32, #tpu.memory_space<vmem>>, vector<25xi32>
      tpu.vector_store %arg10[%swap3A_74], %concatenate3A {strides = array<i32>} : memref<25xi32, #tpu.memory_space<vmem>>, vector<25xi32>,
    } else {
    }
    return
  }
  func.func @transform_0(%arg0: i32) -> (i32, i32) {
    %min3A = arith.constant 3 : i32
    %min3A_0 = arith.minsi %arg0, %min3A : i32
    %c0_i32 = arith.constant 0 : i32
    %c0_i32_1 = arith.constant 0 : i32
    return %min3A_0, %c0_i32 : i32, i32
  }
  func.func @transform_1(%arg0: i32) -> (i32, i32) {
    %c0_i32 = arith.constant 0 : i32
    %c0_i32_0 = arith.constant 0 : i32
    %c0_i32_1 = arith.constant 0 : i32
    return %c0_i32, %c0_i32_0 : i32, i32
  }
  func.func @transform_2(%arg0: i32) -> (i32, i32) {
    %c0_i32 = arith.constant 0 : i32
    %c0_i32_0 = arith.constant 0 : i32
    %c0_i32_1 = arith.constant 0 : i32
    return %c0_i32, %c0_i32_0 : i32, i32
  }
  func.func @transform_3(%arg0: i32) -> (i32, i32) {
    %c0_i32 = arith.constant 0 : i32
    %c0_i32_0 = arith.constant 0 : i32
    %c0_i32_1 = arith.constant 0 : i32
    return %c0_i32, %c0_i32_0 : i32, i32
  }
  func.func @transform_4(%arg0: i32) -> (i32, i32) {
    %c0_i32 = arith.constant 0 : i32
    %c0_i32_0 = arith.constant 0 : i32
    %c0_i32_1 = arith.constant 0 : i32
    return %c0_i32, %c0_i32_0 : i32, i32
  }
  func.func @transform_5(%arg0: i32) -> i32 {
    %min3A = arith.constant 3 : i32
    %min3A_0 = arith.minsi %arg0, %min3A : i32
    %c0_i32 = arith.constant 0 : i32
    return %min3A_0 : i32
  }
  func.func @transform_6(%arg0: i32) -> i32 {
    %min3A = arith.constant 3 : i32
    %min3A_0 = arith.minsi %arg0, %min3A : i32
    %c0_i32 = arith.constant 0 : i32
    return %min3A_0 : i32
  }
  func.func @transform_7(%arg0: i32) -> i32 {
    %c0_i32 = arith.constant 0 : i32
    %c0_i32_0 = arith.constant 0 : i32
    return %c0_i32 : i32
  }
  func.func @transform_8(%arg0: i32) -> i32 {
    %c0_i32 = arith.constant 0 : i32
    %c0_i32_0 = arith.constant 0 : i32
    return %c0_i32 : i32
  }
  func.func @transform_9(%arg0: i32) -> i32 {
    %c0_i32 = arith.constant 0 : i32
    %c0_i32_0 = arith.constant 0 : i32
    return %c0_i32 : i32
  }
  func.func @transform_10(%arg0: i32) -> (i32, i32) {
    %min3A = arith.constant 3 : i32
    %min3A_0 = arith.minsi %arg0, %min3A : i32
    %c0_i32 = arith.constant 0 : i32
    %c0_i32_1 = arith.constant 0 : i32
    return %min3A_0, %c0_i32 : i32, i32
  }
}

module attributes {stable_mosaic.version = 14 : i64} {
  func.func @_mlp_kernel(%arg0: i32, %arg1: memref<25xi32, #tpu.memory_space<smem>>, %arg2: memref<512x1024xi32, #tpu.memory_space<vmem>>, %arg3: memref<1x2048x1024xf32, #tpu.memory_space<vmem>>, %arg4: memref<1x1x1024xf32, #tpu.memory_space<vmem>>, %arg5: memref<1x1024x512xf32, #tpu.memory_space<vmem>>, %arg6: memref<1x1x512xf32, #tpu.memory_space<vmem>>, %arg7: memref<1x512x2xf32, #tpu.memory_space<vmem>>, %arg8: memref<1x1x2xf32, #tpu.memory_space<vmem>>, %arg9: memref<512xf32, #tpu.memory_space<vmem>>, %arg10: memref<512xf32, #tpu.memory_space<vmem>>) attributes {dimension_semantics = [#tpu.dimension_semantics<arbitrary>], iteration_bounds = array<i64: 24>, scalar_prefetch = 1 : i64, scratch_operands = 0 : i64, tpu.core_type = #tpu.core_type<tc>, window_params = [{transform_indices = @transform_0, window_bounds = array<i64: 512, 1024>}, {transform_indices = @transform_1, window_bounds = array<i64: 1, 2048, 1024>}, {transform_indices = @transform_2, window_bounds = array<i64: 1, 1, 1024>}, {transform_indices = @transform_3, window_bounds = array<i64: 1, 1024, 512>}, {transform_indices = @transform_4, window_bounds = array<i64: 1, 1, 512>}, {transform_indices = @transform_5, window_bounds = array<i64: 1, 512, 2>}, {transform_indices = @transform_6, window_bounds = array<i64: 1, 1, 2>}, {transform_indices = @transform_7, window_bounds = array<i64: 512>}, {transform_indices = @transform_8, window_bounds = array<i64: 512>}]} {
    %get3A = arith.constant 24 : index
    %get3A_0 = memref.load %arg1[%get3A] : memref<25xi32, #tpu.memory_space<smem>>
    %lt3A = arith.cmpi slt, %arg0, %get3A_0 : i32
    %convert_element_type3A = arith.extui %lt3A : i1 to i32
    %cond3A = arith.constant 0 : i32
    %cond3A_1 = arith.cmpi ne, %convert_element_type3A, %cond3A : i32
    scf.if %cond3A_1 {
      %get3A_2 = arith.constant 0 : index
      %get3A_3 = arith.constant 0 : index
      %get3A_4 = vector.load %arg2[%get3A_2, %get3A_3] : memref<512x1024xi32, #tpu.memory_space<vmem>>, vector<512x1024xi32>
      %shift_left3A = arith.constant 16 : i32
      %shift_left3A_5 = vector.broadcast %shift_left3A : i32 to vector<512x1024xi32>
      %shift_left3A_6 = arith.shli %get3A_4, %shift_left3A_5 : vector<512x1024xi32>
      %bitcast_convert_type3A = tpu.bitcast %shift_left3A_6 : vector<512x1024xi32> -> vector<512x1024xf32>
      %and3A = arith.constant -65536 : i32
      %and3A_7 = vector.broadcast %and3A : i32 to vector<512x1024xi32>
      %and3A_8 = arith.andi %get3A_4, %and3A_7 : vector<512x1024xi32>
      %bitcast_convert_type3A_9 = tpu.bitcast %and3A_8 : vector<512x1024xi32> -> vector<512x1024xf32>
      %concatenate3A = tpu.concatenate %bitcast_convert_type3A, %bitcast_convert_type3A_9 in 1 : vector<512x1024xf32>, vector<512x1024xf32> -> vector<512x2048xf32>
      %get3A_10 = arith.constant 0 : index
      %get3A_11 = arith.constant 0 : index
      %get3A_12 = arith.constant 0 : index
      %get3A_13 = vector.load %arg3[%get3A_10, %get3A_11, %get3A_12] : memref<1x2048x1024xf32, #tpu.memory_space<vmem>>, vector<1x2048x1024xf32>
      %get3A_14 = vector.shape_cast %get3A_13 : vector<1x2048x1024xf32> to vector<2048x1024xf32>
      %dot_general3A = arith.constant dense<0.000000e+00> : vector<512x1024xf32>
      %dot_general3A_15 = tpu.matmul %concatenate3A, %get3A_14, %dot_general3A {dimension_numbers = #tpu.dot_dimension_numbers<[1], [0], [0], [1], [0, 0, 1, 1], [], []>, transpose_lhs_hint = false} : vector<512x2048xf32>, vector<2048x1024xf32>, vector<512x1024xf32> -> vector<512x1024xf32>
      %get3A_16 = arith.constant 0 : index
      %get3A_17 = arith.constant 0 : index
      %get3A_18 = arith.constant 0 : index
      %get3A_19 = vector.load %arg4[%get3A_16, %get3A_17, %get3A_18] : memref<1x1x1024xf32, #tpu.memory_space<vmem>>, vector<1x1x1024xf32>
      %get3A_20 = vector.shape_cast %get3A_19 : vector<1x1x1024xf32> to vector<1x1024xf32>
      %add3A = vector.broadcast %get3A_20 : vector<1x1024xf32> to vector<512x1024xf32>
      %add3A_21 = arith.addf %dot_general3A_15, %add3A : vector<512x1024xf32>
      %mul3A = arith.constant 5.000000e-01 : f32
      %mul3A_22 = vector.broadcast %mul3A : f32 to vector<512x1024xf32>
      %mul3A_23 = arith.mulf %add3A_21, %mul3A_22 : vector<512x1024xf32>
      %mul3A_24 = arith.constant 0.707106769 : f32
      %mul3A_25 = vector.broadcast %mul3A_24 : f32 to vector<512x1024xf32>
      %mul3A_26 = arith.mulf %add3A_21, %mul3A_25 : vector<512x1024xf32>
      %erf3A = math.erf %mul3A_26 : vector<512x1024xf32>
      %add3A_27 = arith.constant 1.000000e+00 : f32
      %add3A_28 = vector.broadcast %add3A_27 : f32 to vector<512x1024xf32>
      %add3A_29 = arith.addf %add3A_28, %erf3A : vector<512x1024xf32>
      %mul3A_30 = arith.mulf %mul3A_23, %add3A_29 : vector<512x1024xf32>
      %get3A_31 = arith.constant 0 : index
      %get3A_32 = arith.constant 0 : index
      %get3A_33 = arith.constant 0 : index
      %get3A_34 = vector.load %arg5[%get3A_31, %get3A_32, %get3A_33] : memref<1x1024x512xf32, #tpu.memory_space<vmem>>, vector<1x1024x512xf32>
      %get3A_35 = vector.shape_cast %get3A_34 : vector<1x1024x512xf32> to vector<1024x512xf32>
      %dot_general3A_36 = arith.constant dense<0.000000e+00> : vector<512x512xf32>
      %dot_general3A_37 = tpu.matmul %mul3A_30, %get3A_35, %dot_general3A_36 {dimension_numbers = #tpu.dot_dimension_numbers<[1], [0], [0], [1], [0, 0, 1, 1], [], []>, transpose_lhs_hint = false} : vector<512x1024xf32>, vector<1024x512xf32>, vector<512x512xf32> -> vector<512x512xf32>
      %get3A_38 = arith.constant 0 : index
      %get3A_39 = arith.constant 0 : index
      %get3A_40 = arith.constant 0 : index
      %get3A_41 = vector.load %arg6[%get3A_38, %get3A_39, %get3A_40] : memref<1x1x512xf32, #tpu.memory_space<vmem>>, vector<1x1x512xf32>
      %get3A_42 = vector.shape_cast %get3A_41 : vector<1x1x512xf32> to vector<1x512xf32>
      %add3A_43 = vector.broadcast %get3A_42 : vector<1x512xf32> to vector<512x512xf32>
      %add3A_44 = arith.addf %dot_general3A_37, %add3A_43 : vector<512x512xf32>
      %mul3A_45 = arith.constant 5.000000e-01 : f32
      %mul3A_46 = vector.broadcast %mul3A_45 : f32 to vector<512x512xf32>
      %mul3A_47 = arith.mulf %add3A_44, %mul3A_46 : vector<512x512xf32>
      %mul3A_48 = arith.constant 0.707106769 : f32
      %mul3A_49 = vector.broadcast %mul3A_48 : f32 to vector<512x512xf32>
      %mul3A_50 = arith.mulf %add3A_44, %mul3A_49 : vector<512x512xf32>
      %erf3A_51 = math.erf %mul3A_50 : vector<512x512xf32>
      %add3A_52 = arith.constant 1.000000e+00 : f32
      %add3A_53 = vector.broadcast %add3A_52 : f32 to vector<512x512xf32>
      %add3A_54 = arith.addf %add3A_53, %erf3A_51 : vector<512x512xf32>
      %mul3A_55 = arith.mulf %mul3A_47, %add3A_54 : vector<512x512xf32>
      %get3A_56 = arith.constant 0 : index
      %get3A_57 = arith.constant 0 : index
      %get3A_58 = arith.constant 0 : index
      %get3A_59 = vector.load %arg7[%get3A_56, %get3A_57, %get3A_58] : memref<1x512x2xf32, #tpu.memory_space<vmem>>, vector<1x512x2xf32>
      %get3A_60 = vector.shape_cast %get3A_59 : vector<1x512x2xf32> to vector<512x2xf32>
      %get3A_61 = arith.constant 0 : index
      %get3A_62 = arith.constant 0 : index
      %get3A_63 = arith.constant 0 : index
      %get3A_64 = vector.load %arg8[%get3A_61, %get3A_62, %get3A_63] : memref<1x1x2xf32, #tpu.memory_space<vmem>>, vector<1x1x2xf32>
      %get3A_65 = vector.shape_cast %get3A_64 : vector<1x1x2xf32> to vector<1x2xf32>
      %slice3A = vector.extract_strided_slice %get3A_60 {offsets = [0, 0], sizes = [512, 1], strides = [1, 1]} : vector<512x2xf32> to vector<512x1xf32>
      %squeeze3A = vector.shape_cast %slice3A : vector<512x1xf32> to vector<512xf32>
      %broadcast_in_dim3A = vector.shape_cast %squeeze3A : vector<512xf32> to vector<1x512xf32>
      %mul3A_66 = vector.broadcast %broadcast_in_dim3A : vector<1x512xf32> to vector<512x512xf32>
      %mul3A_67 = arith.mulf %mul3A_55, %mul3A_66 : vector<512x512xf32>
      %reduce_sum3A = arith.constant dense<0.000000e+00> : vector<512xf32>
      %reduce_sum3A_68 = vector.multi_reduction <add>, %mul3A_67, %reduce_sum3A [1] : vector<512x512xf32> to vector<512xf32>
      %slice3A_69 = vector.extract_strided_slice %get3A_65 {offsets = [0, 0], sizes = [1, 1], strides = [1, 1]} : vector<1x2xf32> to vector<1x1xf32>
      %squeeze3A_70 = vector.extract %slice3A_69[0, 0] : f32 from vector<1x1xf32>
      %add3A_71 = vector.broadcast %squeeze3A_70 : f32 to vector<512xf32>
      %add3A_72 = arith.addf %reduce_sum3A_68, %add3A_71 : vector<512xf32>
      %swap3A = arith.constant 0 : index
      %swap3A_73 = vector.load %arg9[%swap3A] : memref<512xf32, #tpu.memory_space<vmem>>, vector<512xf32>
      tpu.vector_store %arg9[%swap3A], %add3A_72 {strides = array<i32>} : memref<512xf32, #tpu.memory_space<vmem>>, vector<512xf32>,
      %slice3A_74 = vector.extract_strided_slice %get3A_60 {offsets = [0, 1], sizes = [512, 1], strides = [1, 1]} : vector<512x2xf32> to vector<512x1xf32>
      %squeeze3A_75 = vector.shape_cast %slice3A_74 : vector<512x1xf32> to vector<512xf32>
      %broadcast_in_dim3A_76 = vector.shape_cast %squeeze3A_75 : vector<512xf32> to vector<1x512xf32>
      %mul3A_77 = vector.broadcast %broadcast_in_dim3A_76 : vector<1x512xf32> to vector<512x512xf32>
      %mul3A_78 = arith.mulf %mul3A_55, %mul3A_77 : vector<512x512xf32>
      %reduce_sum3A_79 = arith.constant dense<0.000000e+00> : vector<512xf32>
      %reduce_sum3A_80 = vector.multi_reduction <add>, %mul3A_78, %reduce_sum3A_79 [1] : vector<512x512xf32> to vector<512xf32>
      %slice3A_81 = vector.extract_strided_slice %get3A_65 {offsets = [0, 1], sizes = [1, 1], strides = [1, 1]} : vector<1x2xf32> to vector<1x1xf32>
      %squeeze3A_82 = vector.extract %slice3A_81[0, 0] : f32 from vector<1x1xf32>
      %add3A_83 = vector.broadcast %squeeze3A_82 : f32 to vector<512xf32>
      %add3A_84 = arith.addf %reduce_sum3A_80, %add3A_83 : vector<512xf32>
      %swap3A_85 = arith.constant 0 : index
      %swap3A_86 = vector.load %arg10[%swap3A_85] : memref<512xf32, #tpu.memory_space<vmem>>, vector<512xf32>
      tpu.vector_store %arg10[%swap3A_85], %add3A_84 {strides = array<i32>} : memref<512xf32, #tpu.memory_space<vmem>>, vector<512xf32>,
    } else {
    }
    return
  }
  func.func @transform_0(%arg0: i32, %arg1: memref<25xi32, #tpu.memory_space<smem>>) -> (i32, i32) {
    %c0_i32 = arith.constant 0 : i32
    %c0_i32_0 = arith.constant 0 : i32
    return %arg0, %c0_i32 : i32, i32
  }
  func.func @transform_1(%arg0: i32, %arg1: memref<25xi32, #tpu.memory_space<smem>>) -> (i32, i32, i32) {
    %get3A = arith.index_cast %arg0 : i32 to index
    %get3A_0 = memref.load %arg1[%get3A] : memref<25xi32, #tpu.memory_space<smem>>
    %c0_i32 = arith.constant 0 : i32
    %c0_i32_1 = arith.constant 0 : i32
    %c0_i32_2 = arith.constant 0 : i32
    return %get3A_0, %c0_i32, %c0_i32_1 : i32, i32, i32
  }
  func.func @transform_2(%arg0: i32, %arg1: memref<25xi32, #tpu.memory_space<smem>>) -> (i32, i32, i32) {
    %get3A = arith.index_cast %arg0 : i32 to index
    %get3A_0 = memref.load %arg1[%get3A] : memref<25xi32, #tpu.memory_space<smem>>
    %c0_i32 = arith.constant 0 : i32
    %c0_i32_1 = arith.constant 0 : i32
    %c0_i32_2 = arith.constant 0 : i32
    return %get3A_0, %c0_i32, %c0_i32_1 : i32, i32, i32
  }
  func.func @transform_3(%arg0: i32, %arg1: memref<25xi32, #tpu.memory_space<smem>>) -> (i32, i32, i32) {
    %get3A = arith.index_cast %arg0 : i32 to index
    %get3A_0 = memref.load %arg1[%get3A] : memref<25xi32, #tpu.memory_space<smem>>
    %c0_i32 = arith.constant 0 : i32
    %c0_i32_1 = arith.constant 0 : i32
    %c0_i32_2 = arith.constant 0 : i32
    return %get3A_0, %c0_i32, %c0_i32_1 : i32, i32, i32
  }
  func.func @transform_4(%arg0: i32, %arg1: memref<25xi32, #tpu.memory_space<smem>>) -> (i32, i32, i32) {
    %get3A = arith.index_cast %arg0 : i32 to index
    %get3A_0 = memref.load %arg1[%get3A] : memref<25xi32, #tpu.memory_space<smem>>
    %c0_i32 = arith.constant 0 : i32
    %c0_i32_1 = arith.constant 0 : i32
    %c0_i32_2 = arith.constant 0 : i32
    return %get3A_0, %c0_i32, %c0_i32_1 : i32, i32, i32
  }
  func.func @transform_5(%arg0: i32, %arg1: memref<25xi32, #tpu.memory_space<smem>>) -> (i32, i32, i32) {
    %get3A = arith.index_cast %arg0 : i32 to index
    %get3A_0 = memref.load %arg1[%get3A] : memref<25xi32, #tpu.memory_space<smem>>
    %c0_i32 = arith.constant 0 : i32
    %c0_i32_1 = arith.constant 0 : i32
    %c0_i32_2 = arith.constant 0 : i32
    return %get3A_0, %c0_i32, %c0_i32_1 : i32, i32, i32
  }
  func.func @transform_6(%arg0: i32, %arg1: memref<25xi32, #tpu.memory_space<smem>>) -> (i32, i32, i32) {
    %get3A = arith.index_cast %arg0 : i32 to index
    %get3A_0 = memref.load %arg1[%get3A] : memref<25xi32, #tpu.memory_space<smem>>
    %c0_i32 = arith.constant 0 : i32
    %c0_i32_1 = arith.constant 0 : i32
    %c0_i32_2 = arith.constant 0 : i32
    return %get3A_0, %c0_i32, %c0_i32_1 : i32, i32, i32
  }
  func.func @transform_7(%arg0: i32, %arg1: memref<25xi32, #tpu.memory_space<smem>>) -> i32 {
    %c0_i32 = arith.constant 0 : i32
    return %arg0 : i32
  }
  func.func @transform_8(%arg0: i32, %arg1: memref<25xi32, #tpu.memory_space<smem>>) -> i32 {
    %c0_i32 = arith.constant 0 : i32
    return %arg0 : i32
  }
}

</mosaic_0001>

<sc_bundles>
// kernel: kernel.6.cloned.1.call-start
scs
__scs_entry_jumppad:
0x0: {  	(pc) =	sbr.rel $0x88, $3  }
0x1: {  	(tag) =	ssettag $0x0;
	lr =	simm.s32 $0x1  }
0x2: {  	[smem:$0x3F95] =	sst lr;
	_ =	strace $0xD0000000  }
0x3: {  	_ = 	snop  }
0x4: {  	_ = 	snop  }
0x5: {  	_ = 	snop  }
0x6: {  	_ = 	snop  }
0x7: {  	_ = 	snop  }
__scs_overlays_trampoline_lowered:
0x8: {  	[smem:$0x3FA4] =	sst s0  }
0x9: {  	[smem:$0x3FA5] =	sst s1  }
0xa: {  	[smem:$0x3FA6] =	sst s2  }
0xb: {  	[smem:$0x3FA7] =	sst s3  }
0xc: {  	[smem:$0x3FA8] =	sst s4  }
0xd: {  	[smem:$0x3FA9] =	sst s5  }
0xe: {  	[smem:$0x3FAA] =	sst s6  }
0xf: {  	[smem:$0x3FAB] =	sst s7  }
0x10: {  	[smem:$0x3FAC] =	sst s8  }
0x11: {  	[smem:$0x3FAD] =	sst s9;
	s0 =	simm.s32 @!p0 $0x0  }
0x12: {  	s1 =	sld [smem:$0x3F93];
	s0 =	simm.s32 @p0 $0x1  }
0x13: {  	[smem:$0x3FAE] =	sst s0;
	s0 =	simm.s32 @!p1 $0x0  }
0x14: {  	s2 =	sld [smem:$0x3F92];
	s0 =	simm.s32 @p1 $0x1  }
0x15: {  	[smem:$0x3FAF] =	sst s0;
	s0 =	simm.s32 @!p2 $0x0  }
0x16: {  	s3 =	sld [smem:$0x3FDB];
	s0 =	simm.s32 @p2 $0x1  }
0x17: {  	s4 =	simm.s32 $0x1BF5;
	[smem:$0x3FB1] =	sst s0  }
0x18: {  	s0 =	sld [smem:$0x3F94];
	_ =	swait.ge [sflag:s4], $0x0  }
0x19: {  	s7 =	sld [smem:$0x3F95]  }
0x1a: {  	s8 =	sadd.s32 $0xFFFFE003, lr  }
0x1b: {  	s9 =	sadd.s32 $0xFFFFFEF7, lr;
	s5 =	simm.s32 $0xFFFFFFFF;
	p2 =	slt.u32 s8, $0xFFFFF086  }
0x1c: {  	p1 =	slt.u32 s9, $0xF7A;
	s5 =	simm.s32 @!p2 $0x0  }
0x1d: {  	s5 =	simm.s32 @p1 $0x1;
	p0 =	seq.s32 s7, s2  }
0x1e: {  	s7 =	smul.u32 @!p0 $0xF7A, s2;
	p2 =	seq.s32 @!p0 s5, $0x0  }
0x1f: {  	s9 =	smul.u32 $0xF7A, s1;
	s8 =	simm.s32 @!p0 $0x1BF5;
	p2 =	por !p2, p0  }
0x20: {  	[sflag:s8] =	ssyncset.s32 @!p0 $0xFFFFF086;
	s6 =	sadd.s32 @!p0 s3, s7;
	s7 =	simm.s32 @!p0 $0x108  }
0x21: {  	s3 =	sadd.s32 s3, s9;
	s6 =	sadd.s32 @!p0 $0x88, s6;
	s7 =	simm.s32 @p2 $0x1082  }
0x22: {  	[simem:s7], [sflag:s8] =	dma.local @!p0 [hbm:s6], $0xF7A  }
0x23: {  	s9 =	sor.u32 $0xD0000000, s2;
	s6 =	simm.s32 $0x108;
	_ =	swait.ge @!p0 [sflag:s8], $0x0  }
0x24: {  	s3 =	sadd.s32 $0x88, s3;
	s6 =	simm.s32 @!p1 $0x1082;
	[sflag:s4] =	ssyncset.s32 $0xFFFFF086  }
0x25: {  	[simem:s6], [sflag:s4] =	dma.local [hbm:s3], $0xF7A  }
0x26: {  	[smem:$0x3F95] =	sst s1;
	(tag) =	ssettag s2;
	_ =	strace s9  }
0x27: {  	s1 =	sld [smem:$0x3FA5]  }
0x28: {  	s2 =	sld [smem:$0x3FA6]  }
0x29: {  	s4 =	sld [smem:$0x3FA8]  }
0x2a: {  	p0 =	seq.s32 s5, $0x0;
	s5 =	sld [smem:$0x3FA9]  }
0x2b: {  	s6 =	sld [smem:$0x3FAA]  }
0x2c: {  	s7 =	sld [smem:$0x3FAB]  }
0x2d: {  	s3 =	simm.s32 $0x108;
	s8 =	sld [smem:$0x3FAC]  }
0x2e: {  	s3 =	simm.s32 @!p0 $0x1082;
	s9 =	sld [smem:$0x3FAD]  }
0x2f: {  	lr =	sadd.s32 s0, s3;
	s0 =	sld [smem:$0x3FA4]  }
0x30: {  	s3 =	sld [smem:$0x3FA7]  }
0x31: {  	[smem:$0x3FB0] =	sst s10  }
0x32: {  	s10 =	sld [smem:$0x3FAE];
	_ =	sdelay $0x3  }
0x33: {  	p0 =	seq.s32 s10, $0x1;
	s10 =	sld [smem:$0x3FB0];
	_ =	sdelay $0x3  }
0x34: {  	[smem:$0x3FB0] =	sst s10  }
0x35: {  	s10 =	sld [smem:$0x3FAF];
	_ =	sdelay $0x3  }
0x36: {  	p1 =	seq.s32 s10, $0x1;
	s10 =	sld [smem:$0x3FB0];
	_ =	sdelay $0x3  }
0x37: {  	[smem:$0x3FB0] =	sst s10  }
0x38: {  	s10 =	sld [smem:$0x3FB1]  }
0x39: {  	_ = 	snop;
	(pc) =	sbr.ind lr, $3  }
0x3a: {  	_ = 	snop  }
0x3b: {  	_ = 	snop  }
0x3c: {  	p2 =	seq.s32 s10, $0x1;
	s10 =	sld [smem:$0x3FB0]  }
0x3d: {  	_ =	shalt  }
0x3e: {  	_ =	shalt  }
0x3f: {  	_ =	shalt  }
0x40: {  	_ =	shalt  }
0x41: {  	_ =	shalt  }
0x42: {  	_ =	shalt  }
0x43: {  	_ =	shalt  }
0x44: {  	_ =	shalt  }
0x45: {  	_ =	shalt  }
0x46: {  	_ =	shalt  }
0x47: {  	_ =	shalt  }
0x48: {  	_ =	shalt  }
0x49: {  	_ =	shalt  }
0x4a: {  	_ =	shalt  }
0x4b: {  	_ =	shalt  }
0x4c: {  	_ =	shalt  }
0x4d: {  	_ =	shalt  }
0x4e: {  	_ =	shalt  }
0x4f: {  	_ =	shalt  }
0x50: {  	_ =	shalt  }
0x51: {  	_ =	shalt  }
0x52: {  	_ =	shalt  }
0x53: {  	_ =	shalt  }
0x54: {  	_ =	shalt  }
0x55: {  	_ =	shalt  }
0x56: {  	_ =	shalt  }
0x57: {  	_ =	shalt  }
0x58: {  	_ =	shalt  }
0x59: {  	_ =	shalt  }
0x5a: {  	_ =	shalt  }
0x5b: {  	_ =	shalt  }
0x5c: {  	_ =	shalt  }
0x5d: {  	_ =	shalt  }
0x5e: {  	_ =	shalt  }
0x5f: {  	_ =	shalt  }
0x60: {  	_ =	shalt  }
0x61: {  	_ =	shalt  }
0x62: {  	_ =	shalt  }
0x63: {  	_ =	shalt  }
0x64: {  	_ =	shalt  }
0x65: {  	_ =	shalt  }
0x66: {  	_ =	shalt  }
0x67: {  	_ =	shalt  }
0x68: {  	_ =	shalt  }
0x69: {  	_ =	shalt  }
0x6a: {  	_ =	shalt  }
0x6b: {  	_ =	shalt  }
0x6c: {  	_ =	shalt  }
0x6d: {  	_ =	shalt  }
0x6e: {  	_ =	shalt  }
0x6f: {  	_ =	shalt  }
0x70: {  	_ =	shalt  }
0x71: {  	_ =	shalt  }
0x72: {  	_ =	shalt  }
0x73: {  	_ =	shalt  }
0x74: {  	_ =	shalt  }
0x75: {  	_ =	shalt  }
0x76: {  	_ =	shalt  }
0x77: {  	_ =	shalt  }
0x78: {  	_ =	shalt  }
0x79: {  	_ =	shalt  }
0x7a: {  	_ =	shalt  }
0x7b: {  	_ =	shalt  }
0x7c: {  	_ =	shalt  }
0x7d: {  	_ =	shalt  }
0x7e: {  	_ =	shalt  }
0x7f: {  	_ =	shalt  }
0x80: {  	_ =	shalt  }
0x81: {  	_ =	shalt  }
0x82: {  	_ =	shalt  }
0x83: {  	_ =	shalt  }
0x84: {  	_ =	shalt  }
0x85: {  	_ =	shalt  }
0x86: {  	_ =	shalt  }
0x87: {  	_ =	shalt  }
.Lfunc_end0:
.L_simem_size_0:
called_computation_lowered:
.L_overlay_start_0:
0x88: {  	s2 =	sld [smem:$0x3FD9]  }
0x89: {  	s3 =	sld [smem:$0x3FFE];
	_ =	sdelay $0x1  }
0x8a: {  	s1 =	srdreg.scid  }
0x8b: {  	s0 =	sand.u32 $0x1, s1  }
0x8c: {  	s17 =	sshll.u32 s0, $0xA;
	s2 =	sadd.s32 s3, s2  }
0x8d: {  	s2 =	sadd.s32 s2, s17  }
0x8e: {  	[smem:$0x3FBC] =	sst s2  }
0x8f: {  	_ = 	snop  }
0x90: {  	s2 =	sld [smem:$0x3FD0];
	(tm) =	ssettm $0x1  }
0x91: {  	s18 =	sld [smem:$0x3FFB];
	_ =	sdelay $0x3  }
0x92: {  	_ =	strace s18  }
0x93: {  	s3 =	sld [smem:$0x3FFC];
	_ =	sdelay $0x3  }
0x94: {  	_ =	strace s3  }
0x95: {  	s3 =	sld [smem:$0x3FFD];
	_ =	sdelay $0x3  }
0x96: {  	_ =	strace s3  }
0x97: {  	_ =	strace $0x8FFFFFFF  }
0x98: {  	s19 =	sld [smem:$0x3FDB];
	_ =	sdelay $0x1  }
0x99: {  	s4 =	simm.s32 $_scs_section_size  }
0x9a: {  	s5 =	simm.s32 $_size__tile_overlayer_lowered;
	s6 =	simm.s32 $_tile_overlayer_lowered  }
0x9b: {  	s22 =	simm.s32 $0x1BFF;
	s21 =	sshll.u32 s6, $0x1;
	s3 =	sadd.s32 s4, s19  }
0x9c: {  	s7 =	simm.s32 $0x0;
	s20 =	sshll.u32 s5, $0x1;
	s5 =	sadd.s32 s21, s3  }
0x9d: {  	[timem:s7], [sflag:s22] =	dma.local [hbm:s5], s20  }
0x9e: {  	_ =	swait.ge [sflag:s22], s20  }
0x9f: {  	s4 =	ssub.s32 $0x0, s20;
	[sflag:s22] =	ssyncset.done $0x0  }
0xa0: {  	[sflag:s22] =	ssyncadd.s32 s4;
	_ =	sdelay $0x1  }
0xa1: {  	s23 =	simm.s32 $0x1B8B  }
0xa2: {  	_ =	swait.ge [sflag:s23], $0x1  }
0xa3: {  	[sflag:s23] =	ssyncset.done $0x0  }
0xa4: {  	s25 =	simm.s32 $0x1B8E;
	s24 =	sld [smem:$0x3FFE];
	[sflag:s23] =	ssyncadd.s32 $0xFFFFFFFF  }
0xa5: {  	s26 =	simm.s32 $execute0_lowered;
	[smem:$0x3FD2] =	sst s25  }
0xa6: {  	s5 =	sshll.u32 s26, $0x1;
	_ =	strace $0x80000046;
	[dreg:$0x1] =	wrdreg $0xFFFFFFFF  }
0xa7: {  	s28 =	simm.s32 $_size_execute0_lowered;
	s3 =	sadd.s32 s3, s5;
	[dreg:$0x0] =	wrdreg $0x0  }
0xa8: {  	s5 =	sshll.u32 s28, $0x1;
	[dreg:$0x2] =	wrdreg s3  }
0xa9: {  	[dreg:$0x3] =	wrdreg s5  }
0xaa: {  	[dreg:$0x4] =	wrdreg $0xC0  }
0xab: {  	_ =	task [dreg:s7], $0x5FFFF  }
0xac: {  	[dreg:$0x1] =	wrdreg $0xFFFFFFFF  }
0xad: {  	[dreg:$0x0] =	wrdreg $0x60  }
0xae: {  	[dreg:$0x2] =	wrdreg s24  }
0xaf: {  	[dreg:$0x3] =	wrdreg s2  }
0xb0: {  	[dreg:$0x4] =	wrdreg $0x9  }
0xb1: {  	_ =	task.clear_ibuf [dreg:s7], $0x5FFFF;
	_ =	strace $0x90000046  }
0xb2: {  	s29 =	simm.s32 $0x9;
	_ =	strace $0x80000048  }
0xb3: {  	_ =	swait.ge [sflag:s29], $0x1  }
0xb4: {  	[sflag:s29] =	ssyncadd.s32 $0xFFFFFFFF  }
0xb5: {  	_ =	strace $0x90000048  }
0xb6: {  	_ =	sfence  }
0xb7: {  	s30 =	sld [smem:$0x0];
	_ =	sdelay $0x2  }
0xb8: {  	s31 =	sshll.u32 s1, $0xD;
	s1 =	sshrl.u32 s1, $0x2  }
0xb9: {  	s3 =	sand.u32 $0x4000, s31;
	s1 =	sadd.s32 s1, s30  }
0xba: {  	s0 =	sor.u32 s3, s0;
	s1 =	sshll.u32 s1, $0x11  }
0xbb: {  	s0 =	sor.u32 s1, s0  }
0xbc: {  	s0 =	sadd.s32 $0x8F2B, s0  }
0xbd: {  	[sflag:s0] =	ssyncadd.remote.s32 $0x1  }
0xbe: {  	_ =	sfence.sel $0xFFFF  }
0xbf: {  	[dreg:$0x0] =	wrdreg $0xFFFFFFFF;
	(pc) =	sbr.abs _section_cstart, $3  }
0xc0: {  	[dreg:$0x1] =	wrdreg $0xFFFFFFFF  }
0xc1: {  	_ =	task.clear_ibuf [dreg:s7], $0x2FFFF;
	_ =	strace $0x9FFFFFFF  }
0xc2: {  	(tm) =	ssettm $0x7FFFFFFF  }
0xc3: {  	_ =	shalt  }
tec
execute0_lowered:
.L_overlay_start_1:
0x0: {  	(tag) =	ssettag $0x1  }
0x1: {  	s0 =	srdreg.scid  }
0x2: {  	s1 =	stileid.u32;
	s0 =	sand.u32 $0x1, s0  }
0x3: {  	s3 =	rddreg [dreg:$0x0];
	s1 =	sshll.u32 s1, $0x9;
	s2 =	sshll.u32 s0, $0x8  }
0x4: {  	s4 =	rddreg [dreg:$0x1];
	s1 =	sor.u32 s2, s1  }
0x5: {  	s2 =	simm.s32 $0x0;
	s5 =	sshll.u32 s1, $0x7;
	s1 =	sshrl.u32 s1, $0x3  }
0x6: {  	[smem:$0x7FF] =	sst s2;
	s7 =	sadd.s32 s4, s1  }
0x7: {  	_ =	strace $0x80000047;
	s15 =	sadd.s32 $0x4, s7;
	[dreg:$0x12] =	wrdreg s7  }
0x8: {  	s17 =	sadd.s32 $0x8, s7;
	[dreg:$0x5] =	wrdreg s15  }
0x9: {  	s31 =	simm.s32 $0x100;
	s19 =	sadd.s32 $0xC, s7;
	[dreg:$0x7] =	wrdreg s17  }
0xa: {  	s10 =	simm.s32 $0x3;
	s21 =	sadd.s32 $0x10, s7;
	[dreg:$0x9] =	wrdreg s19  }
0xb: {  	s11 =	simm.s32 $0x1;
	s23 =	sadd.s32 $0x14, s7;
	[dreg:$0xb] =	wrdreg s21  }
0xc: {  	s5 =	sand.u32 $0x78000, s5;
	s26 =	sadd.s32 $0x18, s7;
	[dreg:$0xd] =	wrdreg s23  }
0xd: {  	s6 =	sadd.s32 s5, s3;
	s30 =	sadd.s32 $0x1C, s7;
	[dreg:$0xf] =	wrdreg s26  }
0xe: {  	s28 =	simm.s32 $0x8100;
	s5 =	sadd.s32 $0x2A00, s6;
	[dreg:$0x11] =	wrdreg s30  }
0xf: {  	s0 =	ssub.s32 $0x2, s0;
	s14 =	sadd.s32 $0x3A00, s6;
	[dreg:$0x3] =	wrdreg s5  }
0x10: {  	s24 =	sshrl.u32 s0, $0x1;
	s16 =	sadd.s32 $0x4A00, s6;
	[dreg:$0x4] =	wrdreg s14  }
0x11: {  	s0 =	ssub.s32 s0, s24;
	s18 =	sadd.s32 $0x5A00, s6;
	[dreg:$0x6] =	wrdreg s16  }
0x12: {  	s4 =	sadd.s32 $0x83200, s3;
	s20 =	sadd.s32 $0x6A00, s6;
	[dreg:$0x8] =	wrdreg s18  }
0x13: {  	s8 =	smax.u32 s0, $0x1;
	s22 =	sadd.s32 $0x7A00, s6;
	[dreg:$0xa] =	wrdreg s20  }
0x14: {  	v2 =	vlaneseq.u32;
	s7 =	sadd.s32 $0x83500, s3;
	s25 =	sadd.s32 $0x8A00, s6;
	[dreg:$0xc] =	wrdreg s22  }
0x15: {  	vm0 =	vmmov $0xffff;
	v1 =	vshrl.u32 v2, $0x3;
	s29 =	sadd.s32 $0x9A00, s6;
	s6 =	sadd.s32 $0x83400, s3;
	[dreg:$0xe] =	wrdreg s25  }
0x16: {  	v0 =	vand.u32 $0x7, v2;
	v2 =	vor.u32 $0x8, v2;
	v1 =	vmul.u32 $0x8, v1;
	s5 =	sadd.s32 $0x83300, s3;
	[dreg:$0x10] =	wrdreg s29;
	s22 =	simm.s32 $0x2  }
.LBB2_1:
0x17: {  	s23 =	rddreg [dreg:$0x3]  }
0x18: {  	[tilespmem:s31], [sflag:$0x1] =	stream.linear.gather [hbm4b:s23+s2], $0x8000, $0x38;
	[tilespmem:$0x10100] =	vst v63  }
0x19: {  	s19 =	rddreg [dreg:$0x12]  }
0x1a: {  	[tilespmem:s2], [sflag:$0x3] =	stream.linear.gather [hbm4b:s19+s2], $0x20, $0x38;
	[tilespmem:$0x10100] =	vst v63  }
0x1b: {  	_ =	swait.ge [sflag:s10], $0x20  }
0x1c: {  	[sflag:s10] =	ssyncset.done $0x0  }
0x1d: {  	[sflag:s10] =	ssyncadd.s32 $0xFFFFFFE0  }
0x1e: {  	_ =	swait.ge [sflag:s11], $0x8000  }
0x1f: {  	[sflag:s11] =	ssyncset.done $0x0  }
0x20: {  	[sflag:s11] =	ssyncadd.s32 $0xFFFF8000  }
0x21: {  	v3 =	vld [tilespmem:$0x0];
	_ =	sdelay $0x4  }
0x22: {  	v4 =	vshll.u32 v3, $0x3  }
0x23: {  	v3 =	vand.u32 $0x7, v3;
	v4 =	vand.u32 $0xFFFFFFC0, v4  }
0x24: {  	v3 =	vor.u32 v3, v4  }
0x25: {  	v4 =	vperm.xlane v3, v0;
	_ =	sdelay $0x1  }
0x26: {  	v4 =	vadd.s32 v1, v4;
	_ =	sdelay $0x4  }
0x27: {  	[hbm4b:s4+s2] =	stream.indirect_vreg.scatter [tilespmem:s31], [sflag:$0x2], $0x80, v4, vm0, $0xb8;
	[tilespmem:$0x10100] =	vst v63  }
0x28: {  	s0 =	simm.s32 $0x900;
	v3 =	vperm.xlane v3, v2  }
0x29: {  	[hbm4b:s5+s2] =	stream.indirect_vreg.scatter [tilespmem:s0], [sflag:$0x2], $0x80, v4, vm0, $0xb8;
	[tilespmem:$0x10100] =	vst v63  }
0x2a: {  	s20 =	simm.s32 $0x1100;
	v3 =	vadd.s32 v1, v3  }
0x2b: {  	[hbm4b:s6+s2] =	stream.indirect_vreg.scatter [tilespmem:s20], [sflag:$0x2], $0x80, v4, vm0, $0xb8;
	[tilespmem:$0x10100] =	vst v63  }
0x2c: {  	s21 =	simm.s32 $0x1900  }
0x2d: {  	[hbm4b:s7+s2] =	stream.indirect_vreg.scatter [tilespmem:s21], [sflag:$0x2], $0x80, v4, vm0, $0xb8;
	[tilespmem:$0x10100] =	vst v63  }
0x2e: {  	s23 =	simm.s32 $0x2100  }
0x2f: {  	[hbm4b:s4+s2] =	stream.indirect_vreg.scatter [tilespmem:s23], [sflag:$0x2], $0x80, v3, vm0, $0xb8;
	[tilespmem:$0x10100] =	vst v63  }
0x30: {  	s24 =	simm.s32 $0x2900  }
0x31: {  	[hbm4b:s5+s2] =	stream.indirect_vreg.scatter [tilespmem:s24], [sflag:$0x2], $0x80, v3, vm0, $0xb8;
	[tilespmem:$0x10100] =	vst v63  }
0x32: {  	s25 =	simm.s32 $0x3100  }
0x33: {  	[hbm4b:s6+s2] =	stream.indirect_vreg.scatter [tilespmem:s25], [sflag:$0x2], $0x80, v3, vm0, $0xb8;
	[tilespmem:$0x10100] =	vst v63  }
0x34: {  	s26 =	simm.s32 $0x3900  }
0x35: {  	[hbm4b:s7+s2] =	stream.indirect_vreg.scatter [tilespmem:s26], [sflag:$0x2], $0x80, v3, vm0, $0xb8;
	[tilespmem:$0x10100] =	vst v63  }
0x36: {  	v3 =	vld [tilespmem:$0x10];
	_ =	sdelay $0x4  }
0x37: {  	v49 =	vshll.u32 v3, $0x3  }
0x38: {  	v3 =	vand.u32 $0x7, v3;
	v4 =	vand.u32 $0xFFFFFFC0, v49  }
0x39: {  	v3 =	vor.u32 v3, v4  }
0x3a: {  	v4 =	vperm.xlane v3, v0;
	_ =	sdelay $0x1  }
0x3b: {  	v4 =	vadd.s32 v1, v4;
	_ =	sdelay $0x3  }
0x3c: {  	s29 =	simm.s32 $0x4100  }
0x3d: {  	[hbm4b:s4+s2] =	stream.indirect_vreg.scatter [tilespmem:s29], [sflag:$0x2], $0x80, v4, vm0, $0xb8;
	[tilespmem:$0x10100] =	vst v63  }
0x3e: {  	s30 =	simm.s32 $0x4900;
	v3 =	vperm.xlane v3, v2  }
0x3f: {  	[hbm4b:s5+s2] =	stream.indirect_vreg.scatter [tilespmem:s30], [sflag:$0x2], $0x80, v4, vm0, $0xb8;
	[tilespmem:$0x10100] =	vst v63  }
0x40: {  	s9 =	simm.s32 $0x5100;
	v3 =	vadd.s32 v1, v3  }
0x41: {  	[hbm4b:s6+s2] =	stream.indirect_vreg.scatter [tilespmem:s9], [sflag:$0x2], $0x80, v4, vm0, $0xb8;
	[tilespmem:$0x10100] =	vst v63  }
0x42: {  	s16 =	simm.s32 $0x5900  }
0x43: {  	[hbm4b:s7+s2] =	stream.indirect_vreg.scatter [tilespmem:s16], [sflag:$0x2], $0x80, v4, vm0, $0xb8;
	[tilespmem:$0x10100] =	vst v63  }
0x44: {  	s17 =	simm.s32 $0x6100  }
0x45: {  	[hbm4b:s4+s2] =	stream.indirect_vreg.scatter [tilespmem:s17], [sflag:$0x2], $0x80, v3, vm0, $0xb8;
	[tilespmem:$0x10100] =	vst v63  }
0x46: {  	s18 =	simm.s32 $0x6900  }
0x47: {  	[hbm4b:s5+s2] =	stream.indirect_vreg.scatter [tilespmem:s18], [sflag:$0x2], $0x80, v3, vm0, $0xb8;
	[tilespmem:$0x10100] =	vst v63  }
0x48: {  	s19 =	simm.s32 $0x7100  }
0x49: {  	[hbm4b:s6+s2] =	stream.indirect_vreg.scatter [tilespmem:s19], [sflag:$0x2], $0x80, v3, vm0, $0xb8;
	[tilespmem:$0x10100] =	vst v63  }
0x4a: {  	s21 =	simm.s32 $0x7900  }
0x4b: {  	[hbm4b:s7+s2] =	stream.indirect_vreg.scatter [tilespmem:s21], [sflag:$0x2], $0x80, v3, vm0, $0xb8;
	[tilespmem:$0x10100] =	vst v63  }
0x4c: {  	s20 =	rddreg [dreg:$0x4]  }
0x4d: {  	[tilespmem:s28], [sflag:$0x1] =	stream.linear.gather [hbm4b:s20+s2], $0x8000, $0x38;
	[tilespmem:$0x10100] =	vst v63  }
0x4e: {  	s23 =	simm.s32 $0x80;
	s24 =	rddreg [dreg:$0x5]  }
0x4f: {  	[tilespmem:s23], [sflag:$0x3] =	stream.linear.gather [hbm4b:s24+s2], $0x20, $0x38;
	[tilespmem:$0x10100] =	vst v63  }
0x50: {  	_ =	swait.ge [sflag:s10], $0x20  }
0x51: {  	[sflag:s10] =	ssyncset.done $0x0  }
0x52: {  	[sflag:s10] =	ssyncadd.s32 $0xFFFFFFE0  }
0x53: {  	_ =	swait.ge [sflag:s11], $0x8000  }
0x54: {  	[sflag:s11] =	ssyncset.done $0x0  }
0x55: {  	[sflag:s11] =	ssyncadd.s32 $0xFFFF8000  }
0x56: {  	v3 =	vld [tilespmem:$0x80];
	_ =	sdelay $0x4  }
0x57: {  	v50 =	vshll.u32 v3, $0x3  }
0x58: {  	v3 =	vand.u32 $0x7, v3;
	v4 =	vand.u32 $0xFFFFFFC0, v50  }
0x59: {  	v3 =	vor.u32 v3, v4  }
0x5a: {  	v4 =	vperm.xlane v3, v0;
	_ =	sdelay $0x1  }
0x5b: {  	v4 =	vadd.s32 v1, v4;
	_ =	sdelay $0x4  }
0x5c: {  	[hbm4b:s4+s2] =	stream.indirect_vreg.scatter [tilespmem:s28], [sflag:$0x2], $0x80, v4, vm0, $0xb8;
	[tilespmem:$0x10100] =	vst v63  }
0x5d: {  	s24 =	simm.s32 $0x8900;
	v3 =	vperm.xlane v3, v2  }
0x5e: {  	[hbm4b:s5+s2] =	stream.indirect_vreg.scatter [tilespmem:s24], [sflag:$0x2], $0x80, v4, vm0, $0xb8;
	[tilespmem:$0x10100] =	vst v63  }
0x5f: {  	s25 =	simm.s32 $0x9100;
	v3 =	vadd.s32 v1, v3  }
0x60: {  	[hbm4b:s6+s2] =	stream.indirect_vreg.scatter [tilespmem:s25], [sflag:$0x2], $0x80, v4, vm0, $0xb8;
	[tilespmem:$0x10100] =	vst v63  }
0x61: {  	s26 =	simm.s32 $0x9900  }
0x62: {  	[hbm4b:s7+s2] =	stream.indirect_vreg.scatter [tilespmem:s26], [sflag:$0x2], $0x80, v4, vm0, $0xb8;
	[tilespmem:$0x10100] =	vst v63  }
0x63: {  	s29 =	simm.s32 $0xA100  }
0x64: {  	[hbm4b:s4+s2] =	stream.indirect_vreg.scatter [tilespmem:s29], [sflag:$0x2], $0x80, v3, vm0, $0xb8;
	[tilespmem:$0x10100] =	vst v63  }
0x65: {  	s30 =	simm.s32 $0xA900  }
0x66: {  	[hbm4b:s5+s2] =	stream.indirect_vreg.scatter [tilespmem:s30], [sflag:$0x2], $0x80, v3, vm0, $0xb8;
	[tilespmem:$0x10100] =	vst v63  }
0x67: {  	s0 =	simm.s32 $0xB100  }
0x68: {  	[hbm4b:s6+s2] =	stream.indirect_vreg.scatter [tilespmem:s0], [sflag:$0x2], $0x80, v3, vm0, $0xb8;
	[tilespmem:$0x10100] =	vst v63  }
0x69: {  	s9 =	simm.s32 $0xB900  }
0x6a: {  	[hbm4b:s7+s2] =	stream.indirect_vreg.scatter [tilespmem:s9], [sflag:$0x2], $0x80, v3, vm0, $0xb8;
	[tilespmem:$0x10100] =	vst v63  }
0x6b: {  	v3 =	vld [tilespmem:$0x90];
	_ =	sdelay $0x4  }
0x6c: {  	v51 =	vshll.u32 v3, $0x3  }
0x6d: {  	v3 =	vand.u32 $0x7, v3;
	v4 =	vand.u32 $0xFFFFFFC0, v51  }
0x6e: {  	v3 =	vor.u32 v3, v4  }
0x6f: {  	v4 =	vperm.xlane v3, v0;
	_ =	sdelay $0x1  }
0x70: {  	v4 =	vadd.s32 v1, v4;
	_ =	sdelay $0x3  }
0x71: {  	s16 =	simm.s32 $0xC100  }
0x72: {  	[hbm4b:s4+s2] =	stream.indirect_vreg.scatter [tilespmem:s16], [sflag:$0x2], $0x80, v4, vm0, $0xb8;
	[tilespmem:$0x10100] =	vst v63  }
0x73: {  	s17 =	simm.s32 $0xC900;
	v3 =	vperm.xlane v3, v2  }
0x74: {  	[hbm4b:s5+s2] =	stream.indirect_vreg.scatter [tilespmem:s17], [sflag:$0x2], $0x80, v4, vm0, $0xb8;
	[tilespmem:$0x10100] =	vst v63  }
0x75: {  	s18 =	simm.s32 $0xD100;
	v3 =	vadd.s32 v1, v3  }
0x76: {  	[hbm4b:s6+s2] =	stream.indirect_vreg.scatter [tilespmem:s18], [sflag:$0x2], $0x80, v4, vm0, $0xb8;
	[tilespmem:$0x10100] =	vst v63  }
0x77: {  	s20 =	simm.s32 $0xD900  }
0x78: {  	[hbm4b:s7+s2] =	stream.indirect_vreg.scatter [tilespmem:s20], [sflag:$0x2], $0x80, v4, vm0, $0xb8;
	[tilespmem:$0x10100] =	vst v63  }
0x79: {  	s24 =	simm.s32 $0xE100  }
0x7a: {  	[hbm4b:s4+s2] =	stream.indirect_vreg.scatter [tilespmem:s24], [sflag:$0x2], $0x80, v3, vm0, $0xb8;
	[tilespmem:$0x10100] =	vst v63  }
0x7b: {  	s0 =	simm.s32 $0xE900  }
0x7c: {  	[hbm4b:s5+s2] =	stream.indirect_vreg.scatter [tilespmem:s0], [sflag:$0x2], $0x80, v3, vm0, $0xb8;
	[tilespmem:$0x10100] =	vst v63  }
0x7d: {  	s9 =	simm.s32 $0xF100  }
0x7e: {  	[hbm4b:s6+s2] =	stream.indirect_vreg.scatter [tilespmem:s9], [sflag:$0x2], $0x80, v3, vm0, $0xb8;
	[tilespmem:$0x10100] =	vst v63  }
0x7f: {  	s16 =	simm.s32 $0xF900  }
0x80: {  	[hbm4b:s7+s2] =	stream.indirect_vreg.scatter [tilespmem:s16], [sflag:$0x2], $0x80, v3, vm0, $0xb8;
	[tilespmem:$0x10100] =	vst v63  }
0x81: {  	_ =	swait.ge [sflag:s22], $0x8000  }
0x82: {  	[sflag:s22] =	ssyncset.done $0x0  }
0x83: {  	s17 =	rddreg [dreg:$0x6];
	[sflag:s22] =	ssyncadd.s32 $0xFFFF8000  }
0x84: {  	[tilespmem:s31], [sflag:$0x1] =	stream.linear.gather [hbm4b:s17+s2], $0x8000, $0x38;
	[tilespmem:$0x10100] =	vst v63  }
0x85: {  	s18 =	rddreg [dreg:$0x7]  }
0x86: {  	[tilespmem:s2], [sflag:$0x3] =	stream.linear.gather [hbm4b:s18+s2], $0x20, $0x38;
	[tilespmem:$0x10100] =	vst v63  }
0x87: {  	_ =	swait.ge [sflag:s10], $0x20  }
0x88: {  	[sflag:s10] =	ssyncset.done $0x0  }
0x89: {  	[sflag:s10] =	ssyncadd.s32 $0xFFFFFFE0  }
0x8a: {  	_ =	swait.ge [sflag:s11], $0x8000  }
0x8b: {  	[sflag:s11] =	ssyncset.done $0x0  }
0x8c: {  	[sflag:s11] =	ssyncadd.s32 $0xFFFF8000  }
0x8d: {  	v3 =	vld [tilespmem:$0x0];
	_ =	sdelay $0x4  }
0x8e: {  	v52 =	vshll.u32 v3, $0x3  }
0x8f: {  	v3 =	vand.u32 $0x7, v3;
	v4 =	vand.u32 $0xFFFFFFC0, v52  }
0x90: {  	v3 =	vor.u32 v3, v4  }
0x91: {  	v4 =	vperm.xlane v3, v0;
	_ =	sdelay $0x1  }
0x92: {  	v4 =	vadd.s32 v1, v4;
	_ =	sdelay $0x4  }
0x93: {  	[hbm4b:s4+s2] =	stream.indirect_vreg.scatter [tilespmem:s31], [sflag:$0x2], $0x80, v4, vm0, $0xb8;
	[tilespmem:$0x10100] =	vst v63  }
0x94: {  	s3 =	simm.s32 $0x900;
	v3 =	vperm.xlane v3, v2  }
0x95: {  	[hbm4b:s5+s2] =	stream.indirect_vreg.scatter [tilespmem:s3], [sflag:$0x2], $0x80, v4, vm0, $0xb8;
	[tilespmem:$0x10100] =	vst v63  }
0x96: {  	s1 =	simm.s32 $0x1100;
	v3 =	vadd.s32 v1, v3  }
0x97: {  	[hbm4b:s6+s2] =	stream.indirect_vreg.scatter [tilespmem:s1], [sflag:$0x2], $0x80, v4, vm0, $0xb8;
	[tilespmem:$0x10100] =	vst v63  }
0x98: {  	s9 =	simm.s32 $0x1900  }
0x99: {  	[hbm4b:s7+s2] =	stream.indirect_vreg.scatter [tilespmem:s9], [sflag:$0x2], $0x80, v4, vm0, $0xb8;
	[tilespmem:$0x10100] =	vst v63  }
0x9a: {  	s3 =	simm.s32 $0x2100  }
0x9b: {  	[hbm4b:s4+s2] =	stream.indirect_vreg.scatter [tilespmem:s3], [sflag:$0x2], $0x80, v3, vm0, $0xb8;
	[tilespmem:$0x10100] =	vst v63  }
0x9c: {  	s12 =	simm.s32 $0x2900  }
0x9d: {  	[hbm4b:s5+s2] =	stream.indirect_vreg.scatter [tilespmem:s12], [sflag:$0x2], $0x80, v3, vm0, $0xb8;
	[tilespmem:$0x10100] =	vst v63  }
0x9e: {  	s12 =	simm.s32 $0x3100  }
0x9f: {  	[hbm4b:s6+s2] =	stream.indirect_vreg.scatter [tilespmem:s12], [sflag:$0x2], $0x80, v3, vm0, $0xb8;
	[tilespmem:$0x10100] =	vst v63  }
0xa0: {  	s13 =	simm.s32 $0x3900  }
0xa1: {  	[hbm4b:s7+s2] =	stream.indirect_vreg.scatter [tilespmem:s13], [sflag:$0x2], $0x80, v3, vm0, $0xb8;
	[tilespmem:$0x10100] =	vst v63  }
0xa2: {  	v3 =	vld [tilespmem:$0x10];
	_ =	sdelay $0x4  }
0xa3: {  	v53 =	vshll.u32 v3, $0x3  }
0xa4: {  	v3 =	vand.u32 $0x7, v3;
	v4 =	vand.u32 $0xFFFFFFC0, v53  }
0xa5: {  	v3 =	vor.u32 v3, v4  }
0xa6: {  	v4 =	vperm.xlane v3, v0;
	_ =	sdelay $0x1  }
0xa7: {  	v4 =	vadd.s32 v1, v4;
	_ =	sdelay $0x3  }
0xa8: {  	s14 =	simm.s32 $0x4100  }
0xa9: {  	[hbm4b:s4+s2] =	stream.indirect_vreg.scatter [tilespmem:s14], [sflag:$0x2], $0x80, v4, vm0, $0xb8;
	[tilespmem:$0x10100] =	vst v63  }
0xaa: {  	s15 =	simm.s32 $0x4900;
	v3 =	vperm.xlane v3, v2  }
0xab: {  	[hbm4b:s5+s2] =	stream.indirect_vreg.scatter [tilespmem:s15], [sflag:$0x2], $0x80, v4, vm0, $0xb8;
	[tilespmem:$0x10100] =	vst v63  }
0xac: {  	s13 =	simm.s32 $0x5100;
	v3 =	vadd.s32 v1, v3  }
0xad: {  	[hbm4b:s6+s2] =	stream.indirect_vreg.scatter [tilespmem:s13], [sflag:$0x2], $0x80, v4, vm0, $0xb8;
	[tilespmem:$0x10100] =	vst v63  }
0xae: {  	s14 =	simm.s32 $0x5900  }
0xaf: {  	[hbm4b:s7+s2] =	stream.indirect_vreg.scatter [tilespmem:s14], [sflag:$0x2], $0x80, v4, vm0, $0xb8;
	[tilespmem:$0x10100] =	vst v63  }
0xb0: {  	s15 =	simm.s32 $0x6100  }
0xb1: {  	[hbm4b:s4+s2] =	stream.indirect_vreg.scatter [tilespmem:s15], [sflag:$0x2], $0x80, v3, vm0, $0xb8;
	[tilespmem:$0x10100] =	vst v63  }
0xb2: {  	s16 =	simm.s32 $0x6900  }
0xb3: {  	[hbm4b:s5+s2] =	stream.indirect_vreg.scatter [tilespmem:s16], [sflag:$0x2], $0x80, v3, vm0, $0xb8;
	[tilespmem:$0x10100] =	vst v63  }
0xb4: {  	s17 =	simm.s32 $0x7100  }
0xb5: {  	[hbm4b:s6+s2] =	stream.indirect_vreg.scatter [tilespmem:s17], [sflag:$0x2], $0x80, v3, vm0, $0xb8;
	[tilespmem:$0x10100] =	vst v63  }
0xb6: {  	s18 =	simm.s32 $0x7900  }
0xb7: {  	[hbm4b:s7+s2] =	stream.indirect_vreg.scatter [tilespmem:s18], [sflag:$0x2], $0x80, v3, vm0, $0xb8;
	[tilespmem:$0x10100] =	vst v63  }
0xb8: {  	_ =	swait.ge [sflag:s22], $0x8000  }
0xb9: {  	[sflag:s22] =	ssyncset.done $0x0  }
0xba: {  	s0 =	rddreg [dreg:$0x8];
	[sflag:s22] =	ssyncadd.s32 $0xFFFF8000  }
0xbb: {  	[tilespmem:s28], [sflag:$0x1] =	stream.linear.gather [hbm4b:s0+s2], $0x8000, $0x38;
	[tilespmem:$0x10100] =	vst v63  }
0xbc: {  	s1 =	rddreg [dreg:$0x9];
	s0 =	simm.s32 $0x80  }
0xbd: {  	[tilespmem:s0], [sflag:$0x3] =	stream.linear.gather [hbm4b:s1+s2], $0x20, $0x38;
	[tilespmem:$0x10100] =	vst v63  }
0xbe: {  	_ =	swait.ge [sflag:s10], $0x20  }
0xbf: {  	[sflag:s10] =	ssyncset.done $0x0  }
0xc0: {  	[sflag:s10] =	ssyncadd.s32 $0xFFFFFFE0  }
0xc1: {  	_ =	swait.ge [sflag:s11], $0x8000  }
0xc2: {  	[sflag:s11] =	ssyncset.done $0x0  }
0xc3: {  	[sflag:s11] =	ssyncadd.s32 $0xFFFF8000  }
0xc4: {  	v3 =	vld [tilespmem:$0x80];
	_ =	sdelay $0x4  }
0xc5: {  	v54 =	vshll.u32 v3, $0x3  }
0xc6: {  	v3 =	vand.u32 $0x7, v3;
	v4 =	vand.u32 $0xFFFFFFC0, v54  }
0xc7: {  	v3 =	vor.u32 v3, v4  }
0xc8: {  	v4 =	vperm.xlane v3, v0;
	_ =	sdelay $0x1  }
0xc9: {  	v4 =	vadd.s32 v1, v4;
	_ =	sdelay $0x4  }
0xca: {  	[hbm4b:s4+s2] =	stream.indirect_vreg.scatter [tilespmem:s28], [sflag:$0x2], $0x80, v4, vm0, $0xb8;
	[tilespmem:$0x10100] =	vst v63  }
0xcb: {  	s1 =	simm.s32 $0x8900;
	v3 =	vperm.xlane v3, v2  }
0xcc: {  	[hbm4b:s5+s2] =	stream.indirect_vreg.scatter [tilespmem:s1], [sflag:$0x2], $0x80, v4, vm0, $0xb8;
	[tilespmem:$0x10100] =	vst v63  }
0xcd: {  	s24 =	simm.s32 $0x9100;
	v3 =	vadd.s32 v1, v3  }
0xce: {  	[hbm4b:s6+s2] =	stream.indirect_vreg.scatter [tilespmem:s24], [sflag:$0x2], $0x80, v4, vm0, $0xb8;
	[tilespmem:$0x10100] =	vst v63  }
0xcf: {  	s26 =	simm.s32 $0x9900  }
0xd0: {  	[hbm4b:s7+s2] =	stream.indirect_vreg.scatter [tilespmem:s26], [sflag:$0x2], $0x80, v4, vm0, $0xb8;
	[tilespmem:$0x10100] =	vst v63  }
0xd1: {  	s29 =	simm.s32 $0xA100  }
0xd2: {  	[hbm4b:s4+s2] =	stream.indirect_vreg.scatter [tilespmem:s29], [sflag:$0x2], $0x80, v3, vm0, $0xb8;
	[tilespmem:$0x10100] =	vst v63  }
0xd3: {  	s30 =	simm.s32 $0xA900  }
0xd4: {  	[hbm4b:s5+s2] =	stream.indirect_vreg.scatter [tilespmem:s30], [sflag:$0x2], $0x80, v3, vm0, $0xb8;
	[tilespmem:$0x10100] =	vst v63  }
0xd5: {  	s24 =	simm.s32 $0xB100  }
0xd6: {  	[hbm4b:s6+s2] =	stream.indirect_vreg.scatter [tilespmem:s24], [sflag:$0x2], $0x80, v3, vm0, $0xb8;
	[tilespmem:$0x10100] =	vst v63  }
0xd7: {  	s21 =	simm.s32 $0xB900  }
0xd8: {  	[hbm4b:s7+s2] =	stream.indirect_vreg.scatter [tilespmem:s21], [sflag:$0x2], $0x80, v3, vm0, $0xb8;
	[tilespmem:$0x10100] =	vst v63  }
0xd9: {  	v3 =	vld [tilespmem:$0x90];
	_ =	sdelay $0x4  }
0xda: {  	v55 =	vshll.u32 v3, $0x3  }
0xdb: {  	v3 =	vand.u32 $0x7, v3;
	v4 =	vand.u32 $0xFFFFFFC0, v55  }
0xdc: {  	v3 =	vor.u32 v3, v4  }
0xdd: {  	v4 =	vperm.xlane v3, v0;
	_ =	sdelay $0x1  }
0xde: {  	v4 =	vadd.s32 v1, v4;
	_ =	sdelay $0x3  }
0xdf: {  	s25 =	simm.s32 $0xC100  }
0xe0: {  	[hbm4b:s4+s2] =	stream.indirect_vreg.scatter [tilespmem:s25], [sflag:$0x2], $0x80, v4, vm0, $0xb8;
	[tilespmem:$0x10100] =	vst v63  }
0xe1: {  	s19 =	simm.s32 $0xC900;
	v3 =	vperm.xlane v3, v2  }
0xe2: {  	[hbm4b:s5+s2] =	stream.indirect_vreg.scatter [tilespmem:s19], [sflag:$0x2], $0x80, v4, vm0, $0xb8;
	[tilespmem:$0x10100] =	vst v63  }
0xe3: {  	s21 =	simm.s32 $0xD100;
	v3 =	vadd.s32 v1, v3  }
0xe4: {  	[hbm4b:s6+s2] =	stream.indirect_vreg.scatter [tilespmem:s21], [sflag:$0x2], $0x80, v4, vm0, $0xb8;
	[tilespmem:$0x10100] =	vst v63  }
0xe5: {  	s23 =	simm.s32 $0xD900  }
0xe6: {  	[hbm4b:s7+s2] =	stream.indirect_vreg.scatter [tilespmem:s23], [sflag:$0x2], $0x80, v4, vm0, $0xb8;
	[tilespmem:$0x10100] =	vst v63  }
0xe7: {  	s24 =	simm.s32 $0xE100  }
0xe8: {  	[hbm4b:s4+s2] =	stream.indirect_vreg.scatter [tilespmem:s24], [sflag:$0x2], $0x80, v3, vm0, $0xb8;
	[tilespmem:$0x10100] =	vst v63  }
0xe9: {  	s23 =	simm.s32 $0xE900  }
0xea: {  	[hbm4b:s5+s2] =	stream.indirect_vreg.scatter [tilespmem:s23], [sflag:$0x2], $0x80, v3, vm0, $0xb8;
	[tilespmem:$0x10100] =	vst v63  }
0xeb: {  	s24 =	simm.s32 $0xF100  }
0xec: {  	[hbm4b:s6+s2] =	stream.indirect_vreg.scatter [tilespmem:s24], [sflag:$0x2], $0x80, v3, vm0, $0xb8;
	[tilespmem:$0x10100] =	vst v63  }
0xed: {  	s20 =	simm.s32 $0xF900  }
0xee: {  	[hbm4b:s7+s2] =	stream.indirect_vreg.scatter [tilespmem:s20], [sflag:$0x2], $0x80, v3, vm0, $0xb8;
	[tilespmem:$0x10100] =	vst v63  }
0xef: {  	_ =	swait.ge [sflag:s22], $0x8000  }
0xf0: {  	[sflag:s22] =	ssyncset.done $0x0  }
0xf1: {  	s19 =	rddreg [dreg:$0xa];
	[sflag:s22] =	ssyncadd.s32 $0xFFFF8000  }
0xf2: {  	[tilespmem:s31], [sflag:$0x1] =	stream.linear.gather [hbm4b:s19+s2], $0x8000, $0x38;
	[tilespmem:$0x10100] =	vst v63  }
0xf3: {  	s20 =	rddreg [dreg:$0xb]  }
0xf4: {  	[tilespmem:s2], [sflag:$0x3] =	stream.linear.gather [hbm4b:s20+s2], $0x20, $0x38;
	[tilespmem:$0x10100] =	vst v63  }
0xf5: {  	_ =	swait.ge [sflag:s10], $0x20  }
0xf6: {  	[sflag:s10] =	ssyncset.done $0x0  }
0xf7: {  	[sflag:s10] =	ssyncadd.s32 $0xFFFFFFE0  }
0xf8: {  	_ =	swait.ge [sflag:s11], $0x8000  }
0xf9: {  	[sflag:s11] =	ssyncset.done $0x0  }
0xfa: {  	[sflag:s11] =	ssyncadd.s32 $0xFFFF8000  }
0xfb: {  	v3 =	vld [tilespmem:$0x0];
	_ =	sdelay $0x4  }
0xfc: {  	v56 =	vshll.u32 v3, $0x3  }
0xfd: {  	v3 =	vand.u32 $0x7, v3;
	v4 =	vand.u32 $0xFFFFFFC0, v56  }
0xfe: {  	v3 =	vor.u32 v3, v4  }
0xff: {  	v4 =	vperm.xlane v3, v0;
	_ =	sdelay $0x1  }
0x100: {  	v4 =	vadd.s32 v1, v4;
	_ =	sdelay $0x4  }
0x101: {  	[hbm4b:s4+s2] =	stream.indirect_vreg.scatter [tilespmem:s31], [sflag:$0x2], $0x80, v4, vm0, $0xb8;
	[tilespmem:$0x10100] =	vst v63  }
0x102: {  	s23 =	simm.s32 $0x900;
	v3 =	vperm.xlane v3, v2  }
0x103: {  	[hbm4b:s5+s2] =	stream.indirect_vreg.scatter [tilespmem:s23], [sflag:$0x2], $0x80, v4, vm0, $0xb8;
	[tilespmem:$0x10100] =	vst v63  }
0x104: {  	s24 =	simm.s32 $0x1100;
	v3 =	vadd.s32 v1, v3  }
0x105: {  	[hbm4b:s6+s2] =	stream.indirect_vreg.scatter [tilespmem:s24], [sflag:$0x2], $0x80, v4, vm0, $0xb8;
	[tilespmem:$0x10100] =	vst v63  }
0x106: {  	_ = 	snop  }
0x107: {  	[hbm4b:s7+s2] =	stream.indirect_vreg.scatter [tilespmem:s9], [sflag:$0x2], $0x80, v4, vm0, $0xb8;
	[tilespmem:$0x10100] =	vst v63  }
0x108: {  	_ = 	snop  }
0x109: {  	[hbm4b:s4+s2] =	stream.indirect_vreg.scatter [tilespmem:s3], [sflag:$0x2], $0x80, v3, vm0, $0xb8;
	[tilespmem:$0x10100] =	vst v63  }
0x10a: {  	s19 =	simm.s32 $0x2900  }
0x10b: {  	[hbm4b:s5+s2] =	stream.indirect_vreg.scatter [tilespmem:s19], [sflag:$0x2], $0x80, v3, vm0, $0xb8;
	[tilespmem:$0x10100] =	vst v63  }
0x10c: {  	_ = 	snop  }
0x10d: {  	[hbm4b:s6+s2] =	stream.indirect_vreg.scatter [tilespmem:s12], [sflag:$0x2], $0x80, v3, vm0, $0xb8;
	[tilespmem:$0x10100] =	vst v63  }
0x10e: {  	s23 =	simm.s32 $0x3900  }
0x10f: {  	[hbm4b:s7+s2] =	stream.indirect_vreg.scatter [tilespmem:s23], [sflag:$0x2], $0x80, v3, vm0, $0xb8;
	[tilespmem:$0x10100] =	vst v63  }
0x110: {  	v3 =	vld [tilespmem:$0x10];
	_ =	sdelay $0x4  }
0x111: {  	v57 =	vshll.u32 v3, $0x3  }
0x112: {  	v3 =	vand.u32 $0x7, v3;
	v4 =	vand.u32 $0xFFFFFFC0, v57  }
0x113: {  	v3 =	vor.u32 v3, v4  }
0x114: {  	v4 =	vperm.xlane v3, v0;
	_ =	sdelay $0x1  }
0x115: {  	v4 =	vadd.s32 v1, v4;
	_ =	sdelay $0x3  }
0x116: {  	s24 =	simm.s32 $0x4100  }
0x117: {  	[hbm4b:s4+s2] =	stream.indirect_vreg.scatter [tilespmem:s24], [sflag:$0x2], $0x80, v4, vm0, $0xb8;
	[tilespmem:$0x10100] =	vst v63  }
0x118: {  	s23 =	simm.s32 $0x4900;
	v3 =	vperm.xlane v3, v2  }
0x119: {  	[hbm4b:s5+s2] =	stream.indirect_vreg.scatter [tilespmem:s23], [sflag:$0x2], $0x80, v4, vm0, $0xb8;
	[tilespmem:$0x10100] =	vst v63  }
0x11a: {  	v3 =	vadd.s32 v1, v3  }
0x11b: {  	[hbm4b:s6+s2] =	stream.indirect_vreg.scatter [tilespmem:s13], [sflag:$0x2], $0x80, v4, vm0, $0xb8;
	[tilespmem:$0x10100] =	vst v63  }
0x11c: {  	_ = 	snop  }
0x11d: {  	[hbm4b:s7+s2] =	stream.indirect_vreg.scatter [tilespmem:s14], [sflag:$0x2], $0x80, v4, vm0, $0xb8;
	[tilespmem:$0x10100] =	vst v63  }
0x11e: {  	_ = 	snop  }
0x11f: {  	[hbm4b:s4+s2] =	stream.indirect_vreg.scatter [tilespmem:s15], [sflag:$0x2], $0x80, v3, vm0, $0xb8;
	[tilespmem:$0x10100] =	vst v63  }
0x120: {  	_ = 	snop  }
0x121: {  	[hbm4b:s5+s2] =	stream.indirect_vreg.scatter [tilespmem:s16], [sflag:$0x2], $0x80, v3, vm0, $0xb8;
	[tilespmem:$0x10100] =	vst v63  }
0x122: {  	_ = 	snop  }
0x123: {  	[hbm4b:s6+s2] =	stream.indirect_vreg.scatter [tilespmem:s17], [sflag:$0x2], $0x80, v3, vm0, $0xb8;
	[tilespmem:$0x10100] =	vst v63  }
0x124: {  	_ = 	snop  }
0x125: {  	[hbm4b:s7+s2] =	stream.indirect_vreg.scatter [tilespmem:s18], [sflag:$0x2], $0x80, v3, vm0, $0xb8;
	[tilespmem:$0x10100] =	vst v63  }
0x126: {  	_ =	swait.ge [sflag:s22], $0x8000  }
0x127: {  	[sflag:s22] =	ssyncset.done $0x0  }
0x128: {  	s24 =	rddreg [dreg:$0xc];
	[sflag:s22] =	ssyncadd.s32 $0xFFFF8000  }
0x129: {  	[tilespmem:s28], [sflag:$0x1] =	stream.linear.gather [hbm4b:s24+s2], $0x8000, $0x38;
	[tilespmem:$0x10100] =	vst v63  }
0x12a: {  	s19 =	rddreg [dreg:$0xd]  }
0x12b: {  	[tilespmem:s0], [sflag:$0x3] =	stream.linear.gather [hbm4b:s19+s2], $0x20, $0x38;
	[tilespmem:$0x10100] =	vst v63  }
0x12c: {  	_ =	swait.ge [sflag:s10], $0x20  }
0x12d: {  	[sflag:s10] =	ssyncset.done $0x0  }
0x12e: {  	[sflag:s10] =	ssyncadd.s32 $0xFFFFFFE0  }
0x12f: {  	_ =	swait.ge [sflag:s11], $0x8000  }
0x130: {  	[sflag:s11] =	ssyncset.done $0x0  }
0x131: {  	[sflag:s11] =	ssyncadd.s32 $0xFFFF8000  }
0x132: {  	v3 =	vld [tilespmem:$0x80];
	_ =	sdelay $0x4  }
0x133: {  	v58 =	vshll.u32 v3, $0x3  }
0x134: {  	v3 =	vand.u32 $0x7, v3;
	v4 =	vand.u32 $0xFFFFFFC0, v58  }
0x135: {  	v3 =	vor.u32 v3, v4  }
0x136: {  	v4 =	vperm.xlane v3, v0;
	_ =	sdelay $0x1  }
0x137: {  	v4 =	vadd.s32 v1, v4;
	_ =	sdelay $0x4  }
0x138: {  	[hbm4b:s4+s2] =	stream.indirect_vreg.scatter [tilespmem:s28], [sflag:$0x2], $0x80, v4, vm0, $0xb8;
	[tilespmem:$0x10100] =	vst v63  }
0x139: {  	v3 =	vperm.xlane v3, v2  }
0x13a: {  	[hbm4b:s5+s2] =	stream.indirect_vreg.scatter [tilespmem:s1], [sflag:$0x2], $0x80, v4, vm0, $0xb8;
	[tilespmem:$0x10100] =	vst v63  }
0x13b: {  	s24 =	simm.s32 $0x9100;
	v3 =	vadd.s32 v1, v3  }
0x13c: {  	[hbm4b:s6+s2] =	stream.indirect_vreg.scatter [tilespmem:s24], [sflag:$0x2], $0x80, v4, vm0, $0xb8;
	[tilespmem:$0x10100] =	vst v63  }
0x13d: {  	s26 =	simm.s32 $0x9900  }
0x13e: {  	[hbm4b:s7+s2] =	stream.indirect_vreg.scatter [tilespmem:s26], [sflag:$0x2], $0x80, v4, vm0, $0xb8;
	[tilespmem:$0x10100] =	vst v63  }
0x13f: {  	s29 =	simm.s32 $0xA100  }
0x140: {  	[hbm4b:s4+s2] =	stream.indirect_vreg.scatter [tilespmem:s29], [sflag:$0x2], $0x80, v3, vm0, $0xb8;
	[tilespmem:$0x10100] =	vst v63  }
0x141: {  	s30 =	simm.s32 $0xA900  }
0x142: {  	[hbm4b:s5+s2] =	stream.indirect_vreg.scatter [tilespmem:s30], [sflag:$0x2], $0x80, v3, vm0, $0xb8;
	[tilespmem:$0x10100] =	vst v63  }
0x143: {  	s30 =	simm.s32 $0xB100  }
0x144: {  	[hbm4b:s6+s2] =	stream.indirect_vreg.scatter [tilespmem:s30], [sflag:$0x2], $0x80, v3, vm0, $0xb8;
	[tilespmem:$0x10100] =	vst v63  }
0x145: {  	s24 =	simm.s32 $0xB900  }
0x146: {  	[hbm4b:s7+s2] =	stream.indirect_vreg.scatter [tilespmem:s24], [sflag:$0x2], $0x80, v3, vm0, $0xb8;
	[tilespmem:$0x10100] =	vst v63  }
0x147: {  	v3 =	vld [tilespmem:$0x90];
	_ =	sdelay $0x4  }
0x148: {  	v59 =	vshll.u32 v3, $0x3  }
0x149: {  	v3 =	vand.u32 $0x7, v3;
	v4 =	vand.u32 $0xFFFFFFC0, v59  }
0x14a: {  	v3 =	vor.u32 v3, v4  }
0x14b: {  	v4 =	vperm.xlane v3, v0;
	_ =	sdelay $0x1  }
0x14c: {  	v4 =	vadd.s32 v1, v4;
	_ =	sdelay $0x3  }
0x14d: {  	s24 =	simm.s32 $0xC100  }
0x14e: {  	[hbm4b:s4+s2] =	stream.indirect_vreg.scatter [tilespmem:s24], [sflag:$0x2], $0x80, v4, vm0, $0xb8;
	[tilespmem:$0x10100] =	vst v63  }
0x14f: {  	v3 =	vperm.xlane v3, v2;
	s24 =	simm.s32 $0xC900  }
0x150: {  	[hbm4b:s5+s2] =	stream.indirect_vreg.scatter [tilespmem:s24], [sflag:$0x2], $0x80, v4, vm0, $0xb8;
	[tilespmem:$0x10100] =	vst v63  }
0x151: {  	s25 =	simm.s32 $0xD100;
	v3 =	vadd.s32 v1, v3  }
0x152: {  	[hbm4b:s6+s2] =	stream.indirect_vreg.scatter [tilespmem:s25], [sflag:$0x2], $0x80, v4, vm0, $0xb8;
	[tilespmem:$0x10100] =	vst v63  }
0x153: {  	s21 =	simm.s32 $0xD900  }
0x154: {  	[hbm4b:s7+s2] =	stream.indirect_vreg.scatter [tilespmem:s21], [sflag:$0x2], $0x80, v4, vm0, $0xb8;
	[tilespmem:$0x10100] =	vst v63  }
0x155: {  	s24 =	simm.s32 $0xE100  }
0x156: {  	[hbm4b:s4+s2] =	stream.indirect_vreg.scatter [tilespmem:s24], [sflag:$0x2], $0x80, v3, vm0, $0xb8;
	[tilespmem:$0x10100] =	vst v63  }
0x157: {  	s24 =	simm.s32 $0xE900  }
0x158: {  	[hbm4b:s5+s2] =	stream.indirect_vreg.scatter [tilespmem:s24], [sflag:$0x2], $0x80, v3, vm0, $0xb8;
	[tilespmem:$0x10100] =	vst v63  }
0x159: {  	s24 =	simm.s32 $0xF100  }
0x15a: {  	[hbm4b:s6+s2] =	stream.indirect_vreg.scatter [tilespmem:s24], [sflag:$0x2], $0x80, v3, vm0, $0xb8;
	[tilespmem:$0x10100] =	vst v63  }
0x15b: {  	s24 =	simm.s32 $0xF900  }
0x15c: {  	[hbm4b:s7+s2] =	stream.indirect_vreg.scatter [tilespmem:s24], [sflag:$0x2], $0x80, v3, vm0, $0xb8;
	[tilespmem:$0x10100] =	vst v63  }
0x15d: {  	_ =	swait.ge [sflag:s22], $0x8000  }
0x15e: {  	[sflag:s22] =	ssyncset.done $0x0  }
0x15f: {  	s23 =	rddreg [dreg:$0xe];
	[sflag:s22] =	ssyncadd.s32 $0xFFFF8000  }
0x160: {  	[tilespmem:s31], [sflag:$0x1] =	stream.linear.gather [hbm4b:s23+s2], $0x8000, $0x38;
	[tilespmem:$0x10100] =	vst v63  }
0x161: {  	s24 =	rddreg [dreg:$0xf]  }
0x162: {  	[tilespmem:s2], [sflag:$0x3] =	stream.linear.gather [hbm4b:s24+s2], $0x20, $0x38;
	[tilespmem:$0x10100] =	vst v63  }
0x163: {  	_ =	swait.ge [sflag:s10], $0x20  }
0x164: {  	[sflag:s10] =	ssyncset.done $0x0  }
0x165: {  	[sflag:s10] =	ssyncadd.s32 $0xFFFFFFE0  }
0x166: {  	_ =	swait.ge [sflag:s11], $0x8000  }
0x167: {  	[sflag:s11] =	ssyncset.done $0x0  }
0x168: {  	[sflag:s11] =	ssyncadd.s32 $0xFFFF8000  }
0x169: {  	v3 =	vld [tilespmem:$0x0];
	_ =	sdelay $0x4  }
0x16a: {  	v60 =	vshll.u32 v3, $0x3  }
0x16b: {  	v3 =	vand.u32 $0x7, v3;
	v4 =	vand.u32 $0xFFFFFFC0, v60  }
0x16c: {  	v3 =	vor.u32 v3, v4  }
0x16d: {  	v4 =	vperm.xlane v3, v0;
	_ =	sdelay $0x1  }
0x16e: {  	v4 =	vadd.s32 v1, v4;
	_ =	sdelay $0x4  }
0x16f: {  	[hbm4b:s4+s2] =	stream.indirect_vreg.scatter [tilespmem:s31], [sflag:$0x2], $0x80, v4, vm0, $0xb8;
	[tilespmem:$0x10100] =	vst v63  }
0x170: {  	s24 =	simm.s32 $0x900;
	v3 =	vperm.xlane v3, v2  }
0x171: {  	[hbm4b:s5+s2] =	stream.indirect_vreg.scatter [tilespmem:s24], [sflag:$0x2], $0x80, v4, vm0, $0xb8;
	[tilespmem:$0x10100] =	vst v63  }
0x172: {  	v3 =	vadd.s32 v1, v3;
	s24 =	simm.s32 $0x1100  }
0x173: {  	[hbm4b:s6+s2] =	stream.indirect_vreg.scatter [tilespmem:s24], [sflag:$0x2], $0x80, v4, vm0, $0xb8;
	[tilespmem:$0x10100] =	vst v63  }
0x174: {  	s9 =	simm.s32 $0x1900  }
0x175: {  	[hbm4b:s7+s2] =	stream.indirect_vreg.scatter [tilespmem:s9], [sflag:$0x2], $0x80, v4, vm0, $0xb8;
	[tilespmem:$0x10100] =	vst v63  }
0x176: {  	s3 =	simm.s32 $0x2100  }
0x177: {  	[hbm4b:s4+s2] =	stream.indirect_vreg.scatter [tilespmem:s3], [sflag:$0x2], $0x80, v3, vm0, $0xb8;
	[tilespmem:$0x10100] =	vst v63  }
0x178: {  	s20 =	simm.s32 $0x2900  }
0x179: {  	[hbm4b:s5+s2] =	stream.indirect_vreg.scatter [tilespmem:s20], [sflag:$0x2], $0x80, v3, vm0, $0xb8;
	[tilespmem:$0x10100] =	vst v63  }
0x17a: {  	s12 =	simm.s32 $0x3100  }
0x17b: {  	[hbm4b:s6+s2] =	stream.indirect_vreg.scatter [tilespmem:s12], [sflag:$0x2], $0x80, v3, vm0, $0xb8;
	[tilespmem:$0x10100] =	vst v63  }
0x17c: {  	s24 =	simm.s32 $0x3900  }
0x17d: {  	[hbm4b:s7+s2] =	stream.indirect_vreg.scatter [tilespmem:s24], [sflag:$0x2], $0x80, v3, vm0, $0xb8;
	[tilespmem:$0x10100] =	vst v63  }
0x17e: {  	v3 =	vld [tilespmem:$0x10];
	_ =	sdelay $0x4  }
0x17f: {  	v61 =	vshll.u32 v3, $0x3  }
0x180: {  	v3 =	vand.u32 $0x7, v3;
	v4 =	vand.u32 $0xFFFFFFC0, v61  }
0x181: {  	v3 =	vor.u32 v3, v4  }
0x182: {  	v4 =	vperm.xlane v3, v0;
	_ =	sdelay $0x1  }
0x183: {  	v4 =	vadd.s32 v1, v4;
	_ =	sdelay $0x3  }
0x184: {  	s9 =	simm.s32 $0x4100  }
0x185: {  	[hbm4b:s4+s2] =	stream.indirect_vreg.scatter [tilespmem:s9], [sflag:$0x2], $0x80, v4, vm0, $0xb8;
	[tilespmem:$0x10100] =	vst v63  }
0x186: {  	s12 =	simm.s32 $0x4900;
	v3 =	vperm.xlane v3, v2  }
0x187: {  	[hbm4b:s5+s2] =	stream.indirect_vreg.scatter [tilespmem:s12], [sflag:$0x2], $0x80, v4, vm0, $0xb8;
	[tilespmem:$0x10100] =	vst v63  }
0x188: {  	s13 =	simm.s32 $0x5100;
	v3 =	vadd.s32 v1, v3  }
0x189: {  	[hbm4b:s6+s2] =	stream.indirect_vreg.scatter [tilespmem:s13], [sflag:$0x2], $0x80, v4, vm0, $0xb8;
	[tilespmem:$0x10100] =	vst v63  }
0x18a: {  	s14 =	simm.s32 $0x5900  }
0x18b: {  	[hbm4b:s7+s2] =	stream.indirect_vreg.scatter [tilespmem:s14], [sflag:$0x2], $0x80, v4, vm0, $0xb8;
	[tilespmem:$0x10100] =	vst v63  }
0x18c: {  	s15 =	simm.s32 $0x6100  }
0x18d: {  	[hbm4b:s4+s2] =	stream.indirect_vreg.scatter [tilespmem:s15], [sflag:$0x2], $0x80, v3, vm0, $0xb8;
	[tilespmem:$0x10100] =	vst v63  }
0x18e: {  	s16 =	simm.s32 $0x6900  }
0x18f: {  	[hbm4b:s5+s2] =	stream.indirect_vreg.scatter [tilespmem:s16], [sflag:$0x2], $0x80, v3, vm0, $0xb8;
	[tilespmem:$0x10100] =	vst v63  }
0x190: {  	s17 =	simm.s32 $0x7100  }
0x191: {  	[hbm4b:s6+s2] =	stream.indirect_vreg.scatter [tilespmem:s17], [sflag:$0x2], $0x80, v3, vm0, $0xb8;
	[tilespmem:$0x10100] =	vst v63  }
0x192: {  	s18 =	simm.s32 $0x7900  }
0x193: {  	[hbm4b:s7+s2] =	stream.indirect_vreg.scatter [tilespmem:s18], [sflag:$0x2], $0x80, v3, vm0, $0xb8;
	[tilespmem:$0x10100] =	vst v63  }
0x194: {  	_ =	swait.ge [sflag:s22], $0x8000  }
0x195: {  	[sflag:s22] =	ssyncset.done $0x0  }
0x196: {  	s16 =	rddreg [dreg:$0x10];
	[sflag:s22] =	ssyncadd.s32 $0xFFFF8000  }
0x197: {  	[tilespmem:s28], [sflag:$0x1] =	stream.linear.gather [hbm4b:s16+s2], $0x8000, $0x38;
	[tilespmem:$0x10100] =	vst v63  }
0x198: {  	s0 =	simm.s32 $0x80;
	s17 =	rddreg [dreg:$0x11]  }
0x199: {  	[tilespmem:s0], [sflag:$0x3] =	stream.linear.gather [hbm4b:s17+s2], $0x20, $0x38;
	[tilespmem:$0x10100] =	vst v63  }
0x19a: {  	_ =	swait.ge [sflag:s10], $0x20  }
0x19b: {  	[sflag:s10] =	ssyncset.done $0x0  }
0x19c: {  	[sflag:s10] =	ssyncadd.s32 $0xFFFFFFE0  }
0x19d: {  	_ =	swait.ge [sflag:s11], $0x8000  }
0x19e: {  	[sflag:s11] =	ssyncset.done $0x0  }
0x19f: {  	[sflag:s11] =	ssyncadd.s32 $0xFFFF8000  }
0x1a0: {  	v3 =	vld [tilespmem:$0x80];
	_ =	sdelay $0x4  }
0x1a1: {  	v62 =	vshll.u32 v3, $0x3  }
0x1a2: {  	v3 =	vand.u32 $0x7, v3;
	v4 =	vand.u32 $0xFFFFFFC0, v62  }
0x1a3: {  	v3 =	vor.u32 v3, v4  }
0x1a4: {  	v4 =	vperm.xlane v3, v0;
	_ =	sdelay $0x1  }
0x1a5: {  	v4 =	vadd.s32 v1, v4;
	_ =	sdelay $0x4  }
0x1a6: {  	[hbm4b:s4+s2] =	stream.indirect_vreg.scatter [tilespmem:s28], [sflag:$0x2], $0x80, v4, vm0, $0xb8;
	[tilespmem:$0x10100] =	vst v63  }
0x1a7: {  	s1 =	simm.s32 $0x8900;
	v3 =	vperm.xlane v3, v2  }
0x1a8: {  	[hbm4b:s5+s2] =	stream.indirect_vreg.scatter [tilespmem:s1], [sflag:$0x2], $0x80, v4, vm0, $0xb8;
	[tilespmem:$0x10100] =	vst v63  }
0x1a9: {  	s18 =	simm.s32 $0x9100;
	v3 =	vadd.s32 v1, v3  }
0x1aa: {  	[hbm4b:s6+s2] =	stream.indirect_vreg.scatter [tilespmem:s18], [sflag:$0x2], $0x80, v4, vm0, $0xb8;
	[tilespmem:$0x10100] =	vst v63  }
0x1ab: {  	s19 =	simm.s32 $0x9900  }
0x1ac: {  	[hbm4b:s7+s2] =	stream.indirect_vreg.scatter [tilespmem:s19], [sflag:$0x2], $0x80, v4, vm0, $0xb8;
	[tilespmem:$0x10100] =	vst v63  }
0x1ad: {  	s26 =	simm.s32 $0xA100  }
0x1ae: {  	[hbm4b:s4+s2] =	stream.indirect_vreg.scatter [tilespmem:s26], [sflag:$0x2], $0x80, v3, vm0, $0xb8;
	[tilespmem:$0x10100] =	vst v63  }
0x1af: {  	s29 =	simm.s32 $0xA900  }
0x1b0: {  	[hbm4b:s5+s2] =	stream.indirect_vreg.scatter [tilespmem:s29], [sflag:$0x2], $0x80, v3, vm0, $0xb8;
	[tilespmem:$0x10100] =	vst v63  }
0x1b1: {  	s30 =	simm.s32 $0xB100  }
0x1b2: {  	[hbm4b:s6+s2] =	stream.indirect_vreg.scatter [tilespmem:s30], [sflag:$0x2], $0x80, v3, vm0, $0xb8;
	[tilespmem:$0x10100] =	vst v63  }
0x1b3: {  	s20 =	simm.s32 $0xB900  }
0x1b4: {  	[hbm4b:s7+s2] =	stream.indirect_vreg.scatter [tilespmem:s20], [sflag:$0x2], $0x80, v3, vm0, $0xb8;
	[tilespmem:$0x10100] =	vst v63  }
0x1b5: {  	v3 =	vld [tilespmem:$0x90];
	_ =	sdelay $0x4  }
0x1b6: {  	v63 =	vshll.u32 v3, $0x3  }
0x1b7: {  	v3 =	vand.u32 $0x7, v3;
	v4 =	vand.u32 $0xFFFFFFC0, v63  }
0x1b8: {  	v3 =	vor.u32 v3, v4  }
0x1b9: {  	v4 =	vperm.xlane v3, v0;
	_ =	sdelay $0x1  }
0x1ba: {  	v4 =	vadd.s32 v1, v4;
	_ =	sdelay $0x3  }
0x1bb: {  	s23 =	simm.s32 $0xC100  }
0x1bc: {  	[hbm4b:s4+s2] =	stream.indirect_vreg.scatter [tilespmem:s23], [sflag:$0x2], $0x80, v4, vm0, $0xb8;
	[tilespmem:$0x10100] =	vst v63  }
0x1bd: {  	s24 =	simm.s32 $0xC900;
	v3 =	vperm.xlane v3, v2  }
0x1be: {  	[hbm4b:s5+s2] =	stream.indirect_vreg.scatter [tilespmem:s24], [sflag:$0x2], $0x80, v4, vm0, $0xb8;
	[tilespmem:$0x10100] =	vst v63  }
0x1bf: {  	s25 =	simm.s32 $0xD100;
	v3 =	vadd.s32 v1, v3  }
0x1c0: {  	[hbm4b:s6+s2] =	stream.indirect_vreg.scatter [tilespmem:s25], [sflag:$0x2], $0x80, v4, vm0, $0xb8;
	[tilespmem:$0x10100] =	vst v63  }
0x1c1: {  	s21 =	simm.s32 $0xD900  }
0x1c2: {  	[hbm4b:s7+s2] =	stream.indirect_vreg.scatter [tilespmem:s21], [sflag:$0x2], $0x80, v4, vm0, $0xb8;
	[tilespmem:$0x10100] =	vst v63  }
0x1c3: {  	s25 =	simm.s32 $0xE100  }
0x1c4: {  	[hbm4b:s4+s2] =	stream.indirect_vreg.scatter [tilespmem:s25], [sflag:$0x2], $0x80, v3, vm0, $0xb8;
	[tilespmem:$0x10100] =	vst v63  }
0x1c5: {  	s26 =	simm.s32 $0xE900  }
0x1c6: {  	[hbm4b:s5+s2] =	stream.indirect_vreg.scatter [tilespmem:s26], [sflag:$0x2], $0x80, v3, vm0, $0xb8;
	[tilespmem:$0x10100] =	vst v63  }
0x1c7: {  	s29 =	simm.s32 $0xF100  }
0x1c8: {  	[hbm4b:s6+s2] =	stream.indirect_vreg.scatter [tilespmem:s29], [sflag:$0x2], $0x80, v3, vm0, $0xb8;
	[tilespmem:$0x10100] =	vst v63  }
0x1c9: {  	s30 =	simm.s32 $0xF900  }
0x1ca: {  	[hbm4b:s7+s2] =	stream.indirect_vreg.scatter [tilespmem:s30], [sflag:$0x2], $0x80, v3, vm0, $0xb8;
	[tilespmem:$0x10100] =	vst v63  }
0x1cb: {  	p0 =	sne.s32 s8, $0x1;
	_ =	swait.ge [sflag:s22], $0x8000  }
.Ltmp0:
0x1cc: {  	[sflag:s22] =	ssyncset.done $0x0;
	(pc) =	sbr.rel @p0 .LBB2_1-.Ltmp0, $4  }
0x1cd: {  	[sflag:s22] =	ssyncadd.s32 $0xFFFF8000  }
0x1ce: {  	_ =	swait.ge [sflag:s22], $0x8000  }
0x1cf: {  	[sflag:s22] =	ssyncset.done $0x0  }
0x1d0: {  	s8 =	sadd.s32 $0xFFFFFFFF, s8;
	[sflag:s22] =	ssyncadd.s32 $0xFFFF8000  }
0x1d1: {  	_ =	sfence.sel $0x180000  }
0x1d2: {  	[bflag:$0x0] =	sbarrier.arrive $0xFFFF  }
0x1d3: {  	_ =	strace $0x90000047  }
0x1d4: {  	s0 =	stileid.u32;
	[bflag:$0x2] =	sbarrier.arrive $0xFFFF  }
0x1d5: {  	p0 =	sne.s32 s0, $0x0;
	s0 =	rddreg [dreg:$0x2]  }
0x1d6: {  	s0 =	sadd.s32 @!p0 $0x100000, s0  }
0x1d7: {  	[sflag:s0] =	ssyncadd.tile.s32 @!p0 $0x1;
	_ =	shalt  }
.Lfunc_end2:
_tile_overlayer_lowered:
.L_overlay_start_2:
0x1d8: {  	(tag) =	ssettag $0x2  }
0x1d9: {  	s0 =	rddreg [dreg:$0x0];
	s2 =	stileid.u32  }
0x1da: {  	s1 =	rddreg [dreg:$0x1];
	p0 =	sne.s32 s2, $0x0  }
0x1db: {  	s3 =	rddreg [dreg:$0x2];
	[bflag:$0x3] =	sbarrier.arrive $0xFFFF;
	s2 =	simm.s32 @!p0 $0x1C03  }
0x1dc: {  	[timem:s3], [sflag:s2] =	dma.local @!p0 [hbm:s0], s1  }
0x1dd: {  	s0 =	simm.s32 @!p0 $0x3  }
0x1de: {  	_ =	swait.ge @!p0 [sflag:s0], s1  }
0x1df: {  	s1 =	ssub.s32 @!p0 $0x0, s1;
	[sflag:s0] =	ssyncset.done @!p0 $0x0  }
0x1e0: {  	[sflag:s0] =	ssyncadd.s32 @!p0 s1  }
0x1e1: {  	[bflag:$0x3] =	sbarrier.arrive $0xFFFF  }
0x1e2: {  	_ =	shalt  }

// kernel: kernel.9.cloned.1.call-start
scs
__scs_entry_jumppad:
0x0: {  	(pc) =	sbr.rel $0x88, $3  }
0x1: {  	(tag) =	ssettag $0x0;
	lr =	simm.s32 $0x1  }
0x2: {  	[smem:$0x3F95] =	sst lr;
	_ =	strace $0xD0000000  }
0x3: {  	_ = 	snop  }
0x4: {  	_ = 	snop  }
0x5: {  	_ = 	snop  }
0x6: {  	_ = 	snop  }
0x7: {  	_ = 	snop  }
__scs_overlays_trampoline_lowered:
0x8: {  	[smem:$0x3FA4] =	sst s0  }
0x9: {  	[smem:$0x3FA5] =	sst s1  }
0xa: {  	[smem:$0x3FA6] =	sst s2  }
0xb: {  	[smem:$0x3FA7] =	sst s3  }
0xc: {  	[smem:$0x3FA8] =	sst s4  }
0xd: {  	[smem:$0x3FA9] =	sst s5  }
0xe: {  	[smem:$0x3FAA] =	sst s6  }
0xf: {  	[smem:$0x3FAB] =	sst s7  }
0x10: {  	[smem:$0x3FAC] =	sst s8  }
0x11: {  	[smem:$0x3FAD] =	sst s9;
	s0 =	simm.s32 @!p0 $0x0  }
0x12: {  	s1 =	sld [smem:$0x3F93];
	s0 =	simm.s32 @p0 $0x1  }
0x13: {  	[smem:$0x3FAE] =	sst s0;
	s0 =	simm.s32 @!p1 $0x0  }
0x14: {  	s2 =	sld [smem:$0x3F92];
	s0 =	simm.s32 @p1 $0x1  }
0x15: {  	[smem:$0x3FAF] =	sst s0;
	s0 =	simm.s32 @!p2 $0x0  }
0x16: {  	s3 =	sld [smem:$0x3FDB];
	s0 =	simm.s32 @p2 $0x1  }
0x17: {  	s4 =	simm.s32 $0x1BF5;
	[smem:$0x3FB1] =	sst s0  }
0x18: {  	s0 =	sld [smem:$0x3F94];
	_ =	swait.ge [sflag:s4], $0x0  }
0x19: {  	s7 =	sld [smem:$0x3F95]  }
0x1a: {  	s8 =	sadd.s32 $0xFFFFE003, lr  }
0x1b: {  	s9 =	sadd.s32 $0xFFFFFEF7, lr;
	s5 =	simm.s32 $0xFFFFFFFF;
	p2 =	slt.u32 s8, $0xFFFFF086  }
0x1c: {  	p1 =	slt.u32 s9, $0xF7A;
	s5 =	simm.s32 @!p2 $0x0  }
0x1d: {  	s5 =	simm.s32 @p1 $0x1;
	p0 =	seq.s32 s7, s2  }
0x1e: {  	s7 =	smul.u32 @!p0 $0xF7A, s2;
	p2 =	seq.s32 @!p0 s5, $0x0  }
0x1f: {  	s9 =	smul.u32 $0xF7A, s1;
	s8 =	simm.s32 @!p0 $0x1BF5;
	p2 =	por !p2, p0  }
0x20: {  	[sflag:s8] =	ssyncset.s32 @!p0 $0xFFFFF086;
	s6 =	sadd.s32 @!p0 s3, s7;
	s7 =	simm.s32 @!p0 $0x108  }
0x21: {  	s3 =	sadd.s32 s3, s9;
	s6 =	sadd.s32 @!p0 $0x88, s6;
	s7 =	simm.s32 @p2 $0x1082  }
0x22: {  	[simem:s7], [sflag:s8] =	dma.local @!p0 [hbm:s6], $0xF7A  }
0x23: {  	s9 =	sor.u32 $0xD0000000, s2;
	s6 =	simm.s32 $0x108;
	_ =	swait.ge @!p0 [sflag:s8], $0x0  }
0x24: {  	s3 =	sadd.s32 $0x88, s3;
	s6 =	simm.s32 @!p1 $0x1082;
	[sflag:s4] =	ssyncset.s32 $0xFFFFF086  }
0x25: {  	[simem:s6], [sflag:s4] =	dma.local [hbm:s3], $0xF7A  }
0x26: {  	[smem:$0x3F95] =	sst s1;
	(tag) =	ssettag s2;
	_ =	strace s9  }
0x27: {  	s1 =	sld [smem:$0x3FA5]  }
0x28: {  	s2 =	sld [smem:$0x3FA6]  }
0x29: {  	s4 =	sld [smem:$0x3FA8]  }
0x2a: {  	p0 =	seq.s32 s5, $0x0;
	s5 =	sld [smem:$0x3FA9]  }
0x2b: {  	s6 =	sld [smem:$0x3FAA]  }
0x2c: {  	s7 =	sld [smem:$0x3FAB]  }
0x2d: {  	s3 =	simm.s32 $0x108;
	s8 =	sld [smem:$0x3FAC]  }
0x2e: {  	s3 =	simm.s32 @!p0 $0x1082;
	s9 =	sld [smem:$0x3FAD]  }
0x2f: {  	lr =	sadd.s32 s0, s3;
	s0 =	sld [smem:$0x3FA4]  }
0x30: {  	s3 =	sld [smem:$0x3FA7]  }
0x31: {  	[smem:$0x3FB0] =	sst s10  }
0x32: {  	s10 =	sld [smem:$0x3FAE];
	_ =	sdelay $0x3  }
0x33: {  	p0 =	seq.s32 s10, $0x1;
	s10 =	sld [smem:$0x3FB0];
	_ =	sdelay $0x3  }
0x34: {  	[smem:$0x3FB0] =	sst s10  }
0x35: {  	s10 =	sld [smem:$0x3FAF];
	_ =	sdelay $0x3  }
0x36: {  	p1 =	seq.s32 s10, $0x1;
	s10 =	sld [smem:$0x3FB0];
	_ =	sdelay $0x3  }
0x37: {  	[smem:$0x3FB0] =	sst s10  }
0x38: {  	s10 =	sld [smem:$0x3FB1]  }
0x39: {  	_ = 	snop;
	(pc) =	sbr.ind lr, $3  }
0x3a: {  	_ = 	snop  }
0x3b: {  	_ = 	snop  }
0x3c: {  	p2 =	seq.s32 s10, $0x1;
	s10 =	sld [smem:$0x3FB0]  }
0x3d: {  	_ =	shalt  }
0x3e: {  	_ =	shalt  }
0x3f: {  	_ =	shalt  }
0x40: {  	_ =	shalt  }
0x41: {  	_ =	shalt  }
0x42: {  	_ =	shalt  }
0x43: {  	_ =	shalt  }
0x44: {  	_ =	shalt  }
0x45: {  	_ =	shalt  }
0x46: {  	_ =	shalt  }
0x47: {  	_ =	shalt  }
0x48: {  	_ =	shalt  }
0x49: {  	_ =	shalt  }
0x4a: {  	_ =	shalt  }
0x4b: {  	_ =	shalt  }
0x4c: {  	_ =	shalt  }
0x4d: {  	_ =	shalt  }
0x4e: {  	_ =	shalt  }
0x4f: {  	_ =	shalt  }
0x50: {  	_ =	shalt  }
0x51: {  	_ =	shalt  }
0x52: {  	_ =	shalt  }
0x53: {  	_ =	shalt  }
0x54: {  	_ =	shalt  }
0x55: {  	_ =	shalt  }
0x56: {  	_ =	shalt  }
0x57: {  	_ =	shalt  }
0x58: {  	_ =	shalt  }
0x59: {  	_ =	shalt  }
0x5a: {  	_ =	shalt  }
0x5b: {  	_ =	shalt  }
0x5c: {  	_ =	shalt  }
0x5d: {  	_ =	shalt  }
0x5e: {  	_ =	shalt  }
0x5f: {  	_ =	shalt  }
0x60: {  	_ =	shalt  }
0x61: {  	_ =	shalt  }
0x62: {  	_ =	shalt  }
0x63: {  	_ =	shalt  }
0x64: {  	_ =	shalt  }
0x65: {  	_ =	shalt  }
0x66: {  	_ =	shalt  }
0x67: {  	_ =	shalt  }
0x68: {  	_ =	shalt  }
0x69: {  	_ =	shalt  }
0x6a: {  	_ =	shalt  }
0x6b: {  	_ =	shalt  }
0x6c: {  	_ =	shalt  }
0x6d: {  	_ =	shalt  }
0x6e: {  	_ =	shalt  }
0x6f: {  	_ =	shalt  }
0x70: {  	_ =	shalt  }
0x71: {  	_ =	shalt  }
0x72: {  	_ =	shalt  }
0x73: {  	_ =	shalt  }
0x74: {  	_ =	shalt  }
0x75: {  	_ =	shalt  }
0x76: {  	_ =	shalt  }
0x77: {  	_ =	shalt  }
0x78: {  	_ =	shalt  }
0x79: {  	_ =	shalt  }
0x7a: {  	_ =	shalt  }
0x7b: {  	_ =	shalt  }
0x7c: {  	_ =	shalt  }
0x7d: {  	_ =	shalt  }
0x7e: {  	_ =	shalt  }
0x7f: {  	_ =	shalt  }
0x80: {  	_ =	shalt  }
0x81: {  	_ =	shalt  }
0x82: {  	_ =	shalt  }
0x83: {  	_ =	shalt  }
0x84: {  	_ =	shalt  }
0x85: {  	_ =	shalt  }
0x86: {  	_ =	shalt  }
0x87: {  	_ =	shalt  }
.Lfunc_end0:
.L_simem_size_0:
called_computation.1_lowered:
.L_overlay_start_0:
0x88: {  	s2 =	sld [smem:$0x3FD9]  }
0x89: {  	s3 =	sld [smem:$0x3FFE];
	_ =	sdelay $0x1  }
0x8a: {  	s1 =	srdreg.scid  }
0x8b: {  	s0 =	sand.u32 $0x1, s1  }
0x8c: {  	s17 =	sshll.u32 s0, $0xA;
	s2 =	sadd.s32 s3, s2  }
0x8d: {  	s2 =	sadd.s32 s2, s17  }
0x8e: {  	[smem:$0x3FBC] =	sst s2  }
0x8f: {  	_ = 	snop  }
0x90: {  	s2 =	sld [smem:$0x3FD0];
	(tm) =	ssettm $0x1  }
0x91: {  	s18 =	sld [smem:$0x3FFB];
	_ =	sdelay $0x3  }
0x92: {  	_ =	strace s18  }
0x93: {  	s3 =	sld [smem:$0x3FFC];
	_ =	sdelay $0x3  }
0x94: {  	_ =	strace s3  }
0x95: {  	s3 =	sld [smem:$0x3FFD];
	_ =	sdelay $0x3  }
0x96: {  	_ =	strace s3  }
0x97: {  	_ =	strace $0x8FFFFFFF  }
0x98: {  	s19 =	sld [smem:$0x3FDB];
	_ =	sdelay $0x1  }
0x99: {  	s4 =	simm.s32 $_scs_section_size  }
0x9a: {  	s5 =	simm.s32 $_size__tile_overlayer_lowered;
	s6 =	simm.s32 $_tile_overlayer_lowered  }
0x9b: {  	s22 =	simm.s32 $0x1BFF;
	s21 =	sshll.u32 s6, $0x1;
	s3 =	sadd.s32 s4, s19  }
0x9c: {  	s7 =	simm.s32 $0x0;
	s20 =	sshll.u32 s5, $0x1;
	s5 =	sadd.s32 s21, s3  }
0x9d: {  	[timem:s7], [sflag:s22] =	dma.local [hbm:s5], s20  }
0x9e: {  	_ =	swait.ge [sflag:s22], s20  }
0x9f: {  	s4 =	ssub.s32 $0x0, s20;
	[sflag:s22] =	ssyncset.done $0x0  }
0xa0: {  	[sflag:s22] =	ssyncadd.s32 s4;
	_ =	sdelay $0x1  }
0xa1: {  	s23 =	simm.s32 $0x1B8B  }
0xa2: {  	_ =	swait.ge [sflag:s23], $0x1  }
0xa3: {  	[sflag:s23] =	ssyncset.done $0x0  }
0xa4: {  	s25 =	simm.s32 $0x1B8E;
	s24 =	sld [smem:$0x3FFE];
	[sflag:s23] =	ssyncadd.s32 $0xFFFFFFFF  }
0xa5: {  	s26 =	simm.s32 $execute0_lowered;
	[smem:$0x3FD2] =	sst s25  }
0xa6: {  	s5 =	sshll.u32 s26, $0x1;
	_ =	strace $0x80000049;
	[dreg:$0x1] =	wrdreg $0xFFFFFFFF  }
0xa7: {  	s28 =	simm.s32 $_size_execute0_lowered;
	s3 =	sadd.s32 s3, s5;
	[dreg:$0x0] =	wrdreg $0x0  }
0xa8: {  	s5 =	sshll.u32 s28, $0x1;
	[dreg:$0x2] =	wrdreg s3  }
0xa9: {  	[dreg:$0x3] =	wrdreg s5  }
0xaa: {  	[dreg:$0x4] =	wrdreg $0xC0  }
0xab: {  	_ =	task [dreg:s7], $0x5FFFF  }
0xac: {  	[dreg:$0x1] =	wrdreg $0xFFFFFFFF  }
0xad: {  	[dreg:$0x0] =	wrdreg $0x60  }
0xae: {  	[dreg:$0x2] =	wrdreg s24  }
0xaf: {  	[dreg:$0x3] =	wrdreg s2  }
0xb0: {  	[dreg:$0x4] =	wrdreg $0x9  }
0xb1: {  	_ =	task.clear_ibuf [dreg:s7], $0x5FFFF;
	_ =	strace $0x90000049  }
0xb2: {  	s29 =	simm.s32 $0x9;
	_ =	strace $0x8000004B  }
0xb3: {  	_ =	swait.ge [sflag:s29], $0x1  }
0xb4: {  	[sflag:s29] =	ssyncadd.s32 $0xFFFFFFFF  }
0xb5: {  	_ =	strace $0x9000004B  }
0xb6: {  	_ =	sfence  }
0xb7: {  	s30 =	sld [smem:$0x0];
	_ =	sdelay $0x2  }
0xb8: {  	s31 =	sshll.u32 s1, $0xD;
	s1 =	sshrl.u32 s1, $0x2  }
0xb9: {  	s3 =	sand.u32 $0x4000, s31;
	s1 =	sadd.s32 s1, s30  }
0xba: {  	s0 =	sor.u32 s3, s0;
	s1 =	sshll.u32 s1, $0x11  }
0xbb: {  	s0 =	sor.u32 s1, s0  }
0xbc: {  	s0 =	sadd.s32 $0x8F2B, s0  }
0xbd: {  	[sflag:s0] =	ssyncadd.remote.s32 $0x1  }
0xbe: {  	_ =	sfence.sel $0xFFFF  }
0xbf: {  	[dreg:$0x0] =	wrdreg $0xFFFFFFFF;
	(pc) =	sbr.abs _section_cstart, $3  }
0xc0: {  	[dreg:$0x1] =	wrdreg $0xFFFFFFFF  }
0xc1: {  	_ =	task.clear_ibuf [dreg:s7], $0x2FFFF;
	_ =	strace $0x9FFFFFFF  }
0xc2: {  	(tm) =	ssettm $0x7FFFFFFF  }
0xc3: {  	_ =	shalt  }
tec
execute0_lowered:
.L_overlay_start_1:
0x0: {  	(tag) =	ssettag $0x1  }
0x1: {  	s6 =	rddreg [dreg:$0x0]  }
0x2: {  	s1 =	rddreg [dreg:$0x1]  }
0x3: {  	s0 =	rddreg [dreg:$0x2]  }
0x4: {  	s3 =	simm.s32 $0x0;
	s4 =	srdreg.scid;
	s2 =	stileid.u32  }
0x5: {  	s13 =	simm.s32 $0x2;
	s14 =	simm.s32 $0x80;
	s15 =	simm.s32 $0x100  }
0x6: {  	s16 =	simm.s32 $0x180;
	s17 =	simm.s32 $0x400;
	s18 =	simm.s32 $0x200  }
0x7: {  	s19 =	simm.s32 $0x280;
	s20 =	simm.s32 $0x300;
	s21 =	simm.s32 $0x380  }
0x8: {  	s22 =	simm.s32 $0x1;
	s23 =	simm.s32 $0x480;
	s4 =	sand.u32 $0x1, s4  }
0x9: {  	[smem:$0x7FF] =	sst s3;
	s5 =	sshll.u32 s2, $0x5;
	s7 =	sshll.u32 s4, $0x4  }
0xa: {  	_ =	strace $0x8000004A;
	s8 =	ssub.s32 $0x2, s4;
	s7 =	sor.u32 s7, s5  }
0xb: {  	s4 =	sadd.s32 $0x2A00, s6;
	s9 =	sshrl.u32 s8, $0x1;
	s11 =	sadd.s32 s7, s6  }
0xc: {  	s5 =	sadd.s32 $0x3000, s6;
	s12 =	ssub.s32 s8, s9;
	s6 =	sadd.s32 $0x82A00, s11  }
0xd: {  	s7 =	sadd.s32 $0x82C00, s11;
	s8 =	sadd.s32 $0x82E00, s11;
	s9 =	sadd.s32 $0x83000, s11  }
0xe: {  	s10 =	sadd.s32 $0x3600, s11;
	s11 =	sadd.s32 $0x3800, s11;
	s12 =	smax.u32 s12, $0x1  }
.LBB2_1:
0xf: {  	[tilespmem:s3], [sflag:$0x2] =	stream.linear.gather [hbm4b:s6+s3], $0x80, $0x38;
	[tilespmem:$0x500] =	vst v63  }
0x10: {  	_ =	swait.ge [sflag:s13], $0x80  }
0x11: {  	[sflag:s13] =	ssyncset.done $0x0  }
0x12: {  	[sflag:s13] =	ssyncadd.s32 $0xFFFFFF80  }
0x13: {  	[tilespmem:s14], [sflag:$0x2] =	stream.linear.gather [hbm4b:s7+s3], $0x80, $0x38;
	[tilespmem:$0x500] =	vst v63  }
0x14: {  	_ =	swait.ge [sflag:s13], $0x80  }
0x15: {  	[sflag:s13] =	ssyncset.done $0x0  }
0x16: {  	[sflag:s13] =	ssyncadd.s32 $0xFFFFFF80  }
0x17: {  	[tilespmem:s15], [sflag:$0x2] =	stream.linear.gather [hbm4b:s8+s3], $0x80, $0x38;
	[tilespmem:$0x500] =	vst v63  }
0x18: {  	_ =	swait.ge [sflag:s13], $0x80  }
0x19: {  	[sflag:s13] =	ssyncset.done $0x0  }
0x1a: {  	[sflag:s13] =	ssyncadd.s32 $0xFFFFFF80  }
0x1b: {  	[tilespmem:s16], [sflag:$0x2] =	stream.linear.gather [hbm4b:s9+s3], $0x80, $0x38;
	[tilespmem:$0x500] =	vst v63  }
0x1c: {  	_ =	swait.ge [sflag:s13], $0x80  }
0x1d: {  	[sflag:s13] =	ssyncset.done $0x0  }
0x1e: {  	[sflag:s13] =	ssyncadd.s32 $0xFFFFFF80  }
0x1f: {  	[tilespmem:s17], [sflag:$0x2] =	stream.linear.gather [hbm4b:s1+s3], $0x80, $0x38;
	[tilespmem:$0x500] =	vst v63  }
0x20: {  	_ =	swait.ge [sflag:s13], $0x80  }
0x21: {  	[sflag:s13] =	ssyncset.done $0x0  }
0x22: {  	[sflag:s13] =	ssyncadd.s32 $0xFFFFFF80  }
0x23: {  	v0 =	vld [tilespmem:$0x400];
	_ =	sdelay $0x4  }
0x24: {  	v0 =	vmax.f32 v0, $9.999999970e-07  }
0x25: {  	(erf) = vrcp.f32 v0;
	_ =	sdelay $0x2  }
0x26: {  	[tilespmem:s18], [sflag:$0x1] =	stream.indirect.gather [hbm4b:s4+s14], $0x1, s15, s14, $0xb8;
	[tilespmem:$0x500] =	vst v63  }
0x27: {  	_ = 	snop  }
0x28: {  	[tilespmem:s19], [sflag:$0x1] =	stream.indirect.gather [hbm4b:s5+s14], $0x1, s15, s14, $0xb8;
	[tilespmem:$0x500] =	vst v63  }
0x29: {  	_ = 	snop  }
0x2a: {  	[tilespmem:s20], [sflag:$0x1] =	stream.indirect.gather [hbm4b:s4+s14], $0x1, s16, s14, $0xb8;
	[tilespmem:$0x500] =	vst v63  }
0x2b: {  	_ = 	snop  }
0x2c: {  	[tilespmem:s21], [sflag:$0x1] =	stream.indirect.gather [hbm4b:s5+s14], $0x1, s16, s14, $0xb8;
	v0 =	vpop (erf);
	[tilespmem:$0x500] =	vst v63  }
0x2d: {  	_ =	swait.ge [sflag:s22], $0x80  }
0x2e: {  	[sflag:s22] =	ssyncset.done $0x0  }
0x2f: {  	[sflag:s22] =	ssyncadd.s32 $0xFFFFFF80  }
0x30: {  	_ =	swait.ge [sflag:s22], $0x80  }
0x31: {  	[sflag:s22] =	ssyncset.done $0x0  }
0x32: {  	[sflag:s22] =	ssyncadd.s32 $0xFFFFFF80  }
0x33: {  	_ =	swait.ge [sflag:s22], $0x80  }
0x34: {  	[sflag:s22] =	ssyncset.done $0x0  }
0x35: {  	[sflag:s22] =	ssyncadd.s32 $0xFFFFFF80  }
0x36: {  	_ =	swait.ge [sflag:s22], $0x80  }
0x37: {  	[sflag:s22] =	ssyncset.done $0x0  }
0x38: {  	[sflag:s22] =	ssyncadd.s32 $0xFFFFFF80  }
0x39: {  	v1 =	vld [tilespmem:$0x0]  }
0x3a: {  	v2 =	vld [tilespmem:$0x200]  }
0x3b: {  	v3 =	vld [tilespmem:$0x80]  }
0x3c: {  	v4 =	vld [tilespmem:$0x300]  }
0x3d: {  	v5 =	vld [tilespmem:$0x10]  }
0x3e: {  	v6 =	vld [tilespmem:$0x210]  }
0x3f: {  	v7 =	vld [tilespmem:$0x90]  }
0x40: {  	v8 =	vld [tilespmem:$0x310]  }
0x41: {  	v9 =	vld [tilespmem:$0x20]  }
0x42: {  	v10 =	vld [tilespmem:$0x220]  }
0x43: {  	v11 =	vld [tilespmem:$0xA0]  }
0x44: {  	v12 =	vld [tilespmem:$0x320]  }
0x45: {  	v13 =	vld [tilespmem:$0x30]  }
0x46: {  	v14 =	vld [tilespmem:$0x230]  }
0x47: {  	v15 =	vld [tilespmem:$0xB0]  }
0x48: {  	v16 =	vld [tilespmem:$0x330]  }
0x49: {  	v17 =	vld [tilespmem:$0x40]  }
0x4a: {  	v18 =	vld [tilespmem:$0x240]  }
0x4b: {  	v19 =	vld [tilespmem:$0xC0]  }
0x4c: {  	v20 =	vld [tilespmem:$0x340]  }
0x4d: {  	v21 =	vld [tilespmem:$0x50]  }
0x4e: {  	v22 =	vld [tilespmem:$0x250]  }
0x4f: {  	v25 =	vld [tilespmem:$0x60]  }
0x50: {  	v63 =	vld [tilespmem:$0x260]  }
0x51: {  	v28 =	vld [tilespmem:$0xE0]  }
0x52: {  	v31 =	vld [tilespmem:$0x360]  }
0x53: {  	v34 =	vld [tilespmem:$0x70]  }
0x54: {  	v36 =	vld [tilespmem:$0x270];
	v1 =	vmul.f32 v2, v1;
	v62 =	vmul.f32 v4, v3  }
0x55: {  	v39 =	vld [tilespmem:$0xF0];
	v26 =	vmul.f32 v6, v5;
	v27 =	vmul.f32 v8, v7  }
0x56: {  	v40 =	vld [tilespmem:$0x370];
	v29 =	vmul.f32 v10, v9;
	v30 =	vmul.f32 v12, v11  }
0x57: {  	v23 =	vld [tilespmem:$0xD0];
	v32 =	vmul.f32 v14, v13;
	v33 =	vmul.f32 v16, v15  }
0x58: {  	v24 =	vld [tilespmem:$0x350];
	v41 =	vmul.f32 v18, v17;
	v42 =	vmul.f32 v20, v19;
	v1 =	vadd.f32 v62, v1  }
0x59: {  	v3 =	vmul.f32 v63, v25;
	v6 =	vmul.f32 v31, v28;
	v35 =	vadd.f32 v27, v26  }
0x5a: {  	v4 =	vmul.f32 v36, v34;
	v37 =	vadd.f32 v30, v29;
	v1 =	vmul.f32 v1, v0  }
0x5b: {  	v8 =	vmul.f32 v40, v39;
	v38 =	vadd.f32 v33, v32;
	v2 =	vmul.f32 v35, v0  }
0x5c: {  	v43 =	vmul.f32 v22, v21;
	v3 =	vadd.f32 v6, v3;
	v5 =	vmul.f32 v37, v0;
	[tilespmem:$0x480] =	vst v1  }
0x5d: {  	v44 =	vmul.f32 v24, v23;
	v4 =	vadd.f32 v8, v4;
	v7 =	vmul.f32 v38, v0;
	[tilespmem:$0x490] =	vst v2  }
0x5e: {  	v45 =	vadd.f32 v42, v41;
	v47 =	vmul.f32 v3, v0;
	[tilespmem:$0x4A0] =	vst v5  }
0x5f: {  	v46 =	vadd.f32 v44, v43;
	v48 =	vmul.f32 v4, v0;
	[tilespmem:$0x4B0] =	vst v7  }
0x60: {  	v1 =	vmul.f32 v45, v0;
	[tilespmem:$0x4E0] =	vst v47  }
0x61: {  	v2 =	vmul.f32 v46, v0;
	[tilespmem:$0x4F0] =	vst v48  }
0x62: {  	[tilespmem:$0x4C0] =	vst v1  }
0x63: {  	[tilespmem:$0x4D0] =	vst v2  }
0x64: {  	[hbm4b:s10+s3] =	stream.linear.scatter [tilespmem:s23], [sflag:$0x2], $0x80, $0x38;
	[tilespmem:$0x500] =	vst v63  }
0x65: {  	_ =	swait.ge [sflag:s13], $0x80  }
0x66: {  	[sflag:s13] =	ssyncset.done $0x0  }
0x67: {  	[sflag:s13] =	ssyncadd.s32 $0xFFFFFF80  }
0x68: {  	v49 =	vld [tilespmem:$0x0]  }
0x69: {  	v50 =	vld [tilespmem:$0x280]  }
0x6a: {  	v51 =	vld [tilespmem:$0x80]  }
0x6b: {  	v52 =	vld [tilespmem:$0x380]  }
0x6c: {  	v53 =	vld [tilespmem:$0x10]  }
0x6d: {  	v54 =	vld [tilespmem:$0x290]  }
0x6e: {  	v55 =	vld [tilespmem:$0x90]  }
0x6f: {  	v56 =	vld [tilespmem:$0x390]  }
0x70: {  	v57 =	vld [tilespmem:$0x20]  }
0x71: {  	v58 =	vld [tilespmem:$0x2A0]  }
0x72: {  	v59 =	vld [tilespmem:$0xA0]  }
0x73: {  	v60 =	vld [tilespmem:$0x3A0]  }
0x74: {  	v61 =	vld [tilespmem:$0x30]  }
0x75: {  	v62 =	vld [tilespmem:$0x2B0]  }
0x76: {  	v63 =	vld [tilespmem:$0xB0]  }
0x77: {  	v30 =	vld [tilespmem:$0x3B0]  }
0x78: {  	v31 =	vld [tilespmem:$0x40]  }
0x79: {  	v32 =	vld [tilespmem:$0x2C0]  }
0x7a: {  	v33 =	vld [tilespmem:$0xC0]  }
0x7b: {  	v34 =	vld [tilespmem:$0x3C0]  }
0x7c: {  	v35 =	vld [tilespmem:$0x50]  }
0x7d: {  	v36 =	vld [tilespmem:$0x2D0]  }
0x7e: {  	v37 =	vld [tilespmem:$0xD0]  }
0x7f: {  	v38 =	vld [tilespmem:$0x3D0]  }
0x80: {  	v39 =	vld [tilespmem:$0x60]  }
0x81: {  	v26 =	vld [tilespmem:$0x2E0]  }
0x82: {  	v27 =	vld [tilespmem:$0xE0]  }
0x83: {  	v41 =	vld [tilespmem:$0x3E0];
	v1 =	vmul.f32 v50, v49;
	v40 =	vmul.f32 v52, v51  }
0x84: {  	v44 =	vld [tilespmem:$0x70];
	v42 =	vmul.f32 v54, v53;
	v43 =	vmul.f32 v56, v55  }
0x85: {  	v47 =	vld [tilespmem:$0x2F0];
	v45 =	vmul.f32 v58, v57;
	v46 =	vmul.f32 v60, v59  }
0x86: {  	v48 =	vmul.f32 v62, v61;
	v49 =	vmul.f32 v30, v63;
	v50 =	vld [tilespmem:$0xF0]  }
0x87: {  	v51 =	vmul.f32 v32, v31;
	v52 =	vmul.f32 v34, v33;
	v53 =	vld [tilespmem:$0x3F0];
	v1 =	vadd.f32 v40, v1  }
0x88: {  	v54 =	vmul.f32 v36, v35;
	v56 =	vmul.f32 v26, v39;
	v4 =	vadd.f32 v43, v42  }
0x89: {  	v3 =	vmul.f32 v41, v27;
	v7 =	vadd.f32 v46, v45;
	v1 =	vmul.f32 v1, v0  }
0x8a: {  	v55 =	vmul.f32 v38, v37;
	v10 =	vadd.f32 v49, v48;
	v4 =	vmul.f32 v4, v0  }
0x8b: {  	v58 =	vmul.f32 v47, v44;
	v3 =	vadd.f32 v3, v56;
	v59 =	vmul.f32 v7, v0;
	[tilespmem:$0x480] =	vst v1  }
0x8c: {  	v57 =	vadd.f32 v52, v51;
	v62 =	vmul.f32 v10, v0;
	v61 =	vmul.f32 v53, v50;
	[tilespmem:$0x490] =	vst v4  }
0x8d: {  	v60 =	vadd.f32 v55, v54;
	v63 =	vmul.f32 v3, v0;
	[tilespmem:$0x4A0] =	vst v59  }
0x8e: {  	v1 =	vmul.f32 v57, v0;
	[tilespmem:$0x4B0] =	vst v62;
	v2 =	vadd.f32 v61, v58  }
0x8f: {  	v4 =	vmul.f32 v60, v0;
	[tilespmem:$0x4E0] =	vst v63  }
0x90: {  	[tilespmem:$0x4C0] =	vst v1;
	v0 =	vmul.f32 v2, v0  }
0x91: {  	p0 =	sne.s32 s12, $0x1;
	[tilespmem:$0x4D0] =	vst v4  }
.Ltmp0:
0x92: {  	[tilespmem:$0x4F0] =	vst v0;
	(pc) =	sbr.rel @p0 .LBB2_1-.Ltmp0, $4  }
0x93: {  	[hbm4b:s11+s3] =	stream.linear.scatter [tilespmem:s23], [sflag:$0x2], $0x80, $0x38;
	[tilespmem:$0x500] =	vst v63  }
0x94: {  	_ =	swait.ge [sflag:s13], $0x80  }
0x95: {  	[sflag:s13] =	ssyncset.done $0x0  }
0x96: {  	s12 =	sadd.s32 $0xFFFFFFFF, s12;
	[sflag:s13] =	ssyncadd.s32 $0xFFFFFF80  }
0x97: {  	_ =	sfence.sel $0x180000  }
0x98: {  	[bflag:$0x0] =	sbarrier.arrive $0xFFFF  }
0x99: {  	p0 =	sne.s32 s2, $0x0;
	_ =	strace $0x9000004A  }
0x9a: {  	s0 =	sadd.s32 @!p0 $0x100000, s0;
	[bflag:$0x2] =	sbarrier.arrive $0xFFFF  }
0x9b: {  	[sflag:s0] =	ssyncadd.tile.s32 @!p0 $0x1;
	_ =	shalt  }
.Lfunc_end2:
_tile_overlayer_lowered:
.L_overlay_start_2:
0x9c: {  	(tag) =	ssettag $0x2  }
0x9d: {  	s0 =	rddreg [dreg:$0x0];
	s2 =	stileid.u32  }
0x9e: {  	s1 =	rddreg [dreg:$0x1];
	p0 =	sne.s32 s2, $0x0  }
0x9f: {  	s3 =	rddreg [dreg:$0x2];
	[bflag:$0x3] =	sbarrier.arrive $0xFFFF;
	s2 =	simm.s32 @!p0 $0x1C02  }
0xa0: {  	[timem:s3], [sflag:s2] =	dma.local @!p0 [hbm:s0], s1  }
0xa1: {  	s0 =	simm.s32 @!p0 $0x2  }
0xa2: {  	_ =	swait.ge @!p0 [sflag:s0], s1  }
0xa3: {  	s1 =	ssub.s32 @!p0 $0x0, s1;
	[sflag:s0] =	ssyncset.done @!p0 $0x0  }
0xa4: {  	[sflag:s0] =	ssyncadd.s32 @!p0 s1  }
0xa5: {  	[bflag:$0x3] =	sbarrier.arrive $0xFFFF  }
0xa6: {  	_ =	shalt  }

</sc_bundles>
